<compile_context>
chip_gen: v7x
topology: tpu7x:2x2x1
jax: 0.10.2.dev20260603
libtpu: 0.0.44.dev20260713+nightly
codegen_flags: <defaults>
</compile_context>

<pallas_src>
import functools

import jax
import jax.numpy as jnp
from jax import lax
from jax.experimental import pallas as pl
from jax.experimental.pallas import tpu as pltpu
from jax.experimental.pallas import tpu_sc as plsc

N_NODES = 100000
N_EDGES = 3200000

NPAD = 100352
ROWS8 = NPAD // 8
NC, NS = 2, 16
NW = NC * NS
EPT = 102400
EPAD = EPT * NW
IDX_ROWS = EPAD // 128
TROWS = EPT // 128
KG = 8
GROUPS = TROWS // KG
KD = 16
DGROUPS = TROWS // KD
SLICE = NPAD // NS


def _deg_body(dst_hbm, zeros1_hbm, out_hbm, acc, didx, ones):
    c = lax.axis_index("c")
    s = lax.axis_index("s")
    w = c * NS + s
    pltpu.sync_copy(zeros1_hbm.at[pl.ds(s * SLICE, SLICE)],
                    acc.at[pl.ds(s * SLICE, SLICE)])
    for i in range(8):
        ones[pl.ds(i * 16, 16)] = jnp.full((16,), 1.0, jnp.float32)
    plsc.subcore_barrier()
    base = w * TROWS

    def body(g, carry):
        row = base + g * KD
        pltpu.sync_copy(dst_hbm.at[pl.ds(row, KD)], didx)
        for j in range(KD):
            pltpu.sync_copy(ones, acc.at[didx.at[j]], add=True)
        return carry

    lax.fori_loop(0, DGROUPS, body, 0)
    plsc.subcore_barrier()
    pltpu.sync_copy(acc.at[pl.ds(s * SLICE, SLICE)],
                    out_hbm.at[pl.ds(c * NPAD + s * SLICE, SLICE)])


@functools.cache
def _deg_call():
    mesh = plsc.VectorSubcoreMesh(core_axis_name="c", subcore_axis_name="s",
                                  num_cores=NC, num_subcores=NS)
    return pl.kernel(
        _deg_body,
        out_type=jax.ShapeDtypeStruct((NC * NPAD,), jnp.float32),
        mesh=mesh,
        compiler_params=pltpu.CompilerParams(use_tc_tiling_on_sc=False),
        scratch_types=[
            pltpu.VMEM_SHARED((NPAD,), jnp.float32),
            pltpu.VMEM((KD, 128), jnp.int32),
            pltpu.VMEM((128,), jnp.float32),
        ],
    )


def _agg_body(src_hbm, dst_hbm, table_hbm, zeros2_hbm, out_hbm,
              acc, sidx, didx, rows, sem):
    c = lax.axis_index("c")
    s = lax.axis_index("s")
    w = c * NS + s
    pltpu.sync_copy(zeros2_hbm.at[pl.ds(s * SLICE, SLICE)],
                    acc.at[pl.ds(s * SLICE, SLICE)])
    plsc.subcore_barrier()
    base = w * TROWS

    def body(g, carry):
        row = base + g * KG
        pltpu.sync_copy(src_hbm.at[pl.ds(row, KG)], sidx)
        pltpu.sync_copy(dst_hbm.at[pl.ds(row, KG)], didx)
        descs = [pltpu.async_copy(table_hbm.at[sidx.at[j]], rows.at[j], sem)
                 for j in range(KG)]
        for d in descs:
            d.wait()
        for j in range(KG):
            pltpu.sync_copy(rows.at[j], acc.at[didx.at[j]], add=True)
        return carry

    lax.fori_loop(0, GROUPS, body, 0)
    plsc.subcore_barrier()
    pltpu.sync_copy(acc.at[pl.ds(s * SLICE, SLICE)],
                    out_hbm.at[pl.ds(c * NPAD + s * SLICE, SLICE)])


@functools.cache
def _agg_call():
    mesh = plsc.VectorSubcoreMesh(core_axis_name="c", subcore_axis_name="s",
                                  num_cores=NC, num_subcores=NS)
    return pl.kernel(
        _agg_body,
        out_type=jax.ShapeDtypeStruct((NC * NPAD, 16), jnp.float32),
        mesh=mesh,
        compiler_params=pltpu.CompilerParams(use_tc_tiling_on_sc=False),
        scratch_types=[
            pltpu.VMEM_SHARED((NPAD, 16), jnp.float32),
            pltpu.VMEM((KG, 128), jnp.int32),
            pltpu.VMEM((KG, 128), jnp.int32),
            pltpu.VMEM((KG, 128, 16), jnp.float32),
            pltpu.SemaphoreType.DMA,
        ],
    )



def _tc_a(p_ref, x48_ref, w1bd_ref, e8_ref, dinv_ref, hs1_ref):
    deg8 = p_ref[0] + p_ref[1] + 1.0
    dinv8 = lax.rsqrt(deg8)
    dinv = jnp.dot(dinv8, e8_ref[...], preferred_element_type=jnp.float32)
    dinv_ref[...] = dinv
    xw = jnp.dot(x48_ref[...], w1bd_ref[...], preferred_element_type=jnp.float32)
    hs1_ref[...] = xw * dinv


def _tc_b(q_ref, hs1_ref, dinv_ref, b1t_ref, w2bd_ref, hs2_ref):
    dinv = dinv_ref[...]
    h1 = jnp.maximum(dinv * (q_ref[0] + q_ref[1] + hs1_ref[...]) + b1t_ref[...],
                     0.0)
    hs2_ref[...] = jnp.dot(h1, w2bd_ref[...],
                           preferred_element_type=jnp.float32) * dinv


def _tc_c(r_ref, hs2_ref, dinv_ref, b2t_ref, cw1bd_ref, cw2bd_ref,
          cb1t_ref, cb2t_ref, o1_ref, o2_ref):
    dinv = dinv_ref[...]
    h2 = jnp.maximum(dinv * (r_ref[0] + r_ref[1] + hs2_ref[...]) + b2t_ref[...],
                     0.0)
    o1_ref[...] = jnp.dot(h2, cw1bd_ref[...],
                          preferred_element_type=jnp.float32) + cb1t_ref[...]
    o2_ref[...] = jnp.dot(h2, cw2bd_ref[...],
                          preferred_element_type=jnp.float32) + cb2t_ref[...]


_tc_a_call = pl.pallas_call(
    _tc_a,
    out_shape=[jax.ShapeDtypeStruct((ROWS8, 128), jnp.float32),
               jax.ShapeDtypeStruct((ROWS8, 128), jnp.float32)],
)

_tc_b_call = pl.pallas_call(
    _tc_b,
    out_shape=jax.ShapeDtypeStruct((ROWS8, 128), jnp.float32),
)

_tc_c_call = pl.pallas_call(
    _tc_c,
    out_shape=[jax.ShapeDtypeStruct((ROWS8, 104), jnp.float32),
               jax.ShapeDtypeStruct((ROWS8, 64), jnp.float32)],
)



def kernel(x, edge_index, W1, b1, W2, b2, CW1, Cb1, CW2, Cb2):
    src = edge_index[0]
    dst = edge_index[1]
    padv = jnp.full((EPAD - N_EDGES,), N_NODES, jnp.int32)
    src_p = jnp.concatenate([src, padv]).reshape(IDX_ROWS, 128)
    dst_p = jnp.concatenate([dst, padv]).reshape(IDX_ROWS, 128)
    zeros1 = jnp.zeros((NPAD,), jnp.float32)
    zeros2 = jnp.zeros((NPAD, 16), jnp.float32)

    x48 = jnp.pad(x, ((0, NPAD - N_NODES), (0, 0))).reshape(ROWS8, 48)
    eye8 = jnp.eye(8, dtype=jnp.float32)
    w1bd = jnp.kron(eye8, W1)
    w2bd = jnp.kron(eye8, W2)
    cw1bd = jnp.kron(eye8, CW1)
    cw2bd = jnp.kron(eye8, CW2)
    b1t = jnp.tile(b1, 8)[None, :]
    b2t = jnp.tile(b2, 8)[None, :]
    cb1t = jnp.tile(Cb1, 8)[None, :]
    cb2t = jnp.tile(Cb2, 8)[None, :]
    e8 = jnp.repeat(eye8, 16, axis=1)

    degp = _deg_call()(dst_p, zeros1).reshape(NC, ROWS8, 8)
    dinv, hs1 = _tc_a_call(degp, x48, w1bd, e8)
    q = _agg_call()(src_p, dst_p, hs1.reshape(NPAD, 16), zeros2)
    hs2 = _tc_b_call(q.reshape(NC, ROWS8, 128), hs1, dinv, b1t, w2bd)
    r = _agg_call()(src_p, dst_p, hs2.reshape(NPAD, 16), zeros2)
    o1p, o2p = _tc_c_call(r.reshape(NC, ROWS8, 128), hs2, dinv, b2t,
                          cw1bd, cw2bd, cb1t, cb2t)
    out_1 = o1p.reshape(NPAD, 13)[:N_NODES]
    out_2 = o2p.reshape(NPAD, 8)[:N_NODES]
    return (out_1, out_2)

# --- scband reference (transcript-rebuilt; emitter-appended) ---
"""Pipeline reference for scband-model-8778913153107 (READ-ONLY COPY).

The authoritative reference and input builder live on the scoring server;
editing this copy changes nothing except your own understanding.
"""

import jax, jax.numpy as jnp
import numpy as np

N_NODES = 100000
N_EDGES = 3200000


def _glorot(key, shape):
    fan_in, fan_out = shape[0], shape[1]
    limit = np.sqrt(6.0 / (fan_in + fan_out))
    return jax.random.uniform(key, shape, dtype=jnp.float32, minval=-limit, maxval=limit)


def setup_inputs(seed: int = 0) -> dict:
    key = jax.random.key(seed)
    ks = jax.random.split(key, 10)
    x = jax.random.normal(ks[0], (N_NODES, 6), dtype=jnp.float32)
    edge_index = jax.random.randint(ks[1], (2, N_EDGES), 0, N_NODES, dtype=jnp.int64 if jax.config.jax_enable_x64 else jnp.int32).astype(jnp.int32)
    W1 = _glorot(ks[2], (6, 16)); b1 = jnp.zeros((16,), jnp.float32)
    W2 = _glorot(ks[3], (16, 16)); b2 = jnp.zeros((16,), jnp.float32)
    CW1 = _glorot(ks[4], (16, 13)); Cb1 = jnp.zeros((13,), jnp.float32)
    CW2 = _glorot(ks[5], (16, 8)); Cb2 = jnp.zeros((8,), jnp.float32)
    return {"x": x, "edge_index": edge_index, "W1": W1, "b1": b1, "W2": W2, "b2": b2,
            "CW1": CW1, "Cb1": Cb1, "CW2": CW2, "Cb2": Cb2}


def _gcn_conv(x, src, dst, W, b, n_nodes):
    # GCNConv: D^{-1/2} (A + I) D^{-1/2} X W + b  (add_self_loops=True, normalize=True)
    h = x @ W
    loop = jnp.arange(n_nodes, dtype=src.dtype)
    src2 = jnp.concatenate([src, loop])
    dst2 = jnp.concatenate([dst, loop])
    deg = jnp.zeros((n_nodes,), jnp.float32).at[dst2].add(1.0)
    dinv = jax.lax.rsqrt(deg)
    norm = dinv[src2] * dinv[dst2]
    msg = h[src2] * norm[:, None]
    out = jnp.zeros((n_nodes, h.shape[1]), jnp.float32).at[dst2].add(msg)
    return out + b


def reference(x, edge_index, W1, b1, W2, b2, CW1, Cb1, CW2, Cb2):
    src = edge_index[0]
    dst = edge_index[1]
    n = x.shape[0]
    h = _gcn_conv(x, src, dst, W1, b1, n)
    h = jax.nn.relu(h)
    h = _gcn_conv(h, src, dst, W2, b2, n)
    h = jax.nn.relu(h)
    out_1 = h @ CW1 + Cb1
    out_2 = h @ CW2 + Cb2
    return (out_1, out_2)

if __name__ == "__main__":
    import jax
    _d = setup_inputs()
    print(jax.jit(kernel)(*tuple(_d.values())))

</pallas_src>

<mosaic_0001>
#map = affine_map<(d0, d1) -> (0, 0)>
module attributes {stable_mosaic.version = 14 : i64} {
  func.func @_agg_body(%arg0: i32, %arg1: i32, %arg2: memref<25600x128xi32, #tpu.memory_space<hbm>>, %arg3: memref<25600x128xi32, #tpu.memory_space<hbm>>, %arg4: memref<100352x16xf32, #tpu.memory_space<hbm>>, %arg5: memref<100352x16xf32, #tpu.memory_space<hbm>>, %arg6: memref<200704x16xf32, #tpu.memory_space<hbm>>, %arg7: memref<100352x16xf32, #tpu.memory_space<vmem_shared>>, %arg8: memref<8x128xi32, #tpu.memory_space<vmem>>, %arg9: memref<8x128xi32, #tpu.memory_space<vmem>>, %arg10: memref<8x128x16xf32, #tpu.memory_space<vmem>>, %arg11: memref<!tpu.dma_semaphore, #tpu.memory_space<semaphore_mem>>) attributes {dimension_semantics = [#tpu.dimension_semantics<core_parallel>, #tpu.dimension_semantics<subcore_parallel>], iteration_bounds = array<i64: 2, 16>, scalar_prefetch = 0 : i64, scratch_operands = 5 : i64, tpu.core_type = #tpu.core_type<sc_vector_subcore>, window_params = [{transform_indices = #map}, {transform_indices = #map}, {transform_indices = #map}, {transform_indices = #map}, {transform_indices = #map}]} {
    %mul3A = arith.constant 16 : i32
    %mul3A_0 = arith.muli %arg0, %mul3A : i32
    %add3A = arith.addi %mul3A_0, %arg1 : i32
    %mul3A_1 = arith.constant 6272 : i32
    %mul3A_2 = arith.muli %arg1, %mul3A_1 : i32
    %mul3A_3 = arith.constant 6272 : i32
    %mul3A_4 = arith.muli %arg1, %mul3A_3 : i32
    "tpu.region"() ({
      %run_scoped3A = tpu.sem_alloc : memref<!tpu.dma_semaphore, #tpu.memory_space<semaphore_mem>>
      %dma_start3A = arith.constant 0 : i32
      %dma_start3A_20 = tpu.memref_slice %arg7[%mul3A_4, %dma_start3A] : memref<100352x16xf32, #tpu.memory_space<vmem_shared>> -> memref<6272x16xf32, #tpu.memory_space<vmem_shared>>
      %dma_start3A_21 = arith.constant 0 : i32
      %dma_start3A_22 = tpu.memref_slice %arg5[%mul3A_2, %dma_start3A_21] : memref<100352x16xf32, #tpu.memory_space<hbm>> -> memref<6272x16xf32, #tpu.memory_space<hbm>>
      tpu.enqueue_dma source(%dma_start3A_22 : memref<6272x16xf32, #tpu.memory_space<hbm>>) target(%dma_start3A_20 : memref<6272x16xf32, #tpu.memory_space<vmem_shared>>) target_semaphore(%run_scoped3A : memref<!tpu.dma_semaphore, #tpu.memory_space<semaphore_mem>>)
      %dma_wait3A = arith.constant 0 : i32
      %dma_wait3A_23 = tpu.memref_slice %arg7[%mul3A_4, %dma_wait3A] : memref<100352x16xf32, #tpu.memory_space<vmem_shared>> -> memref<6272x16xf32, #tpu.memory_space<vmem_shared>>
      %dma_wait3A_24 = arith.constant 0 : i32
      %dma_wait3A_25 = tpu.memref_slice %arg5[%mul3A_2, %dma_wait3A_24] : memref<100352x16xf32, #tpu.memory_space<hbm>> -> memref<6272x16xf32, #tpu.memory_space<hbm>>
      tpu.wait_dma2 semaphore(%run_scoped3A : memref<!tpu.dma_semaphore, #tpu.memory_space<semaphore_mem>>) src(%dma_wait3A_25 : memref<6272x16xf32, #tpu.memory_space<hbm>>) dst(%dma_wait3A_23 : memref<6272x16xf32, #tpu.memory_space<vmem_shared>>)
      tpu.yield
    }) : () -> ()
    %barrier3A = arith.constant 0 : index
    tpu.barrier barrier_id(%barrier3A)
    %mul3A_5 = arith.constant 800 : i32
    %mul3A_6 = arith.muli %add3A, %mul3A_5 : i32
    %scan3A = arith.constant 0 : i32
    %scan3A_7 = arith.constant 0 : i32
    %scan3A_8 = arith.constant 100 : i32
    %scan3A_9 = arith.addi %scan3A_7, %scan3A_8 : i32
    %scan3A_10 = arith.constant 1 : i32
    scf.for %scan3A_20 = %scan3A_7 to %scan3A_9 step %scan3A_10  : i32 {
      %mul3A_21 = arith.constant 8 : i32
      %mul3A_22 = arith.muli %scan3A_20, %mul3A_21 : i32
      %add3A_23 = arith.addi %mul3A_6, %mul3A_22 : i32
      "tpu.region"() ({
        %run_scoped3A_229 = tpu.sem_alloc : memref<!tpu.dma_semaphore, #tpu.memory_space<semaphore_mem>>
        %dma_start3A_230 = arith.constant 0 : i32
        %dma_start3A_231 = tpu.memref_slice %arg2[%add3A_23, %dma_start3A_230] : memref<25600x128xi32, #tpu.memory_space<hbm>> -> memref<8x128xi32, #tpu.memory_space<hbm>>
        %dma_start3A_232 = arith.constant 0 : i32
        %dma_start3A_233 = tpu.memref_slice %arg2[%add3A_23, %dma_start3A_232] : memref<25600x128xi32, #tpu.memory_space<hbm>> -> memref<8x128xi32, #tpu.memory_space<hbm>>
        tpu.enqueue_dma source(%dma_start3A_233 : memref<8x128xi32, #tpu.memory_space<hbm>>) target(%arg8 : memref<8x128xi32, #tpu.memory_space<vmem>>) target_semaphore(%run_scoped3A_229 : memref<!tpu.dma_semaphore, #tpu.memory_space<semaphore_mem>>)
        %dma_wait3A_234 = arith.constant 0 : i32
        %dma_wait3A_235 = tpu.memref_slice %arg2[%add3A_23, %dma_wait3A_234] : memref<25600x128xi32, #tpu.memory_space<hbm>> -> memref<8x128xi32, #tpu.memory_space<hbm>>
        %dma_wait3A_236 = arith.constant 0 : i32
        %dma_wait3A_237 = tpu.memref_slice %arg2[%add3A_23, %dma_wait3A_236] : memref<25600x128xi32, #tpu.memory_space<hbm>> -> memref<8x128xi32, #tpu.memory_space<hbm>>
        tpu.wait_dma2 semaphore(%run_scoped3A_229 : memref<!tpu.dma_semaphore, #tpu.memory_space<semaphore_mem>>) src(%dma_wait3A_237 : memref<8x128xi32, #tpu.memory_space<hbm>>) dst(%arg8 : memref<8x128xi32, #tpu.memory_space<vmem>>)
        tpu.yield
      }) : () -> ()
      "tpu.region"() ({
        %run_scoped3A_229 = tpu.sem_alloc : memref<!tpu.dma_semaphore, #tpu.memory_space<semaphore_mem>>
        %dma_start3A_230 = arith.constant 0 : i32
        %dma_start3A_231 = tpu.memref_slice %arg3[%add3A_23, %dma_start3A_230] : memref<25600x128xi32, #tpu.memory_space<hbm>> -> memref<8x128xi32, #tpu.memory_space<hbm>>
        %dma_start3A_232 = arith.constant 0 : i32
        %dma_start3A_233 = tpu.memref_slice %arg3[%add3A_23, %dma_start3A_232] : memref<25600x128xi32, #tpu.memory_space<hbm>> -> memref<8x128xi32, #tpu.memory_space<hbm>>
        tpu.enqueue_dma source(%dma_start3A_233 : memref<8x128xi32, #tpu.memory_space<hbm>>) target(%arg9 : memref<8x128xi32, #tpu.memory_space<vmem>>) target_semaphore(%run_scoped3A_229 : memref<!tpu.dma_semaphore, #tpu.memory_space<semaphore_mem>>)
        %dma_wait3A_234 = arith.constant 0 : i32
        %dma_wait3A_235 = tpu.memref_slice %arg3[%add3A_23, %dma_wait3A_234] : memref<25600x128xi32, #tpu.memory_space<hbm>> -> memref<8x128xi32, #tpu.memory_space<hbm>>
        %dma_wait3A_236 = arith.constant 0 : i32
        %dma_wait3A_237 = tpu.memref_slice %arg3[%add3A_23, %dma_wait3A_236] : memref<25600x128xi32, #tpu.memory_space<hbm>> -> memref<8x128xi32, #tpu.memory_space<hbm>>
        tpu.wait_dma2 semaphore(%run_scoped3A_229 : memref<!tpu.dma_semaphore, #tpu.memory_space<semaphore_mem>>) src(%dma_wait3A_237 : memref<8x128xi32, #tpu.memory_space<hbm>>) dst(%arg9 : memref<8x128xi32, #tpu.memory_space<vmem>>)
        tpu.yield
      }) : () -> ()
      %dma_start3A = arith.constant 0 : i32
      %dma_start3A_24 = arith.constant 0 : i32
      %dma_start3A_25 = arith.constant 0 : i32
      %dma_start3A_26 = arith.constant 0 : i32
      %dma_start3A_27 = tpu.memref_slice %arg10[%dma_start3A_24, %dma_start3A_25, %dma_start3A_26] : memref<8x128x16xf32, #tpu.memory_space<vmem>> -> memref<1x128x16xf32, #tpu.memory_space<vmem>>
      %dma_start3A_28 = tpu.memref_squeeze %dma_start3A_27 : memref<1x128x16xf32, #tpu.memory_space<vmem>> -> memref<128x16xf32, #tpu.memory_space<vmem>>
      %dma_start3A_29 = arith.constant 0 : i32
      %dma_start3A_30 = tpu.memref_slice %arg8[%dma_start3A, %dma_start3A_29] : memref<8x128xi32, #tpu.memory_space<vmem>> -> memref<1x128xi32, #tpu.memory_space<vmem>>
      %dma_start3A_31 = tpu.memref_squeeze %dma_start3A_30 : memref<1x128xi32, #tpu.memory_space<vmem>> -> memref<128xi32, #tpu.memory_space<vmem>>
      %dma_start3A_32 = arith.constant 0 : i32
      %dma_start3A_33 = arith.constant 0 : i32
      %dma_start3A_34 = tpu.memref_slice %arg4[%dma_start3A_32, %dma_start3A_33] : memref<100352x16xf32, #tpu.memory_space<hbm>> -> memref<100352x16xf32, #tpu.memory_space<hbm>>
      tpu.enqueue_indirect_dma source(%dma_start3A_34 : memref<100352x16xf32, #tpu.memory_space<hbm>>) target(%dma_start3A_28 : memref<128x16xf32, #tpu.memory_space<vmem>>) offsets(%dma_start3A_31 : memref<128xi32, #tpu.memory_space<vmem>>) semaphore(%arg11 : memref<!tpu.dma_semaphore, #tpu.memory_space<semaphore_mem>>)
      %dma_start3A_35 = arith.constant 1 : i32
      %dma_start3A_36 = arith.constant 1 : i32
      %dma_start3A_37 = arith.constant 0 : i32
      %dma_start3A_38 = arith.constant 0 : i32
      %dma_start3A_39 = tpu.memref_slice %arg10[%dma_start3A_36, %dma_start3A_37, %dma_start3A_38] : memref<8x128x16xf32, #tpu.memory_space<vmem>> -> memref<1x128x16xf32, #tpu.memory_space<vmem>>
      %dma_start3A_40 = tpu.memref_squeeze %dma_start3A_39 : memref<1x128x16xf32, #tpu.memory_space<vmem>> -> memref<128x16xf32, #tpu.memory_space<vmem>>
      %dma_start3A_41 = arith.constant 0 : i32
      %dma_start3A_42 = tpu.memref_slice %arg8[%dma_start3A_35, %dma_start3A_41] : memref<8x128xi32, #tpu.memory_space<vmem>> -> memref<1x128xi32, #tpu.memory_space<vmem>>
      %dma_start3A_43 = tpu.memref_squeeze %dma_start3A_42 : memref<1x128xi32, #tpu.memory_space<vmem>> -> memref<128xi32, #tpu.memory_space<vmem>>
      %dma_start3A_44 = arith.constant 0 : i32
      %dma_start3A_45 = arith.constant 0 : i32
      %dma_start3A_46 = tpu.memref_slice %arg4[%dma_start3A_44, %dma_start3A_45] : memref<100352x16xf32, #tpu.memory_space<hbm>> -> memref<100352x16xf32, #tpu.memory_space<hbm>>
      tpu.enqueue_indirect_dma source(%dma_start3A_46 : memref<100352x16xf32, #tpu.memory_space<hbm>>) target(%dma_start3A_40 : memref<128x16xf32, #tpu.memory_space<vmem>>) offsets(%dma_start3A_43 : memref<128xi32, #tpu.memory_space<vmem>>) semaphore(%arg11 : memref<!tpu.dma_semaphore, #tpu.memory_space<semaphore_mem>>)
      %dma_start3A_47 = arith.constant 2 : i32
      %dma_start3A_48 = arith.constant 2 : i32
      %dma_start3A_49 = arith.constant 0 : i32
      %dma_start3A_50 = arith.constant 0 : i32
      %dma_start3A_51 = tpu.memref_slice %arg10[%dma_start3A_48, %dma_start3A_49, %dma_start3A_50] : memref<8x128x16xf32, #tpu.memory_space<vmem>> -> memref<1x128x16xf32, #tpu.memory_space<vmem>>
      %dma_start3A_52 = tpu.memref_squeeze %dma_start3A_51 : memref<1x128x16xf32, #tpu.memory_space<vmem>> -> memref<128x16xf32, #tpu.memory_space<vmem>>
      %dma_start3A_53 = arith.constant 0 : i32
      %dma_start3A_54 = tpu.memref_slice %arg8[%dma_start3A_47, %dma_start3A_53] : memref<8x128xi32, #tpu.memory_space<vmem>> -> memref<1x128xi32, #tpu.memory_space<vmem>>
      %dma_start3A_55 = tpu.memref_squeeze %dma_start3A_54 : memref<1x128xi32, #tpu.memory_space<vmem>> -> memref<128xi32, #tpu.memory_space<vmem>>
      %dma_start3A_56 = arith.constant 0 : i32
      %dma_start3A_57 = arith.constant 0 : i32
      %dma_start3A_58 = tpu.memref_slice %arg4[%dma_start3A_56, %dma_start3A_57] : memref<100352x16xf32, #tpu.memory_space<hbm>> -> memref<100352x16xf32, #tpu.memory_space<hbm>>
      tpu.enqueue_indirect_dma source(%dma_start3A_58 : memref<100352x16xf32, #tpu.memory_space<hbm>>) target(%dma_start3A_52 : memref<128x16xf32, #tpu.memory_space<vmem>>) offsets(%dma_start3A_55 : memref<128xi32, #tpu.memory_space<vmem>>) semaphore(%arg11 : memref<!tpu.dma_semaphore, #tpu.memory_space<semaphore_mem>>)
      %dma_start3A_59 = arith.constant 3 : i32
      %dma_start3A_60 = arith.constant 3 : i32
      %dma_start3A_61 = arith.constant 0 : i32
      %dma_start3A_62 = arith.constant 0 : i32
      %dma_start3A_63 = tpu.memref_slice %arg10[%dma_start3A_60, %dma_start3A_61, %dma_start3A_62] : memref<8x128x16xf32, #tpu.memory_space<vmem>> -> memref<1x128x16xf32, #tpu.memory_space<vmem>>
      %dma_start3A_64 = tpu.memref_squeeze %dma_start3A_63 : memref<1x128x16xf32, #tpu.memory_space<vmem>> -> memref<128x16xf32, #tpu.memory_space<vmem>>
      %dma_start3A_65 = arith.constant 0 : i32
      %dma_start3A_66 = tpu.memref_slice %arg8[%dma_start3A_59, %dma_start3A_65] : memref<8x128xi32, #tpu.memory_space<vmem>> -> memref<1x128xi32, #tpu.memory_space<vmem>>
      %dma_start3A_67 = tpu.memref_squeeze %dma_start3A_66 : memref<1x128xi32, #tpu.memory_space<vmem>> -> memref<128xi32, #tpu.memory_space<vmem>>
      %dma_start3A_68 = arith.constant 0 : i32
      %dma_start3A_69 = arith.constant 0 : i32
      %dma_start3A_70 = tpu.memref_slice %arg4[%dma_start3A_68, %dma_start3A_69] : memref<100352x16xf32, #tpu.memory_space<hbm>> -> memref<100352x16xf32, #tpu.memory_space<hbm>>
      tpu.enqueue_indirect_dma source(%dma_start3A_70 : memref<100352x16xf32, #tpu.memory_space<hbm>>) target(%dma_start3A_64 : memref<128x16xf32, #tpu.memory_space<vmem>>) offsets(%dma_start3A_67 : memref<128xi32, #tpu.memory_space<vmem>>) semaphore(%arg11 : memref<!tpu.dma_semaphore, #tpu.memory_space<semaphore_mem>>)
      %dma_start3A_71 = arith.constant 4 : i32
      %dma_start3A_72 = arith.constant 4 : i32
      %dma_start3A_73 = arith.constant 0 : i32
      %dma_start3A_74 = arith.constant 0 : i32
      %dma_start3A_75 = tpu.memref_slice %arg10[%dma_start3A_72, %dma_start3A_73, %dma_start3A_74] : memref<8x128x16xf32, #tpu.memory_space<vmem>> -> memref<1x128x16xf32, #tpu.memory_space<vmem>>
      %dma_start3A_76 = tpu.memref_squeeze %dma_start3A_75 : memref<1x128x16xf32, #tpu.memory_space<vmem>> -> memref<128x16xf32, #tpu.memory_space<vmem>>
      %dma_start3A_77 = arith.constant 0 : i32
      %dma_start3A_78 = tpu.memref_slice %arg8[%dma_start3A_71, %dma_start3A_77] : memref<8x128xi32, #tpu.memory_space<vmem>> -> memref<1x128xi32, #tpu.memory_space<vmem>>
      %dma_start3A_79 = tpu.memref_squeeze %dma_start3A_78 : memref<1x128xi32, #tpu.memory_space<vmem>> -> memref<128xi32, #tpu.memory_space<vmem>>
      %dma_start3A_80 = arith.constant 0 : i32
      %dma_start3A_81 = arith.constant 0 : i32
      %dma_start3A_82 = tpu.memref_slice %arg4[%dma_start3A_80, %dma_start3A_81] : memref<100352x16xf32, #tpu.memory_space<hbm>> -> memref<100352x16xf32, #tpu.memory_space<hbm>>
      tpu.enqueue_indirect_dma source(%dma_start3A_82 : memref<100352x16xf32, #tpu.memory_space<hbm>>) target(%dma_start3A_76 : memref<128x16xf32, #tpu.memory_space<vmem>>) offsets(%dma_start3A_79 : memref<128xi32, #tpu.memory_space<vmem>>) semaphore(%arg11 : memref<!tpu.dma_semaphore, #tpu.memory_space<semaphore_mem>>)
      %dma_start3A_83 = arith.constant 5 : i32
      %dma_start3A_84 = arith.constant 5 : i32
      %dma_start3A_85 = arith.constant 0 : i32
      %dma_start3A_86 = arith.constant 0 : i32
      %dma_start3A_87 = tpu.memref_slice %arg10[%dma_start3A_84, %dma_start3A_85, %dma_start3A_86] : memref<8x128x16xf32, #tpu.memory_space<vmem>> -> memref<1x128x16xf32, #tpu.memory_space<vmem>>
      %dma_start3A_88 = tpu.memref_squeeze %dma_start3A_87 : memref<1x128x16xf32, #tpu.memory_space<vmem>> -> memref<128x16xf32, #tpu.memory_space<vmem>>
      %dma_start3A_89 = arith.constant 0 : i32
      %dma_start3A_90 = tpu.memref_slice %arg8[%dma_start3A_83, %dma_start3A_89] : memref<8x128xi32, #tpu.memory_space<vmem>> -> memref<1x128xi32, #tpu.memory_space<vmem>>
      %dma_start3A_91 = tpu.memref_squeeze %dma_start3A_90 : memref<1x128xi32, #tpu.memory_space<vmem>> -> memref<128xi32, #tpu.memory_space<vmem>>
      %dma_start3A_92 = arith.constant 0 : i32
      %dma_start3A_93 = arith.constant 0 : i32
      %dma_start3A_94 = tpu.memref_slice %arg4[%dma_start3A_92, %dma_start3A_93] : memref<100352x16xf32, #tpu.memory_space<hbm>> -> memref<100352x16xf32, #tpu.memory_space<hbm>>
      tpu.enqueue_indirect_dma source(%dma_start3A_94 : memref<100352x16xf32, #tpu.memory_space<hbm>>) target(%dma_start3A_88 : memref<128x16xf32, #tpu.memory_space<vmem>>) offsets(%dma_start3A_91 : memref<128xi32, #tpu.memory_space<vmem>>) semaphore(%arg11 : memref<!tpu.dma_semaphore, #tpu.memory_space<semaphore_mem>>)
      %dma_start3A_95 = arith.constant 6 : i32
      %dma_start3A_96 = arith.constant 6 : i32
      %dma_start3A_97 = arith.constant 0 : i32
      %dma_start3A_98 = arith.constant 0 : i32
      %dma_start3A_99 = tpu.memref_slice %arg10[%dma_start3A_96, %dma_start3A_97, %dma_start3A_98] : memref<8x128x16xf32, #tpu.memory_space<vmem>> -> memref<1x128x16xf32, #tpu.memory_space<vmem>>
      %dma_start3A_100 = tpu.memref_squeeze %dma_start3A_99 : memref<1x128x16xf32, #tpu.memory_space<vmem>> -> memref<128x16xf32, #tpu.memory_space<vmem>>
      %dma_start3A_101 = arith.constant 0 : i32
      %dma_start3A_102 = tpu.memref_slice %arg8[%dma_start3A_95, %dma_start3A_101] : memref<8x128xi32, #tpu.memory_space<vmem>> -> memref<1x128xi32, #tpu.memory_space<vmem>>
      %dma_start3A_103 = tpu.memref_squeeze %dma_start3A_102 : memref<1x128xi32, #tpu.memory_space<vmem>> -> memref<128xi32, #tpu.memory_space<vmem>>
      %dma_start3A_104 = arith.constant 0 : i32
      %dma_start3A_105 = arith.constant 0 : i32
      %dma_start3A_106 = tpu.memref_slice %arg4[%dma_start3A_104, %dma_start3A_105] : memref<100352x16xf32, #tpu.memory_space<hbm>> -> memref<100352x16xf32, #tpu.memory_space<hbm>>
      tpu.enqueue_indirect_dma source(%dma_start3A_106 : memref<100352x16xf32, #tpu.memory_space<hbm>>) target(%dma_start3A_100 : memref<128x16xf32, #tpu.memory_space<vmem>>) offsets(%dma_start3A_103 : memref<128xi32, #tpu.memory_space<vmem>>) semaphore(%arg11 : memref<!tpu.dma_semaphore, #tpu.memory_space<semaphore_mem>>)
      %dma_start3A_107 = arith.constant 7 : i32
      %dma_start3A_108 = arith.constant 7 : i32
      %dma_start3A_109 = arith.constant 0 : i32
      %dma_start3A_110 = arith.constant 0 : i32
      %dma_start3A_111 = tpu.memref_slice %arg10[%dma_start3A_108, %dma_start3A_109, %dma_start3A_110] : memref<8x128x16xf32, #tpu.memory_space<vmem>> -> memref<1x128x16xf32, #tpu.memory_space<vmem>>
      %dma_start3A_112 = tpu.memref_squeeze %dma_start3A_111 : memref<1x128x16xf32, #tpu.memory_space<vmem>> -> memref<128x16xf32, #tpu.memory_space<vmem>>
      %dma_start3A_113 = arith.constant 0 : i32
      %dma_start3A_114 = tpu.memref_slice %arg8[%dma_start3A_107, %dma_start3A_113] : memref<8x128xi32, #tpu.memory_space<vmem>> -> memref<1x128xi32, #tpu.memory_space<vmem>>
      %dma_start3A_115 = tpu.memref_squeeze %dma_start3A_114 : memref<1x128xi32, #tpu.memory_space<vmem>> -> memref<128xi32, #tpu.memory_space<vmem>>
      %dma_start3A_116 = arith.constant 0 : i32
      %dma_start3A_117 = arith.constant 0 : i32
      %dma_start3A_118 = tpu.memref_slice %arg4[%dma_start3A_116, %dma_start3A_117] : memref<100352x16xf32, #tpu.memory_space<hbm>> -> memref<100352x16xf32, #tpu.memory_space<hbm>>
      tpu.enqueue_indirect_dma source(%dma_start3A_118 : memref<100352x16xf32, #tpu.memory_space<hbm>>) target(%dma_start3A_112 : memref<128x16xf32, #tpu.memory_space<vmem>>) offsets(%dma_start3A_115 : memref<128xi32, #tpu.memory_space<vmem>>) semaphore(%arg11 : memref<!tpu.dma_semaphore, #tpu.memory_space<semaphore_mem>>)
      %dma_wait3A = arith.constant 0 : i32
      %dma_wait3A_119 = arith.constant 0 : i32
      %dma_wait3A_120 = arith.constant 0 : i32
      %dma_wait3A_121 = arith.constant 0 : i32
      %dma_wait3A_122 = tpu.memref_slice %arg10[%dma_wait3A_119, %dma_wait3A_120, %dma_wait3A_121] : memref<8x128x16xf32, #tpu.memory_space<vmem>> -> memref<1x128x16xf32, #tpu.memory_space<vmem>>
      %dma_wait3A_123 = tpu.memref_squeeze %dma_wait3A_122 : memref<1x128x16xf32, #tpu.memory_space<vmem>> -> memref<128x16xf32, #tpu.memory_space<vmem>>
      %dma_wait3A_124 = arith.constant 0 : i32
      %dma_wait3A_125 = tpu.memref_slice %arg8[%dma_wait3A, %dma_wait3A_124] : memref<8x128xi32, #tpu.memory_space<vmem>> -> memref<1x128xi32, #tpu.memory_space<vmem>>
      %dma_wait3A_126 = tpu.memref_squeeze %dma_wait3A_125 : memref<1x128xi32, #tpu.memory_space<vmem>> -> memref<128xi32, #tpu.memory_space<vmem>>
      %dma_wait3A_127 = arith.constant 0 : i32
      %dma_wait3A_128 = arith.constant 0 : i32
      %dma_wait3A_129 = tpu.memref_slice %arg4[%dma_wait3A_127, %dma_wait3A_128] : memref<100352x16xf32, #tpu.memory_space<hbm>> -> memref<100352x16xf32, #tpu.memory_space<hbm>>
      tpu.wait_indirect_dma semaphore(%arg11 : memref<!tpu.dma_semaphore, #tpu.memory_space<semaphore_mem>>) src(%dma_wait3A_129 : memref<100352x16xf32, #tpu.memory_space<hbm>>) dst(%dma_wait3A_123 : memref<128x16xf32, #tpu.memory_space<vmem>>)
      %dma_wait3A_130 = arith.constant 1 : i32
      %dma_wait3A_131 = arith.constant 1 : i32
      %dma_wait3A_132 = arith.constant 0 : i32
      %dma_wait3A_133 = arith.constant 0 : i32
      %dma_wait3A_134 = tpu.memref_slice %arg10[%dma_wait3A_131, %dma_wait3A_132, %dma_wait3A_133] : memref<8x128x16xf32, #tpu.memory_space<vmem>> -> memref<1x128x16xf32, #tpu.memory_space<vmem>>
      %dma_wait3A_135 = tpu.memref_squeeze %dma_wait3A_134 : memref<1x128x16xf32, #tpu.memory_space<vmem>> -> memref<128x16xf32, #tpu.memory_space<vmem>>
      %dma_wait3A_136 = arith.constant 0 : i32
      %dma_wait3A_137 = tpu.memref_slice %arg8[%dma_wait3A_130, %dma_wait3A_136] : memref<8x128xi32, #tpu.memory_space<vmem>> -> memref<1x128xi32, #tpu.memory_space<vmem>>
      %dma_wait3A_138 = tpu.memref_squeeze %dma_wait3A_137 : memref<1x128xi32, #tpu.memory_space<vmem>> -> memref<128xi32, #tpu.memory_space<vmem>>
      %dma_wait3A_139 = arith.constant 0 : i32
      %dma_wait3A_140 = arith.constant 0 : i32
      %dma_wait3A_141 = tpu.memref_slice %arg4[%dma_wait3A_139, %dma_wait3A_140] : memref<100352x16xf32, #tpu.memory_space<hbm>> -> memref<100352x16xf32, #tpu.memory_space<hbm>>
      tpu.wait_indirect_dma semaphore(%arg11 : memref<!tpu.dma_semaphore, #tpu.memory_space<semaphore_mem>>) src(%dma_wait3A_141 : memref<100352x16xf32, #tpu.memory_space<hbm>>) dst(%dma_wait3A_135 : memref<128x16xf32, #tpu.memory_space<vmem>>)
      %dma_wait3A_142 = arith.constant 2 : i32
      %dma_wait3A_143 = arith.constant 2 : i32
      %dma_wait3A_144 = arith.constant 0 : i32
      %dma_wait3A_145 = arith.constant 0 : i32
      %dma_wait3A_146 = tpu.memref_slice %arg10[%dma_wait3A_143, %dma_wait3A_144, %dma_wait3A_145] : memref<8x128x16xf32, #tpu.memory_space<vmem>> -> memref<1x128x16xf32, #tpu.memory_space<vmem>>
      %dma_wait3A_147 = tpu.memref_squeeze %dma_wait3A_146 : memref<1x128x16xf32, #tpu.memory_space<vmem>> -> memref<128x16xf32, #tpu.memory_space<vmem>>
      %dma_wait3A_148 = arith.constant 0 : i32
      %dma_wait3A_149 = tpu.memref_slice %arg8[%dma_wait3A_142, %dma_wait3A_148] : memref<8x128xi32, #tpu.memory_space<vmem>> -> memref<1x128xi32, #tpu.memory_space<vmem>>
      %dma_wait3A_150 = tpu.memref_squeeze %dma_wait3A_149 : memref<1x128xi32, #tpu.memory_space<vmem>> -> memref<128xi32, #tpu.memory_space<vmem>>
      %dma_wait3A_151 = arith.constant 0 : i32
      %dma_wait3A_152 = arith.constant 0 : i32
      %dma_wait3A_153 = tpu.memref_slice %arg4[%dma_wait3A_151, %dma_wait3A_152] : memref<100352x16xf32, #tpu.memory_space<hbm>> -> memref<100352x16xf32, #tpu.memory_space<hbm>>
      tpu.wait_indirect_dma semaphore(%arg11 : memref<!tpu.dma_semaphore, #tpu.memory_space<semaphore_mem>>) src(%dma_wait3A_153 : memref<100352x16xf32, #tpu.memory_space<hbm>>) dst(%dma_wait3A_147 : memref<128x16xf32, #tpu.memory_space<vmem>>)
      %dma_wait3A_154 = arith.constant 3 : i32
      %dma_wait3A_155 = arith.constant 3 : i32
      %dma_wait3A_156 = arith.constant 0 : i32
      %dma_wait3A_157 = arith.constant 0 : i32
      %dma_wait3A_158 = tpu.memref_slice %arg10[%dma_wait3A_155, %dma_wait3A_156, %dma_wait3A_157] : memref<8x128x16xf32, #tpu.memory_space<vmem>> -> memref<1x128x16xf32, #tpu.memory_space<vmem>>
      %dma_wait3A_159 = tpu.memref_squeeze %dma_wait3A_158 : memref<1x128x16xf32, #tpu.memory_space<vmem>> -> memref<128x16xf32, #tpu.memory_space<vmem>>
      %dma_wait3A_160 = arith.constant 0 : i32
      %dma_wait3A_161 = tpu.memref_slice %arg8[%dma_wait3A_154, %dma_wait3A_160] : memref<8x128xi32, #tpu.memory_space<vmem>> -> memref<1x128xi32, #tpu.memory_space<vmem>>
      %dma_wait3A_162 = tpu.memref_squeeze %dma_wait3A_161 : memref<1x128xi32, #tpu.memory_space<vmem>> -> memref<128xi32, #tpu.memory_space<vmem>>
      %dma_wait3A_163 = arith.constant 0 : i32
      %dma_wait3A_164 = arith.constant 0 : i32
      %dma_wait3A_165 = tpu.memref_slice %arg4[%dma_wait3A_163, %dma_wait3A_164] : memref<100352x16xf32, #tpu.memory_space<hbm>> -> memref<100352x16xf32, #tpu.memory_space<hbm>>
      tpu.wait_indirect_dma semaphore(%arg11 : memref<!tpu.dma_semaphore, #tpu.memory_space<semaphore_mem>>) src(%dma_wait3A_165 : memref<100352x16xf32, #tpu.memory_space<hbm>>) dst(%dma_wait3A_159 : memref<128x16xf32, #tpu.memory_space<vmem>>)
      %dma_wait3A_166 = arith.constant 4 : i32
      %dma_wait3A_167 = arith.constant 4 : i32
      %dma_wait3A_168 = arith.constant 0 : i32
      %dma_wait3A_169 = arith.constant 0 : i32
      %dma_wait3A_170 = tpu.memref_slice %arg10[%dma_wait3A_167, %dma_wait3A_168, %dma_wait3A_169] : memref<8x128x16xf32, #tpu.memory_space<vmem>> -> memref<1x128x16xf32, #tpu.memory_space<vmem>>
      %dma_wait3A_171 = tpu.memref_squeeze %dma_wait3A_170 : memref<1x128x16xf32, #tpu.memory_space<vmem>> -> memref<128x16xf32, #tpu.memory_space<vmem>>
      %dma_wait3A_172 = arith.constant 0 : i32
      %dma_wait3A_173 = tpu.memref_slice %arg8[%dma_wait3A_166, %dma_wait3A_172] : memref<8x128xi32, #tpu.memory_space<vmem>> -> memref<1x128xi32, #tpu.memory_space<vmem>>
      %dma_wait3A_174 = tpu.memref_squeeze %dma_wait3A_173 : memref<1x128xi32, #tpu.memory_space<vmem>> -> memref<128xi32, #tpu.memory_space<vmem>>
      %dma_wait3A_175 = arith.constant 0 : i32
      %dma_wait3A_176 = arith.constant 0 : i32
      %dma_wait3A_177 = tpu.memref_slice %arg4[%dma_wait3A_175, %dma_wait3A_176] : memref<100352x16xf32, #tpu.memory_space<hbm>> -> memref<100352x16xf32, #tpu.memory_space<hbm>>
      tpu.wait_indirect_dma semaphore(%arg11 : memref<!tpu.dma_semaphore, #tpu.memory_space<semaphore_mem>>) src(%dma_wait3A_177 : memref<100352x16xf32, #tpu.memory_space<hbm>>) dst(%dma_wait3A_171 : memref<128x16xf32, #tpu.memory_space<vmem>>)
      %dma_wait3A_178 = arith.constant 5 : i32
      %dma_wait3A_179 = arith.constant 5 : i32
      %dma_wait3A_180 = arith.constant 0 : i32
      %dma_wait3A_181 = arith.constant 0 : i32
      %dma_wait3A_182 = tpu.memref_slice %arg10[%dma_wait3A_179, %dma_wait3A_180, %dma_wait3A_181] : memref<8x128x16xf32, #tpu.memory_space<vmem>> -> memref<1x128x16xf32, #tpu.memory_space<vmem>>
      %dma_wait3A_183 = tpu.memref_squeeze %dma_wait3A_182 : memref<1x128x16xf32, #tpu.memory_space<vmem>> -> memref<128x16xf32, #tpu.memory_space<vmem>>
      %dma_wait3A_184 = arith.constant 0 : i32
      %dma_wait3A_185 = tpu.memref_slice %arg8[%dma_wait3A_178, %dma_wait3A_184] : memref<8x128xi32, #tpu.memory_space<vmem>> -> memref<1x128xi32, #tpu.memory_space<vmem>>
      %dma_wait3A_186 = tpu.memref_squeeze %dma_wait3A_185 : memref<1x128xi32, #tpu.memory_space<vmem>> -> memref<128xi32, #tpu.memory_space<vmem>>
      %dma_wait3A_187 = arith.constant 0 : i32
      %dma_wait3A_188 = arith.constant 0 : i32
      %dma_wait3A_189 = tpu.memref_slice %arg4[%dma_wait3A_187, %dma_wait3A_188] : memref<100352x16xf32, #tpu.memory_space<hbm>> -> memref<100352x16xf32, #tpu.memory_space<hbm>>
      tpu.wait_indirect_dma semaphore(%arg11 : memref<!tpu.dma_semaphore, #tpu.memory_space<semaphore_mem>>) src(%dma_wait3A_189 : memref<100352x16xf32, #tpu.memory_space<hbm>>) dst(%dma_wait3A_183 : memref<128x16xf32, #tpu.memory_space<vmem>>)
      %dma_wait3A_190 = arith.constant 6 : i32
      %dma_wait3A_191 = arith.constant 6 : i32
      %dma_wait3A_192 = arith.constant 0 : i32
      %dma_wait3A_193 = arith.constant 0 : i32
      %dma_wait3A_194 = tpu.memref_slice %arg10[%dma_wait3A_191, %dma_wait3A_192, %dma_wait3A_193] : memref<8x128x16xf32, #tpu.memory_space<vmem>> -> memref<1x128x16xf32, #tpu.memory_space<vmem>>
      %dma_wait3A_195 = tpu.memref_squeeze %dma_wait3A_194 : memref<1x128x16xf32, #tpu.memory_space<vmem>> -> memref<128x16xf32, #tpu.memory_space<vmem>>
      %dma_wait3A_196 = arith.constant 0 : i32
      %dma_wait3A_197 = tpu.memref_slice %arg8[%dma_wait3A_190, %dma_wait3A_196] : memref<8x128xi32, #tpu.memory_space<vmem>> -> memref<1x128xi32, #tpu.memory_space<vmem>>
      %dma_wait3A_198 = tpu.memref_squeeze %dma_wait3A_197 : memref<1x128xi32, #tpu.memory_space<vmem>> -> memref<128xi32, #tpu.memory_space<vmem>>
      %dma_wait3A_199 = arith.constant 0 : i32
      %dma_wait3A_200 = arith.constant 0 : i32
      %dma_wait3A_201 = tpu.memref_slice %arg4[%dma_wait3A_199, %dma_wait3A_200] : memref<100352x16xf32, #tpu.memory_space<hbm>> -> memref<100352x16xf32, #tpu.memory_space<hbm>>
      tpu.wait_indirect_dma semaphore(%arg11 : memref<!tpu.dma_semaphore, #tpu.memory_space<semaphore_mem>>) src(%dma_wait3A_201 : memref<100352x16xf32, #tpu.memory_space<hbm>>) dst(%dma_wait3A_195 : memref<128x16xf32, #tpu.memory_space<vmem>>)
      %dma_wait3A_202 = arith.constant 7 : i32
      %dma_wait3A_203 = arith.constant 7 : i32
      %dma_wait3A_204 = arith.constant 0 : i32
      %dma_wait3A_205 = arith.constant 0 : i32
      %dma_wait3A_206 = tpu.memref_slice %arg10[%dma_wait3A_203, %dma_wait3A_204, %dma_wait3A_205] : memref<8x128x16xf32, #tpu.memory_space<vmem>> -> memref<1x128x16xf32, #tpu.memory_space<vmem>>
      %dma_wait3A_207 = tpu.memref_squeeze %dma_wait3A_206 : memref<1x128x16xf32, #tpu.memory_space<vmem>> -> memref<128x16xf32, #tpu.memory_space<vmem>>
      %dma_wait3A_208 = arith.constant 0 : i32
      %dma_wait3A_209 = tpu.memref_slice %arg8[%dma_wait3A_202, %dma_wait3A_208] : memref<8x128xi32, #tpu.memory_space<vmem>> -> memref<1x128xi32, #tpu.memory_space<vmem>>
      %dma_wait3A_210 = tpu.memref_squeeze %dma_wait3A_209 : memref<1x128xi32, #tpu.memory_space<vmem>> -> memref<128xi32, #tpu.memory_space<vmem>>
      %dma_wait3A_211 = arith.constant 0 : i32
      %dma_wait3A_212 = arith.constant 0 : i32
      %dma_wait3A_213 = tpu.memref_slice %arg4[%dma_wait3A_211, %dma_wait3A_212] : memref<100352x16xf32, #tpu.memory_space<hbm>> -> memref<100352x16xf32, #tpu.memory_space<hbm>>
      tpu.wait_indirect_dma semaphore(%arg11 : memref<!tpu.dma_semaphore, #tpu.memory_space<semaphore_mem>>) src(%dma_wait3A_213 : memref<100352x16xf32, #tpu.memory_space<hbm>>) dst(%dma_wait3A_207 : memref<128x16xf32, #tpu.memory_space<vmem>>)
      %run_scoped3A = arith.constant 0 : i32
      %run_scoped3A_214 = arith.constant 0 : i32
      "tpu.region"() ({
        %run_scoped3A_229 = tpu.sem_alloc : memref<!tpu.dma_semaphore, #tpu.memory_space<semaphore_mem>>
        %dma_start3A_230 = arith.constant 0 : i32
        %dma_start3A_231 = arith.constant 0 : i32
        %dma_start3A_232 = tpu.memref_slice %arg10[%run_scoped3A, %dma_start3A_230, %dma_start3A_231] : memref<8x128x16xf32, #tpu.memory_space<vmem>> -> memref<1x128x16xf32, #tpu.memory_space<vmem>>
        %dma_start3A_233 = tpu.memref_squeeze %dma_start3A_232 : memref<1x128x16xf32, #tpu.memory_space<vmem>> -> memref<128x16xf32, #tpu.memory_space<vmem>>
        %dma_start3A_234 = arith.constant 0 : i32
        %dma_start3A_235 = tpu.memref_slice %arg9[%run_scoped3A_214, %dma_start3A_234] : memref<8x128xi32, #tpu.memory_space<vmem>> -> memref<1x128xi32, #tpu.memory_space<vmem>>
        %dma_start3A_236 = tpu.memref_squeeze %dma_start3A_235 : memref<1x128xi32, #tpu.memory_space<vmem>> -> memref<128xi32, #tpu.memory_space<vmem>>
        %dma_start3A_237 = arith.constant 0 : i32
        %dma_start3A_238 = arith.constant 0 : i32
        %dma_start3A_239 = tpu.memref_slice %arg7[%dma_start3A_237, %dma_start3A_238] : memref<100352x16xf32, #tpu.memory_space<vmem_shared>> -> memref<100352x16xf32, #tpu.memory_space<vmem_shared>>
        tpu.enqueue_indirect_dma source(%dma_start3A_233 : memref<128x16xf32, #tpu.memory_space<vmem>>) target(%dma_start3A_239 : memref<100352x16xf32, #tpu.memory_space<vmem_shared>>) offsets(%dma_start3A_236 : memref<128xi32, #tpu.memory_space<vmem>>) semaphore(%run_scoped3A_229 : memref<!tpu.dma_semaphore, #tpu.memory_space<semaphore_mem>>) {add = true}
        %dma_wait3A_240 = arith.constant 0 : i32
        %dma_wait3A_241 = arith.constant 0 : i32
        %dma_wait3A_242 = tpu.memref_slice %arg10[%run_scoped3A, %dma_wait3A_240, %dma_wait3A_241] : memref<8x128x16xf32, #tpu.memory_space<vmem>> -> memref<1x128x16xf32, #tpu.memory_space<vmem>>
        %dma_wait3A_243 = tpu.memref_squeeze %dma_wait3A_242 : memref<1x128x16xf32, #tpu.memory_space<vmem>> -> memref<128x16xf32, #tpu.memory_space<vmem>>
        %dma_wait3A_244 = arith.constant 0 : i32
        %dma_wait3A_245 = tpu.memref_slice %arg9[%run_scoped3A_214, %dma_wait3A_244] : memref<8x128xi32, #tpu.memory_space<vmem>> -> memref<1x128xi32, #tpu.memory_space<vmem>>
        %dma_wait3A_246 = tpu.memref_squeeze %dma_wait3A_245 : memref<1x128xi32, #tpu.memory_space<vmem>> -> memref<128xi32, #tpu.memory_space<vmem>>
        %dma_wait3A_247 = arith.constant 0 : i32
        %dma_wait3A_248 = arith.constant 0 : i32
        %dma_wait3A_249 = tpu.memref_slice %arg7[%dma_wait3A_247, %dma_wait3A_248] : memref<100352x16xf32, #tpu.memory_space<vmem_shared>> -> memref<100352x16xf32, #tpu.memory_space<vmem_shared>>
        tpu.wait_indirect_dma semaphore(%run_scoped3A_229 : memref<!tpu.dma_semaphore, #tpu.memory_space<semaphore_mem>>) src(%dma_wait3A_243 : memref<128x16xf32, #tpu.memory_space<vmem>>) dst(%dma_wait3A_249 : memref<100352x16xf32, #tpu.memory_space<vmem_shared>>)
        tpu.yield
      }) : () -> ()
      %run_scoped3A_215 = arith.constant 1 : i32
      %run_scoped3A_216 = arith.constant 1 : i32
      "tpu.region"() ({
        %run_scoped3A_229 = tpu.sem_alloc : memref<!tpu.dma_semaphore, #tpu.memory_space<semaphore_mem>>
        %dma_start3A_230 = arith.constant 0 : i32
        %dma_start3A_231 = arith.constant 0 : i32
        %dma_start3A_232 = tpu.memref_slice %arg10[%run_scoped3A_215, %dma_start3A_230, %dma_start3A_231] : memref<8x128x16xf32, #tpu.memory_space<vmem>> -> memref<1x128x16xf32, #tpu.memory_space<vmem>>
        %dma_start3A_233 = tpu.memref_squeeze %dma_start3A_232 : memref<1x128x16xf32, #tpu.memory_space<vmem>> -> memref<128x16xf32, #tpu.memory_space<vmem>>
        %dma_start3A_234 = arith.constant 0 : i32
        %dma_start3A_235 = tpu.memref_slice %arg9[%run_scoped3A_216, %dma_start3A_234] : memref<8x128xi32, #tpu.memory_space<vmem>> -> memref<1x128xi32, #tpu.memory_space<vmem>>
        %dma_start3A_236 = tpu.memref_squeeze %dma_start3A_235 : memref<1x128xi32, #tpu.memory_space<vmem>> -> memref<128xi32, #tpu.memory_space<vmem>>
        %dma_start3A_237 = arith.constant 0 : i32
        %dma_start3A_238 = arith.constant 0 : i32
        %dma_start3A_239 = tpu.memref_slice %arg7[%dma_start3A_237, %dma_start3A_238] : memref<100352x16xf32, #tpu.memory_space<vmem_shared>> -> memref<100352x16xf32, #tpu.memory_space<vmem_shared>>
        tpu.enqueue_indirect_dma source(%dma_start3A_233 : memref<128x16xf32, #tpu.memory_space<vmem>>) target(%dma_start3A_239 : memref<100352x16xf32, #tpu.memory_space<vmem_shared>>) offsets(%dma_start3A_236 : memref<128xi32, #tpu.memory_space<vmem>>) semaphore(%run_scoped3A_229 : memref<!tpu.dma_semaphore, #tpu.memory_space<semaphore_mem>>) {add = true}
        %dma_wait3A_240 = arith.constant 0 : i32
        %dma_wait3A_241 = arith.constant 0 : i32
        %dma_wait3A_242 = tpu.memref_slice %arg10[%run_scoped3A_215, %dma_wait3A_240, %dma_wait3A_241] : memref<8x128x16xf32, #tpu.memory_space<vmem>> -> memref<1x128x16xf32, #tpu.memory_space<vmem>>
        %dma_wait3A_243 = tpu.memref_squeeze %dma_wait3A_242 : memref<1x128x16xf32, #tpu.memory_space<vmem>> -> memref<128x16xf32, #tpu.memory_space<vmem>>
        %dma_wait3A_244 = arith.constant 0 : i32
        %dma_wait3A_245 = tpu.memref_slice %arg9[%run_scoped3A_216, %dma_wait3A_244] : memref<8x128xi32, #tpu.memory_space<vmem>> -> memref<1x128xi32, #tpu.memory_space<vmem>>
        %dma_wait3A_246 = tpu.memref_squeeze %dma_wait3A_245 : memref<1x128xi32, #tpu.memory_space<vmem>> -> memref<128xi32, #tpu.memory_space<vmem>>
        %dma_wait3A_247 = arith.constant 0 : i32
        %dma_wait3A_248 = arith.constant 0 : i32
        %dma_wait3A_249 = tpu.memref_slice %arg7[%dma_wait3A_247, %dma_wait3A_248] : memref<100352x16xf32, #tpu.memory_space<vmem_shared>> -> memref<100352x16xf32, #tpu.memory_space<vmem_shared>>
        tpu.wait_indirect_dma semaphore(%run_scoped3A_229 : memref<!tpu.dma_semaphore, #tpu.memory_space<semaphore_mem>>) src(%dma_wait3A_243 : memref<128x16xf32, #tpu.memory_space<vmem>>) dst(%dma_wait3A_249 : memref<100352x16xf32, #tpu.memory_space<vmem_shared>>)
        tpu.yield
      }) : () -> ()
      %run_scoped3A_217 = arith.constant 2 : i32
      %run_scoped3A_218 = arith.constant 2 : i32
      "tpu.region"() ({
        %run_scoped3A_229 = tpu.sem_alloc : memref<!tpu.dma_semaphore, #tpu.memory_space<semaphore_mem>>
        %dma_start3A_230 = arith.constant 0 : i32
        %dma_start3A_231 = arith.constant 0 : i32
        %dma_start3A_232 = tpu.memref_slice %arg10[%run_scoped3A_217, %dma_start3A_230, %dma_start3A_231] : memref<8x128x16xf32, #tpu.memory_space<vmem>> -> memref<1x128x16xf32, #tpu.memory_space<vmem>>
        %dma_start3A_233 = tpu.memref_squeeze %dma_start3A_232 : memref<1x128x16xf32, #tpu.memory_space<vmem>> -> memref<128x16xf32, #tpu.memory_space<vmem>>
        %dma_start3A_234 = arith.constant 0 : i32
        %dma_start3A_235 = tpu.memref_slice %arg9[%run_scoped3A_218, %dma_start3A_234] : memref<8x128xi32, #tpu.memory_space<vmem>> -> memref<1x128xi32, #tpu.memory_space<vmem>>
        %dma_start3A_236 = tpu.memref_squeeze %dma_start3A_235 : memref<1x128xi32, #tpu.memory_space<vmem>> -> memref<128xi32, #tpu.memory_space<vmem>>
        %dma_start3A_237 = arith.constant 0 : i32
        %dma_start3A_238 = arith.constant 0 : i32
        %dma_start3A_239 = tpu.memref_slice %arg7[%dma_start3A_237, %dma_start3A_238] : memref<100352x16xf32, #tpu.memory_space<vmem_shared>> -> memref<100352x16xf32, #tpu.memory_space<vmem_shared>>
        tpu.enqueue_indirect_dma source(%dma_start3A_233 : memref<128x16xf32, #tpu.memory_space<vmem>>) target(%dma_start3A_239 : memref<100352x16xf32, #tpu.memory_space<vmem_shared>>) offsets(%dma_start3A_236 : memref<128xi32, #tpu.memory_space<vmem>>) semaphore(%run_scoped3A_229 : memref<!tpu.dma_semaphore, #tpu.memory_space<semaphore_mem>>) {add = true}
        %dma_wait3A_240 = arith.constant 0 : i32
        %dma_wait3A_241 = arith.constant 0 : i32
        %dma_wait3A_242 = tpu.memref_slice %arg10[%run_scoped3A_217, %dma_wait3A_240, %dma_wait3A_241] : memref<8x128x16xf32, #tpu.memory_space<vmem>> -> memref<1x128x16xf32, #tpu.memory_space<vmem>>
        %dma_wait3A_243 = tpu.memref_squeeze %dma_wait3A_242 : memref<1x128x16xf32, #tpu.memory_space<vmem>> -> memref<128x16xf32, #tpu.memory_space<vmem>>
        %dma_wait3A_244 = arith.constant 0 : i32
        %dma_wait3A_245 = tpu.memref_slice %arg9[%run_scoped3A_218, %dma_wait3A_244] : memref<8x128xi32, #tpu.memory_space<vmem>> -> memref<1x128xi32, #tpu.memory_space<vmem>>
        %dma_wait3A_246 = tpu.memref_squeeze %dma_wait3A_245 : memref<1x128xi32, #tpu.memory_space<vmem>> -> memref<128xi32, #tpu.memory_space<vmem>>
        %dma_wait3A_247 = arith.constant 0 : i32
        %dma_wait3A_248 = arith.constant 0 : i32
        %dma_wait3A_249 = tpu.memref_slice %arg7[%dma_wait3A_247, %dma_wait3A_248] : memref<100352x16xf32, #tpu.memory_space<vmem_shared>> -> memref<100352x16xf32, #tpu.memory_space<vmem_shared>>
        tpu.wait_indirect_dma semaphore(%run_scoped3A_229 : memref<!tpu.dma_semaphore, #tpu.memory_space<semaphore_mem>>) src(%dma_wait3A_243 : memref<128x16xf32, #tpu.memory_space<vmem>>) dst(%dma_wait3A_249 : memref<100352x16xf32, #tpu.memory_space<vmem_shared>>)
        tpu.yield
      }) : () -> ()
      %run_scoped3A_219 = arith.constant 3 : i32
      %run_scoped3A_220 = arith.constant 3 : i32
      "tpu.region"() ({
        %run_scoped3A_229 = tpu.sem_alloc : memref<!tpu.dma_semaphore, #tpu.memory_space<semaphore_mem>>
        %dma_start3A_230 = arith.constant 0 : i32
        %dma_start3A_231 = arith.constant 0 : i32
        %dma_start3A_232 = tpu.memref_slice %arg10[%run_scoped3A_219, %dma_start3A_230, %dma_start3A_231] : memref<8x128x16xf32, #tpu.memory_space<vmem>> -> memref<1x128x16xf32, #tpu.memory_space<vmem>>
        %dma_start3A_233 = tpu.memref_squeeze %dma_start3A_232 : memref<1x128x16xf32, #tpu.memory_space<vmem>> -> memref<128x16xf32, #tpu.memory_space<vmem>>
        %dma_start3A_234 = arith.constant 0 : i32
        %dma_start3A_235 = tpu.memref_slice %arg9[%run_scoped3A_220, %dma_start3A_234] : memref<8x128xi32, #tpu.memory_space<vmem>> -> memref<1x128xi32, #tpu.memory_space<vmem>>
        %dma_start3A_236 = tpu.memref_squeeze %dma_start3A_235 : memref<1x128xi32, #tpu.memory_space<vmem>> -> memref<128xi32, #tpu.memory_space<vmem>>
        %dma_start3A_237 = arith.constant 0 : i32
        %dma_start3A_238 = arith.constant 0 : i32
        %dma_start3A_239 = tpu.memref_slice %arg7[%dma_start3A_237, %dma_start3A_238] : memref<100352x16xf32, #tpu.memory_space<vmem_shared>> -> memref<100352x16xf32, #tpu.memory_space<vmem_shared>>
        tpu.enqueue_indirect_dma source(%dma_start3A_233 : memref<128x16xf32, #tpu.memory_space<vmem>>) target(%dma_start3A_239 : memref<100352x16xf32, #tpu.memory_space<vmem_shared>>) offsets(%dma_start3A_236 : memref<128xi32, #tpu.memory_space<vmem>>) semaphore(%run_scoped3A_229 : memref<!tpu.dma_semaphore, #tpu.memory_space<semaphore_mem>>) {add = true}
        %dma_wait3A_240 = arith.constant 0 : i32
        %dma_wait3A_241 = arith.constant 0 : i32
        %dma_wait3A_242 = tpu.memref_slice %arg10[%run_scoped3A_219, %dma_wait3A_240, %dma_wait3A_241] : memref<8x128x16xf32, #tpu.memory_space<vmem>> -> memref<1x128x16xf32, #tpu.memory_space<vmem>>
        %dma_wait3A_243 = tpu.memref_squeeze %dma_wait3A_242 : memref<1x128x16xf32, #tpu.memory_space<vmem>> -> memref<128x16xf32, #tpu.memory_space<vmem>>
        %dma_wait3A_244 = arith.constant 0 : i32
        %dma_wait3A_245 = tpu.memref_slice %arg9[%run_scoped3A_220, %dma_wait3A_244] : memref<8x128xi32, #tpu.memory_space<vmem>> -> memref<1x128xi32, #tpu.memory_space<vmem>>
        %dma_wait3A_246 = tpu.memref_squeeze %dma_wait3A_245 : memref<1x128xi32, #tpu.memory_space<vmem>> -> memref<128xi32, #tpu.memory_space<vmem>>
        %dma_wait3A_247 = arith.constant 0 : i32
        %dma_wait3A_248 = arith.constant 0 : i32
        %dma_wait3A_249 = tpu.memref_slice %arg7[%dma_wait3A_247, %dma_wait3A_248] : memref<100352x16xf32, #tpu.memory_space<vmem_shared>> -> memref<100352x16xf32, #tpu.memory_space<vmem_shared>>
        tpu.wait_indirect_dma semaphore(%run_scoped3A_229 : memref<!tpu.dma_semaphore, #tpu.memory_space<semaphore_mem>>) src(%dma_wait3A_243 : memref<128x16xf32, #tpu.memory_space<vmem>>) dst(%dma_wait3A_249 : memref<100352x16xf32, #tpu.memory_space<vmem_shared>>)
        tpu.yield
      }) : () -> ()
      %run_scoped3A_221 = arith.constant 4 : i32
      %run_scoped3A_222 = arith.constant 4 : i32
      "tpu.region"() ({
        %run_scoped3A_229 = tpu.sem_alloc : memref<!tpu.dma_semaphore, #tpu.memory_space<semaphore_mem>>
        %dma_start3A_230 = arith.constant 0 : i32
        %dma_start3A_231 = arith.constant 0 : i32
        %dma_start3A_232 = tpu.memref_slice %arg10[%run_scoped3A_221, %dma_start3A_230, %dma_start3A_231] : memref<8x128x16xf32, #tpu.memory_space<vmem>> -> memref<1x128x16xf32, #tpu.memory_space<vmem>>
        %dma_start3A_233 = tpu.memref_squeeze %dma_start3A_232 : memref<1x128x16xf32, #tpu.memory_space<vmem>> -> memref<128x16xf32, #tpu.memory_space<vmem>>
        %dma_start3A_234 = arith.constant 0 : i32
        %dma_start3A_235 = tpu.memref_slice %arg9[%run_scoped3A_222, %dma_start3A_234] : memref<8x128xi32, #tpu.memory_space<vmem>> -> memref<1x128xi32, #tpu.memory_space<vmem>>
        %dma_start3A_236 = tpu.memref_squeeze %dma_start3A_235 : memref<1x128xi32, #tpu.memory_space<vmem>> -> memref<128xi32, #tpu.memory_space<vmem>>
        %dma_start3A_237 = arith.constant 0 : i32
        %dma_start3A_238 = arith.constant 0 : i32
        %dma_start3A_239 = tpu.memref_slice %arg7[%dma_start3A_237, %dma_start3A_238] : memref<100352x16xf32, #tpu.memory_space<vmem_shared>> -> memref<100352x16xf32, #tpu.memory_space<vmem_shared>>
        tpu.enqueue_indirect_dma source(%dma_start3A_233 : memref<128x16xf32, #tpu.memory_space<vmem>>) target(%dma_start3A_239 : memref<100352x16xf32, #tpu.memory_space<vmem_shared>>) offsets(%dma_start3A_236 : memref<128xi32, #tpu.memory_space<vmem>>) semaphore(%run_scoped3A_229 : memref<!tpu.dma_semaphore, #tpu.memory_space<semaphore_mem>>) {add = true}
        %dma_wait3A_240 = arith.constant 0 : i32
        %dma_wait3A_241 = arith.constant 0 : i32
        %dma_wait3A_242 = tpu.memref_slice %arg10[%run_scoped3A_221, %dma_wait3A_240, %dma_wait3A_241] : memref<8x128x16xf32, #tpu.memory_space<vmem>> -> memref<1x128x16xf32, #tpu.memory_space<vmem>>
        %dma_wait3A_243 = tpu.memref_squeeze %dma_wait3A_242 : memref<1x128x16xf32, #tpu.memory_space<vmem>> -> memref<128x16xf32, #tpu.memory_space<vmem>>
        %dma_wait3A_244 = arith.constant 0 : i32
        %dma_wait3A_245 = tpu.memref_slice %arg9[%run_scoped3A_222, %dma_wait3A_244] : memref<8x128xi32, #tpu.memory_space<vmem>> -> memref<1x128xi32, #tpu.memory_space<vmem>>
        %dma_wait3A_246 = tpu.memref_squeeze %dma_wait3A_245 : memref<1x128xi32, #tpu.memory_space<vmem>> -> memref<128xi32, #tpu.memory_space<vmem>>
        %dma_wait3A_247 = arith.constant 0 : i32
        %dma_wait3A_248 = arith.constant 0 : i32
        %dma_wait3A_249 = tpu.memref_slice %arg7[%dma_wait3A_247, %dma_wait3A_248] : memref<100352x16xf32, #tpu.memory_space<vmem_shared>> -> memref<100352x16xf32, #tpu.memory_space<vmem_shared>>
        tpu.wait_indirect_dma semaphore(%run_scoped3A_229 : memref<!tpu.dma_semaphore, #tpu.memory_space<semaphore_mem>>) src(%dma_wait3A_243 : memref<128x16xf32, #tpu.memory_space<vmem>>) dst(%dma_wait3A_249 : memref<100352x16xf32, #tpu.memory_space<vmem_shared>>)
        tpu.yield
      }) : () -> ()
      %run_scoped3A_223 = arith.constant 5 : i32
      %run_scoped3A_224 = arith.constant 5 : i32
      "tpu.region"() ({
        %run_scoped3A_229 = tpu.sem_alloc : memref<!tpu.dma_semaphore, #tpu.memory_space<semaphore_mem>>
        %dma_start3A_230 = arith.constant 0 : i32
        %dma_start3A_231 = arith.constant 0 : i32
        %dma_start3A_232 = tpu.memref_slice %arg10[%run_scoped3A_223, %dma_start3A_230, %dma_start3A_231] : memref<8x128x16xf32, #tpu.memory_space<vmem>> -> memref<1x128x16xf32, #tpu.memory_space<vmem>>
        %dma_start3A_233 = tpu.memref_squeeze %dma_start3A_232 : memref<1x128x16xf32, #tpu.memory_space<vmem>> -> memref<128x16xf32, #tpu.memory_space<vmem>>
        %dma_start3A_234 = arith.constant 0 : i32
        %dma_start3A_235 = tpu.memref_slice %arg9[%run_scoped3A_224, %dma_start3A_234] : memref<8x128xi32, #tpu.memory_space<vmem>> -> memref<1x128xi32, #tpu.memory_space<vmem>>
        %dma_start3A_236 = tpu.memref_squeeze %dma_start3A_235 : memref<1x128xi32, #tpu.memory_space<vmem>> -> memref<128xi32, #tpu.memory_space<vmem>>
        %dma_start3A_237 = arith.constant 0 : i32
        %dma_start3A_238 = arith.constant 0 : i32
        %dma_start3A_239 = tpu.memref_slice %arg7[%dma_start3A_237, %dma_start3A_238] : memref<100352x16xf32, #tpu.memory_space<vmem_shared>> -> memref<100352x16xf32, #tpu.memory_space<vmem_shared>>
        tpu.enqueue_indirect_dma source(%dma_start3A_233 : memref<128x16xf32, #tpu.memory_space<vmem>>) target(%dma_start3A_239 : memref<100352x16xf32, #tpu.memory_space<vmem_shared>>) offsets(%dma_start3A_236 : memref<128xi32, #tpu.memory_space<vmem>>) semaphore(%run_scoped3A_229 : memref<!tpu.dma_semaphore, #tpu.memory_space<semaphore_mem>>) {add = true}
        %dma_wait3A_240 = arith.constant 0 : i32
        %dma_wait3A_241 = arith.constant 0 : i32
        %dma_wait3A_242 = tpu.memref_slice %arg10[%run_scoped3A_223, %dma_wait3A_240, %dma_wait3A_241] : memref<8x128x16xf32, #tpu.memory_space<vmem>> -> memref<1x128x16xf32, #tpu.memory_space<vmem>>
        %dma_wait3A_243 = tpu.memref_squeeze %dma_wait3A_242 : memref<1x128x16xf32, #tpu.memory_space<vmem>> -> memref<128x16xf32, #tpu.memory_space<vmem>>
        %dma_wait3A_244 = arith.constant 0 : i32
        %dma_wait3A_245 = tpu.memref_slice %arg9[%run_scoped3A_224, %dma_wait3A_244] : memref<8x128xi32, #tpu.memory_space<vmem>> -> memref<1x128xi32, #tpu.memory_space<vmem>>
        %dma_wait3A_246 = tpu.memref_squeeze %dma_wait3A_245 : memref<1x128xi32, #tpu.memory_space<vmem>> -> memref<128xi32, #tpu.memory_space<vmem>>
        %dma_wait3A_247 = arith.constant 0 : i32
        %dma_wait3A_248 = arith.constant 0 : i32
        %dma_wait3A_249 = tpu.memref_slice %arg7[%dma_wait3A_247, %dma_wait3A_248] : memref<100352x16xf32, #tpu.memory_space<vmem_shared>> -> memref<100352x16xf32, #tpu.memory_space<vmem_shared>>
        tpu.wait_indirect_dma semaphore(%run_scoped3A_229 : memref<!tpu.dma_semaphore, #tpu.memory_space<semaphore_mem>>) src(%dma_wait3A_243 : memref<128x16xf32, #tpu.memory_space<vmem>>) dst(%dma_wait3A_249 : memref<100352x16xf32, #tpu.memory_space<vmem_shared>>)
        tpu.yield
      }) : () -> ()
      %run_scoped3A_225 = arith.constant 6 : i32
      %run_scoped3A_226 = arith.constant 6 : i32
      "tpu.region"() ({
        %run_scoped3A_229 = tpu.sem_alloc : memref<!tpu.dma_semaphore, #tpu.memory_space<semaphore_mem>>
        %dma_start3A_230 = arith.constant 0 : i32
        %dma_start3A_231 = arith.constant 0 : i32
        %dma_start3A_232 = tpu.memref_slice %arg10[%run_scoped3A_225, %dma_start3A_230, %dma_start3A_231] : memref<8x128x16xf32, #tpu.memory_space<vmem>> -> memref<1x128x16xf32, #tpu.memory_space<vmem>>
        %dma_start3A_233 = tpu.memref_squeeze %dma_start3A_232 : memref<1x128x16xf32, #tpu.memory_space<vmem>> -> memref<128x16xf32, #tpu.memory_space<vmem>>
        %dma_start3A_234 = arith.constant 0 : i32
        %dma_start3A_235 = tpu.memref_slice %arg9[%run_scoped3A_226, %dma_start3A_234] : memref<8x128xi32, #tpu.memory_space<vmem>> -> memref<1x128xi32, #tpu.memory_space<vmem>>
        %dma_start3A_236 = tpu.memref_squeeze %dma_start3A_235 : memref<1x128xi32, #tpu.memory_space<vmem>> -> memref<128xi32, #tpu.memory_space<vmem>>
        %dma_start3A_237 = arith.constant 0 : i32
        %dma_start3A_238 = arith.constant 0 : i32
        %dma_start3A_239 = tpu.memref_slice %arg7[%dma_start3A_237, %dma_start3A_238] : memref<100352x16xf32, #tpu.memory_space<vmem_shared>> -> memref<100352x16xf32, #tpu.memory_space<vmem_shared>>
        tpu.enqueue_indirect_dma source(%dma_start3A_233 : memref<128x16xf32, #tpu.memory_space<vmem>>) target(%dma_start3A_239 : memref<100352x16xf32, #tpu.memory_space<vmem_shared>>) offsets(%dma_start3A_236 : memref<128xi32, #tpu.memory_space<vmem>>) semaphore(%run_scoped3A_229 : memref<!tpu.dma_semaphore, #tpu.memory_space<semaphore_mem>>) {add = true}
        %dma_wait3A_240 = arith.constant 0 : i32
        %dma_wait3A_241 = arith.constant 0 : i32
        %dma_wait3A_242 = tpu.memref_slice %arg10[%run_scoped3A_225, %dma_wait3A_240, %dma_wait3A_241] : memref<8x128x16xf32, #tpu.memory_space<vmem>> -> memref<1x128x16xf32, #tpu.memory_space<vmem>>
        %dma_wait3A_243 = tpu.memref_squeeze %dma_wait3A_242 : memref<1x128x16xf32, #tpu.memory_space<vmem>> -> memref<128x16xf32, #tpu.memory_space<vmem>>
        %dma_wait3A_244 = arith.constant 0 : i32
        %dma_wait3A_245 = tpu.memref_slice %arg9[%run_scoped3A_226, %dma_wait3A_244] : memref<8x128xi32, #tpu.memory_space<vmem>> -> memref<1x128xi32, #tpu.memory_space<vmem>>
        %dma_wait3A_246 = tpu.memref_squeeze %dma_wait3A_245 : memref<1x128xi32, #tpu.memory_space<vmem>> -> memref<128xi32, #tpu.memory_space<vmem>>
        %dma_wait3A_247 = arith.constant 0 : i32
        %dma_wait3A_248 = arith.constant 0 : i32
        %dma_wait3A_249 = tpu.memref_slice %arg7[%dma_wait3A_247, %dma_wait3A_248] : memref<100352x16xf32, #tpu.memory_space<vmem_shared>> -> memref<100352x16xf32, #tpu.memory_space<vmem_shared>>
        tpu.wait_indirect_dma semaphore(%run_scoped3A_229 : memref<!tpu.dma_semaphore, #tpu.memory_space<semaphore_mem>>) src(%dma_wait3A_243 : memref<128x16xf32, #tpu.memory_space<vmem>>) dst(%dma_wait3A_249 : memref<100352x16xf32, #tpu.memory_space<vmem_shared>>)
        tpu.yield
      }) : () -> ()
      %run_scoped3A_227 = arith.constant 7 : i32
      %run_scoped3A_228 = arith.constant 7 : i32
      "tpu.region"() ({
        %run_scoped3A_229 = tpu.sem_alloc : memref<!tpu.dma_semaphore, #tpu.memory_space<semaphore_mem>>
        %dma_start3A_230 = arith.constant 0 : i32
        %dma_start3A_231 = arith.constant 0 : i32
        %dma_start3A_232 = tpu.memref_slice %arg10[%run_scoped3A_227, %dma_start3A_230, %dma_start3A_231] : memref<8x128x16xf32, #tpu.memory_space<vmem>> -> memref<1x128x16xf32, #tpu.memory_space<vmem>>
        %dma_start3A_233 = tpu.memref_squeeze %dma_start3A_232 : memref<1x128x16xf32, #tpu.memory_space<vmem>> -> memref<128x16xf32, #tpu.memory_space<vmem>>
        %dma_start3A_234 = arith.constant 0 : i32
        %dma_start3A_235 = tpu.memref_slice %arg9[%run_scoped3A_228, %dma_start3A_234] : memref<8x128xi32, #tpu.memory_space<vmem>> -> memref<1x128xi32, #tpu.memory_space<vmem>>
        %dma_start3A_236 = tpu.memref_squeeze %dma_start3A_235 : memref<1x128xi32, #tpu.memory_space<vmem>> -> memref<128xi32, #tpu.memory_space<vmem>>
        %dma_start3A_237 = arith.constant 0 : i32
        %dma_start3A_238 = arith.constant 0 : i32
        %dma_start3A_239 = tpu.memref_slice %arg7[%dma_start3A_237, %dma_start3A_238] : memref<100352x16xf32, #tpu.memory_space<vmem_shared>> -> memref<100352x16xf32, #tpu.memory_space<vmem_shared>>
        tpu.enqueue_indirect_dma source(%dma_start3A_233 : memref<128x16xf32, #tpu.memory_space<vmem>>) target(%dma_start3A_239 : memref<100352x16xf32, #tpu.memory_space<vmem_shared>>) offsets(%dma_start3A_236 : memref<128xi32, #tpu.memory_space<vmem>>) semaphore(%run_scoped3A_229 : memref<!tpu.dma_semaphore, #tpu.memory_space<semaphore_mem>>) {add = true}
        %dma_wait3A_240 = arith.constant 0 : i32
        %dma_wait3A_241 = arith.constant 0 : i32
        %dma_wait3A_242 = tpu.memref_slice %arg10[%run_scoped3A_227, %dma_wait3A_240, %dma_wait3A_241] : memref<8x128x16xf32, #tpu.memory_space<vmem>> -> memref<1x128x16xf32, #tpu.memory_space<vmem>>
        %dma_wait3A_243 = tpu.memref_squeeze %dma_wait3A_242 : memref<1x128x16xf32, #tpu.memory_space<vmem>> -> memref<128x16xf32, #tpu.memory_space<vmem>>
        %dma_wait3A_244 = arith.constant 0 : i32
        %dma_wait3A_245 = tpu.memref_slice %arg9[%run_scoped3A_228, %dma_wait3A_244] : memref<8x128xi32, #tpu.memory_space<vmem>> -> memref<1x128xi32, #tpu.memory_space<vmem>>
        %dma_wait3A_246 = tpu.memref_squeeze %dma_wait3A_245 : memref<1x128xi32, #tpu.memory_space<vmem>> -> memref<128xi32, #tpu.memory_space<vmem>>
        %dma_wait3A_247 = arith.constant 0 : i32
        %dma_wait3A_248 = arith.constant 0 : i32
        %dma_wait3A_249 = tpu.memref_slice %arg7[%dma_wait3A_247, %dma_wait3A_248] : memref<100352x16xf32, #tpu.memory_space<vmem_shared>> -> memref<100352x16xf32, #tpu.memory_space<vmem_shared>>
        tpu.wait_indirect_dma semaphore(%run_scoped3A_229 : memref<!tpu.dma_semaphore, #tpu.memory_space<semaphore_mem>>) src(%dma_wait3A_243 : memref<128x16xf32, #tpu.memory_space<vmem>>) dst(%dma_wait3A_249 : memref<100352x16xf32, #tpu.memory_space<vmem_shared>>)
        tpu.yield
      }) : () -> ()
    }
    %scan3A_11 = arith.constant 100 : i32
    %barrier3A_12 = arith.constant 0 : index
    tpu.barrier barrier_id(%barrier3A_12)
    %mul3A_13 = arith.constant 6272 : i32
    %mul3A_14 = arith.muli %arg1, %mul3A_13 : i32
    %mul3A_15 = arith.constant 100352 : i32
    %mul3A_16 = arith.muli %arg0, %mul3A_15 : i32
    %mul3A_17 = arith.constant 6272 : i32
    %mul3A_18 = arith.muli %arg1, %mul3A_17 : i32
    %add3A_19 = arith.addi %mul3A_16, %mul3A_18 : i32
    "tpu.region"() ({
      %run_scoped3A = tpu.sem_alloc : memref<!tpu.dma_semaphore, #tpu.memory_space<semaphore_mem>>
      %dma_start3A = arith.constant 0 : i32
      %dma_start3A_20 = tpu.memref_slice %arg6[%add3A_19, %dma_start3A] : memref<200704x16xf32, #tpu.memory_space<hbm>> -> memref<6272x16xf32, #tpu.memory_space<hbm>>
      %dma_start3A_21 = arith.constant 0 : i32
      %dma_start3A_22 = tpu.memref_slice %arg7[%mul3A_14, %dma_start3A_21] : memref<100352x16xf32, #tpu.memory_space<vmem_shared>> -> memref<6272x16xf32, #tpu.memory_space<vmem_shared>>
      tpu.enqueue_dma source(%dma_start3A_22 : memref<6272x16xf32, #tpu.memory_space<vmem_shared>>) target(%dma_start3A_20 : memref<6272x16xf32, #tpu.memory_space<hbm>>) target_semaphore(%run_scoped3A : memref<!tpu.dma_semaphore, #tpu.memory_space<semaphore_mem>>)
      %dma_wait3A = arith.constant 0 : i32
      %dma_wait3A_23 = tpu.memref_slice %arg6[%add3A_19, %dma_wait3A] : memref<200704x16xf32, #tpu.memory_space<hbm>> -> memref<6272x16xf32, #tpu.memory_space<hbm>>
      %dma_wait3A_24 = arith.constant 0 : i32
      %dma_wait3A_25 = tpu.memref_slice %arg7[%mul3A_14, %dma_wait3A_24] : memref<100352x16xf32, #tpu.memory_space<vmem_shared>> -> memref<6272x16xf32, #tpu.memory_space<vmem_shared>>
      tpu.wait_dma2 semaphore(%run_scoped3A : memref<!tpu.dma_semaphore, #tpu.memory_space<semaphore_mem>>) src(%dma_wait3A_25 : memref<6272x16xf32, #tpu.memory_space<vmem_shared>>) dst(%dma_wait3A_23 : memref<6272x16xf32, #tpu.memory_space<hbm>>)
      tpu.yield
    }) : () -> ()
    return
  }
}

#map = affine_map<(d0, d1) -> (0, 0)>
#map1 = affine_map<(d0, d1) -> (0)>
module attributes {stable_mosaic.version = 14 : i64} {
  func.func @_deg_body(%arg0: i32, %arg1: i32, %arg2: memref<25600x128xi32, #tpu.memory_space<hbm>>, %arg3: memref<100352xf32, #tpu.memory_space<hbm>>, %arg4: memref<200704xf32, #tpu.memory_space<hbm>>, %arg5: memref<100352xf32, #tpu.memory_space<vmem_shared>>, %arg6: memref<16x128xi32, #tpu.memory_space<vmem>>, %arg7: memref<128xf32, #tpu.memory_space<vmem>>) attributes {dimension_semantics = [#tpu.dimension_semantics<core_parallel>, #tpu.dimension_semantics<subcore_parallel>], iteration_bounds = array<i64: 2, 16>, scalar_prefetch = 0 : i64, scratch_operands = 3 : i64, tpu.core_type = #tpu.core_type<sc_vector_subcore>, window_params = [{transform_indices = #map}, {transform_indices = #map1}, {transform_indices = #map1}]} {
    %mul3A = arith.constant 16 : i32
    %mul3A_0 = arith.muli %arg0, %mul3A : i32
    %add3A = arith.addi %mul3A_0, %arg1 : i32
    %mul3A_1 = arith.constant 6272 : i32
    %mul3A_2 = arith.muli %arg1, %mul3A_1 : i32
    %mul3A_3 = arith.constant 6272 : i32
    %mul3A_4 = arith.muli %arg1, %mul3A_3 : i32
    "tpu.region"() ({
      %run_scoped3A = tpu.sem_alloc : memref<!tpu.dma_semaphore, #tpu.memory_space<semaphore_mem>>
      %dma_start3A = tpu.memref_slice %arg5[%mul3A_4] : memref<100352xf32, #tpu.memory_space<vmem_shared>> -> memref<6272xf32, #tpu.memory_space<vmem_shared>>
      %dma_start3A_66 = tpu.memref_slice %arg3[%mul3A_2] : memref<100352xf32, #tpu.memory_space<hbm>> -> memref<6272xf32, #tpu.memory_space<hbm>>
      tpu.enqueue_dma source(%dma_start3A_66 : memref<6272xf32, #tpu.memory_space<hbm>>) target(%dma_start3A : memref<6272xf32, #tpu.memory_space<vmem_shared>>) target_semaphore(%run_scoped3A : memref<!tpu.dma_semaphore, #tpu.memory_space<semaphore_mem>>)
      %dma_wait3A = tpu.memref_slice %arg5[%mul3A_4] : memref<100352xf32, #tpu.memory_space<vmem_shared>> -> memref<6272xf32, #tpu.memory_space<vmem_shared>>
      %dma_wait3A_67 = tpu.memref_slice %arg3[%mul3A_2] : memref<100352xf32, #tpu.memory_space<hbm>> -> memref<6272xf32, #tpu.memory_space<hbm>>
      tpu.wait_dma2 semaphore(%run_scoped3A : memref<!tpu.dma_semaphore, #tpu.memory_space<semaphore_mem>>) src(%dma_wait3A_67 : memref<6272xf32, #tpu.memory_space<hbm>>) dst(%dma_wait3A : memref<6272xf32, #tpu.memory_space<vmem_shared>>)
      tpu.yield
    }) : () -> ()
    %broadcast_in_dim3A = arith.constant 1.000000e+00 : f32
    %broadcast_in_dim3A_5 = vector.broadcast %broadcast_in_dim3A : f32 to vector<16xf32>
    %swap3A = arith.constant 0 : index
    %swap3A_6 = tpu.vector_load %arg7[%swap3A] {strides = array<i32>} : memref<128xf32, #tpu.memory_space<vmem>>, vector<16xf32>,
    %swap3A_7 = vector.shape_cast %swap3A_6 : vector<16xf32> to vector<16xf32>
    %swap3A_8 = vector.shape_cast %broadcast_in_dim3A_5 : vector<16xf32> to vector<16xf32>
    tpu.vector_store %arg7[%swap3A], %swap3A_8 {strides = array<i32>} : memref<128xf32, #tpu.memory_space<vmem>>, vector<16xf32>,
    %broadcast_in_dim3A_9 = arith.constant 1.000000e+00 : f32
    %broadcast_in_dim3A_10 = vector.broadcast %broadcast_in_dim3A_9 : f32 to vector<16xf32>
    %swap3A_11 = arith.constant 16 : index
    %swap3A_12 = tpu.vector_load %arg7[%swap3A_11] {strides = array<i32>} : memref<128xf32, #tpu.memory_space<vmem>>, vector<16xf32>,
    %swap3A_13 = vector.shape_cast %swap3A_12 : vector<16xf32> to vector<16xf32>
    %swap3A_14 = vector.shape_cast %broadcast_in_dim3A_10 : vector<16xf32> to vector<16xf32>
    tpu.vector_store %arg7[%swap3A_11], %swap3A_14 {strides = array<i32>} : memref<128xf32, #tpu.memory_space<vmem>>, vector<16xf32>,
    %broadcast_in_dim3A_15 = arith.constant 1.000000e+00 : f32
    %broadcast_in_dim3A_16 = vector.broadcast %broadcast_in_dim3A_15 : f32 to vector<16xf32>
    %swap3A_17 = arith.constant 32 : index
    %swap3A_18 = tpu.vector_load %arg7[%swap3A_17] {strides = array<i32>} : memref<128xf32, #tpu.memory_space<vmem>>, vector<16xf32>,
    %swap3A_19 = vector.shape_cast %swap3A_18 : vector<16xf32> to vector<16xf32>
    %swap3A_20 = vector.shape_cast %broadcast_in_dim3A_16 : vector<16xf32> to vector<16xf32>
    tpu.vector_store %arg7[%swap3A_17], %swap3A_20 {strides = array<i32>} : memref<128xf32, #tpu.memory_space<vmem>>, vector<16xf32>,
    %broadcast_in_dim3A_21 = arith.constant 1.000000e+00 : f32
    %broadcast_in_dim3A_22 = vector.broadcast %broadcast_in_dim3A_21 : f32 to vector<16xf32>
    %swap3A_23 = arith.constant 48 : index
    %swap3A_24 = tpu.vector_load %arg7[%swap3A_23] {strides = array<i32>} : memref<128xf32, #tpu.memory_space<vmem>>, vector<16xf32>,
    %swap3A_25 = vector.shape_cast %swap3A_24 : vector<16xf32> to vector<16xf32>
    %swap3A_26 = vector.shape_cast %broadcast_in_dim3A_22 : vector<16xf32> to vector<16xf32>
    tpu.vector_store %arg7[%swap3A_23], %swap3A_26 {strides = array<i32>} : memref<128xf32, #tpu.memory_space<vmem>>, vector<16xf32>,
    %broadcast_in_dim3A_27 = arith.constant 1.000000e+00 : f32
    %broadcast_in_dim3A_28 = vector.broadcast %broadcast_in_dim3A_27 : f32 to vector<16xf32>
    %swap3A_29 = arith.constant 64 : index
    %swap3A_30 = tpu.vector_load %arg7[%swap3A_29] {strides = array<i32>} : memref<128xf32, #tpu.memory_space<vmem>>, vector<16xf32>,
    %swap3A_31 = vector.shape_cast %swap3A_30 : vector<16xf32> to vector<16xf32>
    %swap3A_32 = vector.shape_cast %broadcast_in_dim3A_28 : vector<16xf32> to vector<16xf32>
    tpu.vector_store %arg7[%swap3A_29], %swap3A_32 {strides = array<i32>} : memref<128xf32, #tpu.memory_space<vmem>>, vector<16xf32>,
    %broadcast_in_dim3A_33 = arith.constant 1.000000e+00 : f32
    %broadcast_in_dim3A_34 = vector.broadcast %broadcast_in_dim3A_33 : f32 to vector<16xf32>
    %swap3A_35 = arith.constant 80 : index
    %swap3A_36 = tpu.vector_load %arg7[%swap3A_35] {strides = array<i32>} : memref<128xf32, #tpu.memory_space<vmem>>, vector<16xf32>,
    %swap3A_37 = vector.shape_cast %swap3A_36 : vector<16xf32> to vector<16xf32>
    %swap3A_38 = vector.shape_cast %broadcast_in_dim3A_34 : vector<16xf32> to vector<16xf32>
    tpu.vector_store %arg7[%swap3A_35], %swap3A_38 {strides = array<i32>} : memref<128xf32, #tpu.memory_space<vmem>>, vector<16xf32>,
    %broadcast_in_dim3A_39 = arith.constant 1.000000e+00 : f32
    %broadcast_in_dim3A_40 = vector.broadcast %broadcast_in_dim3A_39 : f32 to vector<16xf32>
    %swap3A_41 = arith.constant 96 : index
    %swap3A_42 = tpu.vector_load %arg7[%swap3A_41] {strides = array<i32>} : memref<128xf32, #tpu.memory_space<vmem>>, vector<16xf32>,
    %swap3A_43 = vector.shape_cast %swap3A_42 : vector<16xf32> to vector<16xf32>
    %swap3A_44 = vector.shape_cast %broadcast_in_dim3A_40 : vector<16xf32> to vector<16xf32>
    tpu.vector_store %arg7[%swap3A_41], %swap3A_44 {strides = array<i32>} : memref<128xf32, #tpu.memory_space<vmem>>, vector<16xf32>,
    %broadcast_in_dim3A_45 = arith.constant 1.000000e+00 : f32
    %broadcast_in_dim3A_46 = vector.broadcast %broadcast_in_dim3A_45 : f32 to vector<16xf32>
    %swap3A_47 = arith.constant 112 : index
    %swap3A_48 = tpu.vector_load %arg7[%swap3A_47] {strides = array<i32>} : memref<128xf32, #tpu.memory_space<vmem>>, vector<16xf32>,
    %swap3A_49 = vector.shape_cast %swap3A_48 : vector<16xf32> to vector<16xf32>
    %swap3A_50 = vector.shape_cast %broadcast_in_dim3A_46 : vector<16xf32> to vector<16xf32>
    tpu.vector_store %arg7[%swap3A_47], %swap3A_50 {strides = array<i32>} : memref<128xf32, #tpu.memory_space<vmem>>, vector<16xf32>,
    %barrier3A = arith.constant 0 : index
    tpu.barrier barrier_id(%barrier3A)
    %mul3A_51 = arith.constant 800 : i32
    %mul3A_52 = arith.muli %add3A, %mul3A_51 : i32
    %scan3A = arith.constant 0 : i32
    %scan3A_53 = arith.constant 0 : i32
    %scan3A_54 = arith.constant 50 : i32
    %scan3A_55 = arith.addi %scan3A_53, %scan3A_54 : i32
    %scan3A_56 = arith.constant 1 : i32
    scf.for %scan3A_66 = %scan3A_53 to %scan3A_55 step %scan3A_56  : i32 {
      %mul3A_67 = arith.constant 16 : i32
      %mul3A_68 = arith.muli %scan3A_66, %mul3A_67 : i32
      %add3A_69 = arith.addi %mul3A_52, %mul3A_68 : i32
      "tpu.region"() ({
        %run_scoped3A_85 = tpu.sem_alloc : memref<!tpu.dma_semaphore, #tpu.memory_space<semaphore_mem>>
        %dma_start3A = arith.constant 0 : i32
        %dma_start3A_86 = tpu.memref_slice %arg2[%add3A_69, %dma_start3A] : memref<25600x128xi32, #tpu.memory_space<hbm>> -> memref<16x128xi32, #tpu.memory_space<hbm>>
        %dma_start3A_87 = arith.constant 0 : i32
        %dma_start3A_88 = tpu.memref_slice %arg2[%add3A_69, %dma_start3A_87] : memref<25600x128xi32, #tpu.memory_space<hbm>> -> memref<16x128xi32, #tpu.memory_space<hbm>>
        tpu.enqueue_dma source(%dma_start3A_88 : memref<16x128xi32, #tpu.memory_space<hbm>>) target(%arg6 : memref<16x128xi32, #tpu.memory_space<vmem>>) target_semaphore(%run_scoped3A_85 : memref<!tpu.dma_semaphore, #tpu.memory_space<semaphore_mem>>)
        %dma_wait3A = arith.constant 0 : i32
        %dma_wait3A_89 = tpu.memref_slice %arg2[%add3A_69, %dma_wait3A] : memref<25600x128xi32, #tpu.memory_space<hbm>> -> memref<16x128xi32, #tpu.memory_space<hbm>>
        %dma_wait3A_90 = arith.constant 0 : i32
        %dma_wait3A_91 = tpu.memref_slice %arg2[%add3A_69, %dma_wait3A_90] : memref<25600x128xi32, #tpu.memory_space<hbm>> -> memref<16x128xi32, #tpu.memory_space<hbm>>
        tpu.wait_dma2 semaphore(%run_scoped3A_85 : memref<!tpu.dma_semaphore, #tpu.memory_space<semaphore_mem>>) src(%dma_wait3A_91 : memref<16x128xi32, #tpu.memory_space<hbm>>) dst(%arg6 : memref<16x128xi32, #tpu.memory_space<vmem>>)
        tpu.yield
      }) : () -> ()
      %run_scoped3A = arith.constant 0 : i32
      "tpu.region"() ({
        %run_scoped3A_85 = tpu.sem_alloc : memref<!tpu.dma_semaphore, #tpu.memory_space<semaphore_mem>>
        %dma_start3A = arith.constant 0 : i32
        %dma_start3A_86 = tpu.memref_slice %arg6[%run_scoped3A, %dma_start3A] : memref<16x128xi32, #tpu.memory_space<vmem>> -> memref<1x128xi32, #tpu.memory_space<vmem>>
        %dma_start3A_87 = tpu.memref_squeeze %dma_start3A_86 : memref<1x128xi32, #tpu.memory_space<vmem>> -> memref<128xi32, #tpu.memory_space<vmem>>
        %dma_start3A_88 = arith.constant 0 : i32
        %dma_start3A_89 = tpu.memref_slice %arg5[%dma_start3A_88] : memref<100352xf32, #tpu.memory_space<vmem_shared>> -> memref<100352xf32, #tpu.memory_space<vmem_shared>>
        tpu.enqueue_indirect_dma source(%arg7 : memref<128xf32, #tpu.memory_space<vmem>>) target(%dma_start3A_89 : memref<100352xf32, #tpu.memory_space<vmem_shared>>) offsets(%dma_start3A_87 : memref<128xi32, #tpu.memory_space<vmem>>) semaphore(%run_scoped3A_85 : memref<!tpu.dma_semaphore, #tpu.memory_space<semaphore_mem>>) {add = true}
        %dma_wait3A = arith.constant 0 : i32
        %dma_wait3A_90 = tpu.memref_slice %arg6[%run_scoped3A, %dma_wait3A] : memref<16x128xi32, #tpu.memory_space<vmem>> -> memref<1x128xi32, #tpu.memory_space<vmem>>
        %dma_wait3A_91 = tpu.memref_squeeze %dma_wait3A_90 : memref<1x128xi32, #tpu.memory_space<vmem>> -> memref<128xi32, #tpu.memory_space<vmem>>
        %dma_wait3A_92 = arith.constant 0 : i32
        %dma_wait3A_93 = tpu.memref_slice %arg5[%dma_wait3A_92] : memref<100352xf32, #tpu.memory_space<vmem_shared>> -> memref<100352xf32, #tpu.memory_space<vmem_shared>>
        tpu.wait_indirect_dma semaphore(%run_scoped3A_85 : memref<!tpu.dma_semaphore, #tpu.memory_space<semaphore_mem>>) src(%arg7 : memref<128xf32, #tpu.memory_space<vmem>>) dst(%dma_wait3A_93 : memref<100352xf32, #tpu.memory_space<vmem_shared>>)
        tpu.yield
      }) : () -> ()
      %run_scoped3A_70 = arith.constant 1 : i32
      "tpu.region"() ({
        %run_scoped3A_85 = tpu.sem_alloc : memref<!tpu.dma_semaphore, #tpu.memory_space<semaphore_mem>>
        %dma_start3A = arith.constant 0 : i32
        %dma_start3A_86 = tpu.memref_slice %arg6[%run_scoped3A_70, %dma_start3A] : memref<16x128xi32, #tpu.memory_space<vmem>> -> memref<1x128xi32, #tpu.memory_space<vmem>>
        %dma_start3A_87 = tpu.memref_squeeze %dma_start3A_86 : memref<1x128xi32, #tpu.memory_space<vmem>> -> memref<128xi32, #tpu.memory_space<vmem>>
        %dma_start3A_88 = arith.constant 0 : i32
        %dma_start3A_89 = tpu.memref_slice %arg5[%dma_start3A_88] : memref<100352xf32, #tpu.memory_space<vmem_shared>> -> memref<100352xf32, #tpu.memory_space<vmem_shared>>
        tpu.enqueue_indirect_dma source(%arg7 : memref<128xf32, #tpu.memory_space<vmem>>) target(%dma_start3A_89 : memref<100352xf32, #tpu.memory_space<vmem_shared>>) offsets(%dma_start3A_87 : memref<128xi32, #tpu.memory_space<vmem>>) semaphore(%run_scoped3A_85 : memref<!tpu.dma_semaphore, #tpu.memory_space<semaphore_mem>>) {add = true}
        %dma_wait3A = arith.constant 0 : i32
        %dma_wait3A_90 = tpu.memref_slice %arg6[%run_scoped3A_70, %dma_wait3A] : memref<16x128xi32, #tpu.memory_space<vmem>> -> memref<1x128xi32, #tpu.memory_space<vmem>>
        %dma_wait3A_91 = tpu.memref_squeeze %dma_wait3A_90 : memref<1x128xi32, #tpu.memory_space<vmem>> -> memref<128xi32, #tpu.memory_space<vmem>>
        %dma_wait3A_92 = arith.constant 0 : i32
        %dma_wait3A_93 = tpu.memref_slice %arg5[%dma_wait3A_92] : memref<100352xf32, #tpu.memory_space<vmem_shared>> -> memref<100352xf32, #tpu.memory_space<vmem_shared>>
        tpu.wait_indirect_dma semaphore(%run_scoped3A_85 : memref<!tpu.dma_semaphore, #tpu.memory_space<semaphore_mem>>) src(%arg7 : memref<128xf32, #tpu.memory_space<vmem>>) dst(%dma_wait3A_93 : memref<100352xf32, #tpu.memory_space<vmem_shared>>)
        tpu.yield
      }) : () -> ()
      %run_scoped3A_71 = arith.constant 2 : i32
      "tpu.region"() ({
        %run_scoped3A_85 = tpu.sem_alloc : memref<!tpu.dma_semaphore, #tpu.memory_space<semaphore_mem>>
        %dma_start3A = arith.constant 0 : i32
        %dma_start3A_86 = tpu.memref_slice %arg6[%run_scoped3A_71, %dma_start3A] : memref<16x128xi32, #tpu.memory_space<vmem>> -> memref<1x128xi32, #tpu.memory_space<vmem>>
        %dma_start3A_87 = tpu.memref_squeeze %dma_start3A_86 : memref<1x128xi32, #tpu.memory_space<vmem>> -> memref<128xi32, #tpu.memory_space<vmem>>
        %dma_start3A_88 = arith.constant 0 : i32
        %dma_start3A_89 = tpu.memref_slice %arg5[%dma_start3A_88] : memref<100352xf32, #tpu.memory_space<vmem_shared>> -> memref<100352xf32, #tpu.memory_space<vmem_shared>>
        tpu.enqueue_indirect_dma source(%arg7 : memref<128xf32, #tpu.memory_space<vmem>>) target(%dma_start3A_89 : memref<100352xf32, #tpu.memory_space<vmem_shared>>) offsets(%dma_start3A_87 : memref<128xi32, #tpu.memory_space<vmem>>) semaphore(%run_scoped3A_85 : memref<!tpu.dma_semaphore, #tpu.memory_space<semaphore_mem>>) {add = true}
        %dma_wait3A = arith.constant 0 : i32
        %dma_wait3A_90 = tpu.memref_slice %arg6[%run_scoped3A_71, %dma_wait3A] : memref<16x128xi32, #tpu.memory_space<vmem>> -> memref<1x128xi32, #tpu.memory_space<vmem>>
        %dma_wait3A_91 = tpu.memref_squeeze %dma_wait3A_90 : memref<1x128xi32, #tpu.memory_space<vmem>> -> memref<128xi32, #tpu.memory_space<vmem>>
        %dma_wait3A_92 = arith.constant 0 : i32
        %dma_wait3A_93 = tpu.memref_slice %arg5[%dma_wait3A_92] : memref<100352xf32, #tpu.memory_space<vmem_shared>> -> memref<100352xf32, #tpu.memory_space<vmem_shared>>
        tpu.wait_indirect_dma semaphore(%run_scoped3A_85 : memref<!tpu.dma_semaphore, #tpu.memory_space<semaphore_mem>>) src(%arg7 : memref<128xf32, #tpu.memory_space<vmem>>) dst(%dma_wait3A_93 : memref<100352xf32, #tpu.memory_space<vmem_shared>>)
        tpu.yield
      }) : () -> ()
      %run_scoped3A_72 = arith.constant 3 : i32
      "tpu.region"() ({
        %run_scoped3A_85 = tpu.sem_alloc : memref<!tpu.dma_semaphore, #tpu.memory_space<semaphore_mem>>
        %dma_start3A = arith.constant 0 : i32
        %dma_start3A_86 = tpu.memref_slice %arg6[%run_scoped3A_72, %dma_start3A] : memref<16x128xi32, #tpu.memory_space<vmem>> -> memref<1x128xi32, #tpu.memory_space<vmem>>
        %dma_start3A_87 = tpu.memref_squeeze %dma_start3A_86 : memref<1x128xi32, #tpu.memory_space<vmem>> -> memref<128xi32, #tpu.memory_space<vmem>>
        %dma_start3A_88 = arith.constant 0 : i32
        %dma_start3A_89 = tpu.memref_slice %arg5[%dma_start3A_88] : memref<100352xf32, #tpu.memory_space<vmem_shared>> -> memref<100352xf32, #tpu.memory_space<vmem_shared>>
        tpu.enqueue_indirect_dma source(%arg7 : memref<128xf32, #tpu.memory_space<vmem>>) target(%dma_start3A_89 : memref<100352xf32, #tpu.memory_space<vmem_shared>>) offsets(%dma_start3A_87 : memref<128xi32, #tpu.memory_space<vmem>>) semaphore(%run_scoped3A_85 : memref<!tpu.dma_semaphore, #tpu.memory_space<semaphore_mem>>) {add = true}
        %dma_wait3A = arith.constant 0 : i32
        %dma_wait3A_90 = tpu.memref_slice %arg6[%run_scoped3A_72, %dma_wait3A] : memref<16x128xi32, #tpu.memory_space<vmem>> -> memref<1x128xi32, #tpu.memory_space<vmem>>
        %dma_wait3A_91 = tpu.memref_squeeze %dma_wait3A_90 : memref<1x128xi32, #tpu.memory_space<vmem>> -> memref<128xi32, #tpu.memory_space<vmem>>
        %dma_wait3A_92 = arith.constant 0 : i32
        %dma_wait3A_93 = tpu.memref_slice %arg5[%dma_wait3A_92] : memref<100352xf32, #tpu.memory_space<vmem_shared>> -> memref<100352xf32, #tpu.memory_space<vmem_shared>>
        tpu.wait_indirect_dma semaphore(%run_scoped3A_85 : memref<!tpu.dma_semaphore, #tpu.memory_space<semaphore_mem>>) src(%arg7 : memref<128xf32, #tpu.memory_space<vmem>>) dst(%dma_wait3A_93 : memref<100352xf32, #tpu.memory_space<vmem_shared>>)
        tpu.yield
      }) : () -> ()
      %run_scoped3A_73 = arith.constant 4 : i32
      "tpu.region"() ({
        %run_scoped3A_85 = tpu.sem_alloc : memref<!tpu.dma_semaphore, #tpu.memory_space<semaphore_mem>>
        %dma_start3A = arith.constant 0 : i32
        %dma_start3A_86 = tpu.memref_slice %arg6[%run_scoped3A_73, %dma_start3A] : memref<16x128xi32, #tpu.memory_space<vmem>> -> memref<1x128xi32, #tpu.memory_space<vmem>>
        %dma_start3A_87 = tpu.memref_squeeze %dma_start3A_86 : memref<1x128xi32, #tpu.memory_space<vmem>> -> memref<128xi32, #tpu.memory_space<vmem>>
        %dma_start3A_88 = arith.constant 0 : i32
        %dma_start3A_89 = tpu.memref_slice %arg5[%dma_start3A_88] : memref<100352xf32, #tpu.memory_space<vmem_shared>> -> memref<100352xf32, #tpu.memory_space<vmem_shared>>
        tpu.enqueue_indirect_dma source(%arg7 : memref<128xf32, #tpu.memory_space<vmem>>) target(%dma_start3A_89 : memref<100352xf32, #tpu.memory_space<vmem_shared>>) offsets(%dma_start3A_87 : memref<128xi32, #tpu.memory_space<vmem>>) semaphore(%run_scoped3A_85 : memref<!tpu.dma_semaphore, #tpu.memory_space<semaphore_mem>>) {add = true}
        %dma_wait3A = arith.constant 0 : i32
        %dma_wait3A_90 = tpu.memref_slice %arg6[%run_scoped3A_73, %dma_wait3A] : memref<16x128xi32, #tpu.memory_space<vmem>> -> memref<1x128xi32, #tpu.memory_space<vmem>>
        %dma_wait3A_91 = tpu.memref_squeeze %dma_wait3A_90 : memref<1x128xi32, #tpu.memory_space<vmem>> -> memref<128xi32, #tpu.memory_space<vmem>>
        %dma_wait3A_92 = arith.constant 0 : i32
        %dma_wait3A_93 = tpu.memref_slice %arg5[%dma_wait3A_92] : memref<100352xf32, #tpu.memory_space<vmem_shared>> -> memref<100352xf32, #tpu.memory_space<vmem_shared>>
        tpu.wait_indirect_dma semaphore(%run_scoped3A_85 : memref<!tpu.dma_semaphore, #tpu.memory_space<semaphore_mem>>) src(%arg7 : memref<128xf32, #tpu.memory_space<vmem>>) dst(%dma_wait3A_93 : memref<100352xf32, #tpu.memory_space<vmem_shared>>)
        tpu.yield
      }) : () -> ()
      %run_scoped3A_74 = arith.constant 5 : i32
      "tpu.region"() ({
        %run_scoped3A_85 = tpu.sem_alloc : memref<!tpu.dma_semaphore, #tpu.memory_space<semaphore_mem>>
        %dma_start3A = arith.constant 0 : i32
        %dma_start3A_86 = tpu.memref_slice %arg6[%run_scoped3A_74, %dma_start3A] : memref<16x128xi32, #tpu.memory_space<vmem>> -> memref<1x128xi32, #tpu.memory_space<vmem>>
        %dma_start3A_87 = tpu.memref_squeeze %dma_start3A_86 : memref<1x128xi32, #tpu.memory_space<vmem>> -> memref<128xi32, #tpu.memory_space<vmem>>
        %dma_start3A_88 = arith.constant 0 : i32
        %dma_start3A_89 = tpu.memref_slice %arg5[%dma_start3A_88] : memref<100352xf32, #tpu.memory_space<vmem_shared>> -> memref<100352xf32, #tpu.memory_space<vmem_shared>>
        tpu.enqueue_indirect_dma source(%arg7 : memref<128xf32, #tpu.memory_space<vmem>>) target(%dma_start3A_89 : memref<100352xf32, #tpu.memory_space<vmem_shared>>) offsets(%dma_start3A_87 : memref<128xi32, #tpu.memory_space<vmem>>) semaphore(%run_scoped3A_85 : memref<!tpu.dma_semaphore, #tpu.memory_space<semaphore_mem>>) {add = true}
        %dma_wait3A = arith.constant 0 : i32
        %dma_wait3A_90 = tpu.memref_slice %arg6[%run_scoped3A_74, %dma_wait3A] : memref<16x128xi32, #tpu.memory_space<vmem>> -> memref<1x128xi32, #tpu.memory_space<vmem>>
        %dma_wait3A_91 = tpu.memref_squeeze %dma_wait3A_90 : memref<1x128xi32, #tpu.memory_space<vmem>> -> memref<128xi32, #tpu.memory_space<vmem>>
        %dma_wait3A_92 = arith.constant 0 : i32
        %dma_wait3A_93 = tpu.memref_slice %arg5[%dma_wait3A_92] : memref<100352xf32, #tpu.memory_space<vmem_shared>> -> memref<100352xf32, #tpu.memory_space<vmem_shared>>
        tpu.wait_indirect_dma semaphore(%run_scoped3A_85 : memref<!tpu.dma_semaphore, #tpu.memory_space<semaphore_mem>>) src(%arg7 : memref<128xf32, #tpu.memory_space<vmem>>) dst(%dma_wait3A_93 : memref<100352xf32, #tpu.memory_space<vmem_shared>>)
        tpu.yield
      }) : () -> ()
      %run_scoped3A_75 = arith.constant 6 : i32
      "tpu.region"() ({
        %run_scoped3A_85 = tpu.sem_alloc : memref<!tpu.dma_semaphore, #tpu.memory_space<semaphore_mem>>
        %dma_start3A = arith.constant 0 : i32
        %dma_start3A_86 = tpu.memref_slice %arg6[%run_scoped3A_75, %dma_start3A] : memref<16x128xi32, #tpu.memory_space<vmem>> -> memref<1x128xi32, #tpu.memory_space<vmem>>
        %dma_start3A_87 = tpu.memref_squeeze %dma_start3A_86 : memref<1x128xi32, #tpu.memory_space<vmem>> -> memref<128xi32, #tpu.memory_space<vmem>>
        %dma_start3A_88 = arith.constant 0 : i32
        %dma_start3A_89 = tpu.memref_slice %arg5[%dma_start3A_88] : memref<100352xf32, #tpu.memory_space<vmem_shared>> -> memref<100352xf32, #tpu.memory_space<vmem_shared>>
        tpu.enqueue_indirect_dma source(%arg7 : memref<128xf32, #tpu.memory_space<vmem>>) target(%dma_start3A_89 : memref<100352xf32, #tpu.memory_space<vmem_shared>>) offsets(%dma_start3A_87 : memref<128xi32, #tpu.memory_space<vmem>>) semaphore(%run_scoped3A_85 : memref<!tpu.dma_semaphore, #tpu.memory_space<semaphore_mem>>) {add = true}
        %dma_wait3A = arith.constant 0 : i32
        %dma_wait3A_90 = tpu.memref_slice %arg6[%run_scoped3A_75, %dma_wait3A] : memref<16x128xi32, #tpu.memory_space<vmem>> -> memref<1x128xi32, #tpu.memory_space<vmem>>
        %dma_wait3A_91 = tpu.memref_squeeze %dma_wait3A_90 : memref<1x128xi32, #tpu.memory_space<vmem>> -> memref<128xi32, #tpu.memory_space<vmem>>
        %dma_wait3A_92 = arith.constant 0 : i32
        %dma_wait3A_93 = tpu.memref_slice %arg5[%dma_wait3A_92] : memref<100352xf32, #tpu.memory_space<vmem_shared>> -> memref<100352xf32, #tpu.memory_space<vmem_shared>>
        tpu.wait_indirect_dma semaphore(%run_scoped3A_85 : memref<!tpu.dma_semaphore, #tpu.memory_space<semaphore_mem>>) src(%arg7 : memref<128xf32, #tpu.memory_space<vmem>>) dst(%dma_wait3A_93 : memref<100352xf32, #tpu.memory_space<vmem_shared>>)
        tpu.yield
      }) : () -> ()
      %run_scoped3A_76 = arith.constant 7 : i32
      "tpu.region"() ({
        %run_scoped3A_85 = tpu.sem_alloc : memref<!tpu.dma_semaphore, #tpu.memory_space<semaphore_mem>>
        %dma_start3A = arith.constant 0 : i32
        %dma_start3A_86 = tpu.memref_slice %arg6[%run_scoped3A_76, %dma_start3A] : memref<16x128xi32, #tpu.memory_space<vmem>> -> memref<1x128xi32, #tpu.memory_space<vmem>>
        %dma_start3A_87 = tpu.memref_squeeze %dma_start3A_86 : memref<1x128xi32, #tpu.memory_space<vmem>> -> memref<128xi32, #tpu.memory_space<vmem>>
        %dma_start3A_88 = arith.constant 0 : i32
        %dma_start3A_89 = tpu.memref_slice %arg5[%dma_start3A_88] : memref<100352xf32, #tpu.memory_space<vmem_shared>> -> memref<100352xf32, #tpu.memory_space<vmem_shared>>
        tpu.enqueue_indirect_dma source(%arg7 : memref<128xf32, #tpu.memory_space<vmem>>) target(%dma_start3A_89 : memref<100352xf32, #tpu.memory_space<vmem_shared>>) offsets(%dma_start3A_87 : memref<128xi32, #tpu.memory_space<vmem>>) semaphore(%run_scoped3A_85 : memref<!tpu.dma_semaphore, #tpu.memory_space<semaphore_mem>>) {add = true}
        %dma_wait3A = arith.constant 0 : i32
        %dma_wait3A_90 = tpu.memref_slice %arg6[%run_scoped3A_76, %dma_wait3A] : memref<16x128xi32, #tpu.memory_space<vmem>> -> memref<1x128xi32, #tpu.memory_space<vmem>>
        %dma_wait3A_91 = tpu.memref_squeeze %dma_wait3A_90 : memref<1x128xi32, #tpu.memory_space<vmem>> -> memref<128xi32, #tpu.memory_space<vmem>>
        %dma_wait3A_92 = arith.constant 0 : i32
        %dma_wait3A_93 = tpu.memref_slice %arg5[%dma_wait3A_92] : memref<100352xf32, #tpu.memory_space<vmem_shared>> -> memref<100352xf32, #tpu.memory_space<vmem_shared>>
        tpu.wait_indirect_dma semaphore(%run_scoped3A_85 : memref<!tpu.dma_semaphore, #tpu.memory_space<semaphore_mem>>) src(%arg7 : memref<128xf32, #tpu.memory_space<vmem>>) dst(%dma_wait3A_93 : memref<100352xf32, #tpu.memory_space<vmem_shared>>)
        tpu.yield
      }) : () -> ()
      %run_scoped3A_77 = arith.constant 8 : i32
      "tpu.region"() ({
        %run_scoped3A_85 = tpu.sem_alloc : memref<!tpu.dma_semaphore, #tpu.memory_space<semaphore_mem>>
        %dma_start3A = arith.constant 0 : i32
        %dma_start3A_86 = tpu.memref_slice %arg6[%run_scoped3A_77, %dma_start3A] : memref<16x128xi32, #tpu.memory_space<vmem>> -> memref<1x128xi32, #tpu.memory_space<vmem>>
        %dma_start3A_87 = tpu.memref_squeeze %dma_start3A_86 : memref<1x128xi32, #tpu.memory_space<vmem>> -> memref<128xi32, #tpu.memory_space<vmem>>
        %dma_start3A_88 = arith.constant 0 : i32
        %dma_start3A_89 = tpu.memref_slice %arg5[%dma_start3A_88] : memref<100352xf32, #tpu.memory_space<vmem_shared>> -> memref<100352xf32, #tpu.memory_space<vmem_shared>>
        tpu.enqueue_indirect_dma source(%arg7 : memref<128xf32, #tpu.memory_space<vmem>>) target(%dma_start3A_89 : memref<100352xf32, #tpu.memory_space<vmem_shared>>) offsets(%dma_start3A_87 : memref<128xi32, #tpu.memory_space<vmem>>) semaphore(%run_scoped3A_85 : memref<!tpu.dma_semaphore, #tpu.memory_space<semaphore_mem>>) {add = true}
        %dma_wait3A = arith.constant 0 : i32
        %dma_wait3A_90 = tpu.memref_slice %arg6[%run_scoped3A_77, %dma_wait3A] : memref<16x128xi32, #tpu.memory_space<vmem>> -> memref<1x128xi32, #tpu.memory_space<vmem>>
        %dma_wait3A_91 = tpu.memref_squeeze %dma_wait3A_90 : memref<1x128xi32, #tpu.memory_space<vmem>> -> memref<128xi32, #tpu.memory_space<vmem>>
        %dma_wait3A_92 = arith.constant 0 : i32
        %dma_wait3A_93 = tpu.memref_slice %arg5[%dma_wait3A_92] : memref<100352xf32, #tpu.memory_space<vmem_shared>> -> memref<100352xf32, #tpu.memory_space<vmem_shared>>
        tpu.wait_indirect_dma semaphore(%run_scoped3A_85 : memref<!tpu.dma_semaphore, #tpu.memory_space<semaphore_mem>>) src(%arg7 : memref<128xf32, #tpu.memory_space<vmem>>) dst(%dma_wait3A_93 : memref<100352xf32, #tpu.memory_space<vmem_shared>>)
        tpu.yield
      }) : () -> ()
      %run_scoped3A_78 = arith.constant 9 : i32
      "tpu.region"() ({
        %run_scoped3A_85 = tpu.sem_alloc : memref<!tpu.dma_semaphore, #tpu.memory_space<semaphore_mem>>
        %dma_start3A = arith.constant 0 : i32
        %dma_start3A_86 = tpu.memref_slice %arg6[%run_scoped3A_78, %dma_start3A] : memref<16x128xi32, #tpu.memory_space<vmem>> -> memref<1x128xi32, #tpu.memory_space<vmem>>
        %dma_start3A_87 = tpu.memref_squeeze %dma_start3A_86 : memref<1x128xi32, #tpu.memory_space<vmem>> -> memref<128xi32, #tpu.memory_space<vmem>>
        %dma_start3A_88 = arith.constant 0 : i32
        %dma_start3A_89 = tpu.memref_slice %arg5[%dma_start3A_88] : memref<100352xf32, #tpu.memory_space<vmem_shared>> -> memref<100352xf32, #tpu.memory_space<vmem_shared>>
        tpu.enqueue_indirect_dma source(%arg7 : memref<128xf32, #tpu.memory_space<vmem>>) target(%dma_start3A_89 : memref<100352xf32, #tpu.memory_space<vmem_shared>>) offsets(%dma_start3A_87 : memref<128xi32, #tpu.memory_space<vmem>>) semaphore(%run_scoped3A_85 : memref<!tpu.dma_semaphore, #tpu.memory_space<semaphore_mem>>) {add = true}
        %dma_wait3A = arith.constant 0 : i32
        %dma_wait3A_90 = tpu.memref_slice %arg6[%run_scoped3A_78, %dma_wait3A] : memref<16x128xi32, #tpu.memory_space<vmem>> -> memref<1x128xi32, #tpu.memory_space<vmem>>
        %dma_wait3A_91 = tpu.memref_squeeze %dma_wait3A_90 : memref<1x128xi32, #tpu.memory_space<vmem>> -> memref<128xi32, #tpu.memory_space<vmem>>
        %dma_wait3A_92 = arith.constant 0 : i32
        %dma_wait3A_93 = tpu.memref_slice %arg5[%dma_wait3A_92] : memref<100352xf32, #tpu.memory_space<vmem_shared>> -> memref<100352xf32, #tpu.memory_space<vmem_shared>>
        tpu.wait_indirect_dma semaphore(%run_scoped3A_85 : memref<!tpu.dma_semaphore, #tpu.memory_space<semaphore_mem>>) src(%arg7 : memref<128xf32, #tpu.memory_space<vmem>>) dst(%dma_wait3A_93 : memref<100352xf32, #tpu.memory_space<vmem_shared>>)
        tpu.yield
      }) : () -> ()
      %run_scoped3A_79 = arith.constant 10 : i32
      "tpu.region"() ({
        %run_scoped3A_85 = tpu.sem_alloc : memref<!tpu.dma_semaphore, #tpu.memory_space<semaphore_mem>>
        %dma_start3A = arith.constant 0 : i32
        %dma_start3A_86 = tpu.memref_slice %arg6[%run_scoped3A_79, %dma_start3A] : memref<16x128xi32, #tpu.memory_space<vmem>> -> memref<1x128xi32, #tpu.memory_space<vmem>>
        %dma_start3A_87 = tpu.memref_squeeze %dma_start3A_86 : memref<1x128xi32, #tpu.memory_space<vmem>> -> memref<128xi32, #tpu.memory_space<vmem>>
        %dma_start3A_88 = arith.constant 0 : i32
        %dma_start3A_89 = tpu.memref_slice %arg5[%dma_start3A_88] : memref<100352xf32, #tpu.memory_space<vmem_shared>> -> memref<100352xf32, #tpu.memory_space<vmem_shared>>
        tpu.enqueue_indirect_dma source(%arg7 : memref<128xf32, #tpu.memory_space<vmem>>) target(%dma_start3A_89 : memref<100352xf32, #tpu.memory_space<vmem_shared>>) offsets(%dma_start3A_87 : memref<128xi32, #tpu.memory_space<vmem>>) semaphore(%run_scoped3A_85 : memref<!tpu.dma_semaphore, #tpu.memory_space<semaphore_mem>>) {add = true}
        %dma_wait3A = arith.constant 0 : i32
        %dma_wait3A_90 = tpu.memref_slice %arg6[%run_scoped3A_79, %dma_wait3A] : memref<16x128xi32, #tpu.memory_space<vmem>> -> memref<1x128xi32, #tpu.memory_space<vmem>>
        %dma_wait3A_91 = tpu.memref_squeeze %dma_wait3A_90 : memref<1x128xi32, #tpu.memory_space<vmem>> -> memref<128xi32, #tpu.memory_space<vmem>>
        %dma_wait3A_92 = arith.constant 0 : i32
        %dma_wait3A_93 = tpu.memref_slice %arg5[%dma_wait3A_92] : memref<100352xf32, #tpu.memory_space<vmem_shared>> -> memref<100352xf32, #tpu.memory_space<vmem_shared>>
        tpu.wait_indirect_dma semaphore(%run_scoped3A_85 : memref<!tpu.dma_semaphore, #tpu.memory_space<semaphore_mem>>) src(%arg7 : memref<128xf32, #tpu.memory_space<vmem>>) dst(%dma_wait3A_93 : memref<100352xf32, #tpu.memory_space<vmem_shared>>)
        tpu.yield
      }) : () -> ()
      %run_scoped3A_80 = arith.constant 11 : i32
      "tpu.region"() ({
        %run_scoped3A_85 = tpu.sem_alloc : memref<!tpu.dma_semaphore, #tpu.memory_space<semaphore_mem>>
        %dma_start3A = arith.constant 0 : i32
        %dma_start3A_86 = tpu.memref_slice %arg6[%run_scoped3A_80, %dma_start3A] : memref<16x128xi32, #tpu.memory_space<vmem>> -> memref<1x128xi32, #tpu.memory_space<vmem>>
        %dma_start3A_87 = tpu.memref_squeeze %dma_start3A_86 : memref<1x128xi32, #tpu.memory_space<vmem>> -> memref<128xi32, #tpu.memory_space<vmem>>
        %dma_start3A_88 = arith.constant 0 : i32
        %dma_start3A_89 = tpu.memref_slice %arg5[%dma_start3A_88] : memref<100352xf32, #tpu.memory_space<vmem_shared>> -> memref<100352xf32, #tpu.memory_space<vmem_shared>>
        tpu.enqueue_indirect_dma source(%arg7 : memref<128xf32, #tpu.memory_space<vmem>>) target(%dma_start3A_89 : memref<100352xf32, #tpu.memory_space<vmem_shared>>) offsets(%dma_start3A_87 : memref<128xi32, #tpu.memory_space<vmem>>) semaphore(%run_scoped3A_85 : memref<!tpu.dma_semaphore, #tpu.memory_space<semaphore_mem>>) {add = true}
        %dma_wait3A = arith.constant 0 : i32
        %dma_wait3A_90 = tpu.memref_slice %arg6[%run_scoped3A_80, %dma_wait3A] : memref<16x128xi32, #tpu.memory_space<vmem>> -> memref<1x128xi32, #tpu.memory_space<vmem>>
        %dma_wait3A_91 = tpu.memref_squeeze %dma_wait3A_90 : memref<1x128xi32, #tpu.memory_space<vmem>> -> memref<128xi32, #tpu.memory_space<vmem>>
        %dma_wait3A_92 = arith.constant 0 : i32
        %dma_wait3A_93 = tpu.memref_slice %arg5[%dma_wait3A_92] : memref<100352xf32, #tpu.memory_space<vmem_shared>> -> memref<100352xf32, #tpu.memory_space<vmem_shared>>
        tpu.wait_indirect_dma semaphore(%run_scoped3A_85 : memref<!tpu.dma_semaphore, #tpu.memory_space<semaphore_mem>>) src(%arg7 : memref<128xf32, #tpu.memory_space<vmem>>) dst(%dma_wait3A_93 : memref<100352xf32, #tpu.memory_space<vmem_shared>>)
        tpu.yield
      }) : () -> ()
      %run_scoped3A_81 = arith.constant 12 : i32
      "tpu.region"() ({
        %run_scoped3A_85 = tpu.sem_alloc : memref<!tpu.dma_semaphore, #tpu.memory_space<semaphore_mem>>
        %dma_start3A = arith.constant 0 : i32
        %dma_start3A_86 = tpu.memref_slice %arg6[%run_scoped3A_81, %dma_start3A] : memref<16x128xi32, #tpu.memory_space<vmem>> -> memref<1x128xi32, #tpu.memory_space<vmem>>
        %dma_start3A_87 = tpu.memref_squeeze %dma_start3A_86 : memref<1x128xi32, #tpu.memory_space<vmem>> -> memref<128xi32, #tpu.memory_space<vmem>>
        %dma_start3A_88 = arith.constant 0 : i32
        %dma_start3A_89 = tpu.memref_slice %arg5[%dma_start3A_88] : memref<100352xf32, #tpu.memory_space<vmem_shared>> -> memref<100352xf32, #tpu.memory_space<vmem_shared>>
        tpu.enqueue_indirect_dma source(%arg7 : memref<128xf32, #tpu.memory_space<vmem>>) target(%dma_start3A_89 : memref<100352xf32, #tpu.memory_space<vmem_shared>>) offsets(%dma_start3A_87 : memref<128xi32, #tpu.memory_space<vmem>>) semaphore(%run_scoped3A_85 : memref<!tpu.dma_semaphore, #tpu.memory_space<semaphore_mem>>) {add = true}
        %dma_wait3A = arith.constant 0 : i32
        %dma_wait3A_90 = tpu.memref_slice %arg6[%run_scoped3A_81, %dma_wait3A] : memref<16x128xi32, #tpu.memory_space<vmem>> -> memref<1x128xi32, #tpu.memory_space<vmem>>
        %dma_wait3A_91 = tpu.memref_squeeze %dma_wait3A_90 : memref<1x128xi32, #tpu.memory_space<vmem>> -> memref<128xi32, #tpu.memory_space<vmem>>
        %dma_wait3A_92 = arith.constant 0 : i32
        %dma_wait3A_93 = tpu.memref_slice %arg5[%dma_wait3A_92] : memref<100352xf32, #tpu.memory_space<vmem_shared>> -> memref<100352xf32, #tpu.memory_space<vmem_shared>>
        tpu.wait_indirect_dma semaphore(%run_scoped3A_85 : memref<!tpu.dma_semaphore, #tpu.memory_space<semaphore_mem>>) src(%arg7 : memref<128xf32, #tpu.memory_space<vmem>>) dst(%dma_wait3A_93 : memref<100352xf32, #tpu.memory_space<vmem_shared>>)
        tpu.yield
      }) : () -> ()
      %run_scoped3A_82 = arith.constant 13 : i32
      "tpu.region"() ({
        %run_scoped3A_85 = tpu.sem_alloc : memref<!tpu.dma_semaphore, #tpu.memory_space<semaphore_mem>>
        %dma_start3A = arith.constant 0 : i32
        %dma_start3A_86 = tpu.memref_slice %arg6[%run_scoped3A_82, %dma_start3A] : memref<16x128xi32, #tpu.memory_space<vmem>> -> memref<1x128xi32, #tpu.memory_space<vmem>>
        %dma_start3A_87 = tpu.memref_squeeze %dma_start3A_86 : memref<1x128xi32, #tpu.memory_space<vmem>> -> memref<128xi32, #tpu.memory_space<vmem>>
        %dma_start3A_88 = arith.constant 0 : i32
        %dma_start3A_89 = tpu.memref_slice %arg5[%dma_start3A_88] : memref<100352xf32, #tpu.memory_space<vmem_shared>> -> memref<100352xf32, #tpu.memory_space<vmem_shared>>
        tpu.enqueue_indirect_dma source(%arg7 : memref<128xf32, #tpu.memory_space<vmem>>) target(%dma_start3A_89 : memref<100352xf32, #tpu.memory_space<vmem_shared>>) offsets(%dma_start3A_87 : memref<128xi32, #tpu.memory_space<vmem>>) semaphore(%run_scoped3A_85 : memref<!tpu.dma_semaphore, #tpu.memory_space<semaphore_mem>>) {add = true}
        %dma_wait3A = arith.constant 0 : i32
        %dma_wait3A_90 = tpu.memref_slice %arg6[%run_scoped3A_82, %dma_wait3A] : memref<16x128xi32, #tpu.memory_space<vmem>> -> memref<1x128xi32, #tpu.memory_space<vmem>>
        %dma_wait3A_91 = tpu.memref_squeeze %dma_wait3A_90 : memref<1x128xi32, #tpu.memory_space<vmem>> -> memref<128xi32, #tpu.memory_space<vmem>>
        %dma_wait3A_92 = arith.constant 0 : i32
        %dma_wait3A_93 = tpu.memref_slice %arg5[%dma_wait3A_92] : memref<100352xf32, #tpu.memory_space<vmem_shared>> -> memref<100352xf32, #tpu.memory_space<vmem_shared>>
        tpu.wait_indirect_dma semaphore(%run_scoped3A_85 : memref<!tpu.dma_semaphore, #tpu.memory_space<semaphore_mem>>) src(%arg7 : memref<128xf32, #tpu.memory_space<vmem>>) dst(%dma_wait3A_93 : memref<100352xf32, #tpu.memory_space<vmem_shared>>)
        tpu.yield
      }) : () -> ()
      %run_scoped3A_83 = arith.constant 14 : i32
      "tpu.region"() ({
        %run_scoped3A_85 = tpu.sem_alloc : memref<!tpu.dma_semaphore, #tpu.memory_space<semaphore_mem>>
        %dma_start3A = arith.constant 0 : i32
        %dma_start3A_86 = tpu.memref_slice %arg6[%run_scoped3A_83, %dma_start3A] : memref<16x128xi32, #tpu.memory_space<vmem>> -> memref<1x128xi32, #tpu.memory_space<vmem>>
        %dma_start3A_87 = tpu.memref_squeeze %dma_start3A_86 : memref<1x128xi32, #tpu.memory_space<vmem>> -> memref<128xi32, #tpu.memory_space<vmem>>
        %dma_start3A_88 = arith.constant 0 : i32
        %dma_start3A_89 = tpu.memref_slice %arg5[%dma_start3A_88] : memref<100352xf32, #tpu.memory_space<vmem_shared>> -> memref<100352xf32, #tpu.memory_space<vmem_shared>>
        tpu.enqueue_indirect_dma source(%arg7 : memref<128xf32, #tpu.memory_space<vmem>>) target(%dma_start3A_89 : memref<100352xf32, #tpu.memory_space<vmem_shared>>) offsets(%dma_start3A_87 : memref<128xi32, #tpu.memory_space<vmem>>) semaphore(%run_scoped3A_85 : memref<!tpu.dma_semaphore, #tpu.memory_space<semaphore_mem>>) {add = true}
        %dma_wait3A = arith.constant 0 : i32
        %dma_wait3A_90 = tpu.memref_slice %arg6[%run_scoped3A_83, %dma_wait3A] : memref<16x128xi32, #tpu.memory_space<vmem>> -> memref<1x128xi32, #tpu.memory_space<vmem>>
        %dma_wait3A_91 = tpu.memref_squeeze %dma_wait3A_90 : memref<1x128xi32, #tpu.memory_space<vmem>> -> memref<128xi32, #tpu.memory_space<vmem>>
        %dma_wait3A_92 = arith.constant 0 : i32
        %dma_wait3A_93 = tpu.memref_slice %arg5[%dma_wait3A_92] : memref<100352xf32, #tpu.memory_space<vmem_shared>> -> memref<100352xf32, #tpu.memory_space<vmem_shared>>
        tpu.wait_indirect_dma semaphore(%run_scoped3A_85 : memref<!tpu.dma_semaphore, #tpu.memory_space<semaphore_mem>>) src(%arg7 : memref<128xf32, #tpu.memory_space<vmem>>) dst(%dma_wait3A_93 : memref<100352xf32, #tpu.memory_space<vmem_shared>>)
        tpu.yield
      }) : () -> ()
      %run_scoped3A_84 = arith.constant 15 : i32
      "tpu.region"() ({
        %run_scoped3A_85 = tpu.sem_alloc : memref<!tpu.dma_semaphore, #tpu.memory_space<semaphore_mem>>
        %dma_start3A = arith.constant 0 : i32
        %dma_start3A_86 = tpu.memref_slice %arg6[%run_scoped3A_84, %dma_start3A] : memref<16x128xi32, #tpu.memory_space<vmem>> -> memref<1x128xi32, #tpu.memory_space<vmem>>
        %dma_start3A_87 = tpu.memref_squeeze %dma_start3A_86 : memref<1x128xi32, #tpu.memory_space<vmem>> -> memref<128xi32, #tpu.memory_space<vmem>>
        %dma_start3A_88 = arith.constant 0 : i32
        %dma_start3A_89 = tpu.memref_slice %arg5[%dma_start3A_88] : memref<100352xf32, #tpu.memory_space<vmem_shared>> -> memref<100352xf32, #tpu.memory_space<vmem_shared>>
        tpu.enqueue_indirect_dma source(%arg7 : memref<128xf32, #tpu.memory_space<vmem>>) target(%dma_start3A_89 : memref<100352xf32, #tpu.memory_space<vmem_shared>>) offsets(%dma_start3A_87 : memref<128xi32, #tpu.memory_space<vmem>>) semaphore(%run_scoped3A_85 : memref<!tpu.dma_semaphore, #tpu.memory_space<semaphore_mem>>) {add = true}
        %dma_wait3A = arith.constant 0 : i32
        %dma_wait3A_90 = tpu.memref_slice %arg6[%run_scoped3A_84, %dma_wait3A] : memref<16x128xi32, #tpu.memory_space<vmem>> -> memref<1x128xi32, #tpu.memory_space<vmem>>
        %dma_wait3A_91 = tpu.memref_squeeze %dma_wait3A_90 : memref<1x128xi32, #tpu.memory_space<vmem>> -> memref<128xi32, #tpu.memory_space<vmem>>
        %dma_wait3A_92 = arith.constant 0 : i32
        %dma_wait3A_93 = tpu.memref_slice %arg5[%dma_wait3A_92] : memref<100352xf32, #tpu.memory_space<vmem_shared>> -> memref<100352xf32, #tpu.memory_space<vmem_shared>>
        tpu.wait_indirect_dma semaphore(%run_scoped3A_85 : memref<!tpu.dma_semaphore, #tpu.memory_space<semaphore_mem>>) src(%arg7 : memref<128xf32, #tpu.memory_space<vmem>>) dst(%dma_wait3A_93 : memref<100352xf32, #tpu.memory_space<vmem_shared>>)
        tpu.yield
      }) : () -> ()
    }
    %scan3A_57 = arith.constant 50 : i32
    %barrier3A_58 = arith.constant 0 : index
    tpu.barrier barrier_id(%barrier3A_58)
    %mul3A_59 = arith.constant 6272 : i32
    %mul3A_60 = arith.muli %arg1, %mul3A_59 : i32
    %mul3A_61 = arith.constant 100352 : i32
    %mul3A_62 = arith.muli %arg0, %mul3A_61 : i32
    %mul3A_63 = arith.constant 6272 : i32
    %mul3A_64 = arith.muli %arg1, %mul3A_63 : i32
    %add3A_65 = arith.addi %mul3A_62, %mul3A_64 : i32
    "tpu.region"() ({
      %run_scoped3A = tpu.sem_alloc : memref<!tpu.dma_semaphore, #tpu.memory_space<semaphore_mem>>
      %dma_start3A = tpu.memref_slice %arg4[%add3A_65] : memref<200704xf32, #tpu.memory_space<hbm>> -> memref<6272xf32, #tpu.memory_space<hbm>>
      %dma_start3A_66 = tpu.memref_slice %arg5[%mul3A_60] : memref<100352xf32, #tpu.memory_space<vmem_shared>> -> memref<6272xf32, #tpu.memory_space<vmem_shared>>
      tpu.enqueue_dma source(%dma_start3A_66 : memref<6272xf32, #tpu.memory_space<vmem_shared>>) target(%dma_start3A : memref<6272xf32, #tpu.memory_space<hbm>>) target_semaphore(%run_scoped3A : memref<!tpu.dma_semaphore, #tpu.memory_space<semaphore_mem>>)
      %dma_wait3A = tpu.memref_slice %arg4[%add3A_65] : memref<200704xf32, #tpu.memory_space<hbm>> -> memref<6272xf32, #tpu.memory_space<hbm>>
      %dma_wait3A_67 = tpu.memref_slice %arg5[%mul3A_60] : memref<100352xf32, #tpu.memory_space<vmem_shared>> -> memref<6272xf32, #tpu.memory_space<vmem_shared>>
      tpu.wait_dma2 semaphore(%run_scoped3A : memref<!tpu.dma_semaphore, #tpu.memory_space<semaphore_mem>>) src(%dma_wait3A_67 : memref<6272xf32, #tpu.memory_space<vmem_shared>>) dst(%dma_wait3A : memref<6272xf32, #tpu.memory_space<hbm>>)
      tpu.yield
    }) : () -> ()
    return
  }
}

#map = affine_map<(d0, d1) -> (0, 0)>
module attributes {stable_mosaic.version = 14 : i64} {
  func.func @_agg_body(%arg0: i32, %arg1: i32, %arg2: memref<25600x128xi32, #tpu.memory_space<hbm>>, %arg3: memref<25600x128xi32, #tpu.memory_space<hbm>>, %arg4: memref<100352x16xf32, #tpu.memory_space<hbm>>, %arg5: memref<100352x16xf32, #tpu.memory_space<hbm>>, %arg6: memref<200704x16xf32, #tpu.memory_space<hbm>>, %arg7: memref<100352x16xf32, #tpu.memory_space<vmem_shared>>, %arg8: memref<8x128xi32, #tpu.memory_space<vmem>>, %arg9: memref<8x128xi32, #tpu.memory_space<vmem>>, %arg10: memref<8x128x16xf32, #tpu.memory_space<vmem>>, %arg11: memref<!tpu.dma_semaphore, #tpu.memory_space<semaphore_mem>>) attributes {dimension_semantics = [#tpu.dimension_semantics<core_parallel>, #tpu.dimension_semantics<subcore_parallel>], iteration_bounds = array<i64: 2, 16>, scalar_prefetch = 0 : i64, scratch_operands = 5 : i64, tpu.core_type = #tpu.core_type<sc_vector_subcore>, window_params = [{transform_indices = #map}, {transform_indices = #map}, {transform_indices = #map}, {transform_indices = #map}, {transform_indices = #map}]} {
    %mul3A = arith.constant 16 : i32
    %mul3A_0 = arith.muli %arg0, %mul3A : i32
    %add3A = arith.addi %mul3A_0, %arg1 : i32
    %mul3A_1 = arith.constant 6272 : i32
    %mul3A_2 = arith.muli %arg1, %mul3A_1 : i32
    %mul3A_3 = arith.constant 6272 : i32
    %mul3A_4 = arith.muli %arg1, %mul3A_3 : i32
    "tpu.region"() ({
      %run_scoped3A = tpu.sem_alloc : memref<!tpu.dma_semaphore, #tpu.memory_space<semaphore_mem>>
      %dma_start3A = arith.constant 0 : i32
      %dma_start3A_20 = tpu.memref_slice %arg7[%mul3A_4, %dma_start3A] : memref<100352x16xf32, #tpu.memory_space<vmem_shared>> -> memref<6272x16xf32, #tpu.memory_space<vmem_shared>>
      %dma_start3A_21 = arith.constant 0 : i32
      %dma_start3A_22 = tpu.memref_slice %arg5[%mul3A_2, %dma_start3A_21] : memref<100352x16xf32, #tpu.memory_space<hbm>> -> memref<6272x16xf32, #tpu.memory_space<hbm>>
      tpu.enqueue_dma source(%dma_start3A_22 : memref<6272x16xf32, #tpu.memory_space<hbm>>) target(%dma_start3A_20 : memref<6272x16xf32, #tpu.memory_space<vmem_shared>>) target_semaphore(%run_scoped3A : memref<!tpu.dma_semaphore, #tpu.memory_space<semaphore_mem>>)
      %dma_wait3A = arith.constant 0 : i32
      %dma_wait3A_23 = tpu.memref_slice %arg7[%mul3A_4, %dma_wait3A] : memref<100352x16xf32, #tpu.memory_space<vmem_shared>> -> memref<6272x16xf32, #tpu.memory_space<vmem_shared>>
      %dma_wait3A_24 = arith.constant 0 : i32
      %dma_wait3A_25 = tpu.memref_slice %arg5[%mul3A_2, %dma_wait3A_24] : memref<100352x16xf32, #tpu.memory_space<hbm>> -> memref<6272x16xf32, #tpu.memory_space<hbm>>
      tpu.wait_dma2 semaphore(%run_scoped3A : memref<!tpu.dma_semaphore, #tpu.memory_space<semaphore_mem>>) src(%dma_wait3A_25 : memref<6272x16xf32, #tpu.memory_space<hbm>>) dst(%dma_wait3A_23 : memref<6272x16xf32, #tpu.memory_space<vmem_shared>>)
      tpu.yield
    }) : () -> ()
    %barrier3A = arith.constant 0 : index
    tpu.barrier barrier_id(%barrier3A)
    %mul3A_5 = arith.constant 800 : i32
    %mul3A_6 = arith.muli %add3A, %mul3A_5 : i32
    %scan3A = arith.constant 0 : i32
    %scan3A_7 = arith.constant 0 : i32
    %scan3A_8 = arith.constant 100 : i32
    %scan3A_9 = arith.addi %scan3A_7, %scan3A_8 : i32
    %scan3A_10 = arith.constant 1 : i32
    scf.for %scan3A_20 = %scan3A_7 to %scan3A_9 step %scan3A_10  : i32 {
      %mul3A_21 = arith.constant 8 : i32
      %mul3A_22 = arith.muli %scan3A_20, %mul3A_21 : i32
      %add3A_23 = arith.addi %mul3A_6, %mul3A_22 : i32
      "tpu.region"() ({
        %run_scoped3A_229 = tpu.sem_alloc : memref<!tpu.dma_semaphore, #tpu.memory_space<semaphore_mem>>
        %dma_start3A_230 = arith.constant 0 : i32
        %dma_start3A_231 = tpu.memref_slice %arg2[%add3A_23, %dma_start3A_230] : memref<25600x128xi32, #tpu.memory_space<hbm>> -> memref<8x128xi32, #tpu.memory_space<hbm>>
        %dma_start3A_232 = arith.constant 0 : i32
        %dma_start3A_233 = tpu.memref_slice %arg2[%add3A_23, %dma_start3A_232] : memref<25600x128xi32, #tpu.memory_space<hbm>> -> memref<8x128xi32, #tpu.memory_space<hbm>>
        tpu.enqueue_dma source(%dma_start3A_233 : memref<8x128xi32, #tpu.memory_space<hbm>>) target(%arg8 : memref<8x128xi32, #tpu.memory_space<vmem>>) target_semaphore(%run_scoped3A_229 : memref<!tpu.dma_semaphore, #tpu.memory_space<semaphore_mem>>)
        %dma_wait3A_234 = arith.constant 0 : i32
        %dma_wait3A_235 = tpu.memref_slice %arg2[%add3A_23, %dma_wait3A_234] : memref<25600x128xi32, #tpu.memory_space<hbm>> -> memref<8x128xi32, #tpu.memory_space<hbm>>
        %dma_wait3A_236 = arith.constant 0 : i32
        %dma_wait3A_237 = tpu.memref_slice %arg2[%add3A_23, %dma_wait3A_236] : memref<25600x128xi32, #tpu.memory_space<hbm>> -> memref<8x128xi32, #tpu.memory_space<hbm>>
        tpu.wait_dma2 semaphore(%run_scoped3A_229 : memref<!tpu.dma_semaphore, #tpu.memory_space<semaphore_mem>>) src(%dma_wait3A_237 : memref<8x128xi32, #tpu.memory_space<hbm>>) dst(%arg8 : memref<8x128xi32, #tpu.memory_space<vmem>>)
        tpu.yield
      }) : () -> ()
      "tpu.region"() ({
        %run_scoped3A_229 = tpu.sem_alloc : memref<!tpu.dma_semaphore, #tpu.memory_space<semaphore_mem>>
        %dma_start3A_230 = arith.constant 0 : i32
        %dma_start3A_231 = tpu.memref_slice %arg3[%add3A_23, %dma_start3A_230] : memref<25600x128xi32, #tpu.memory_space<hbm>> -> memref<8x128xi32, #tpu.memory_space<hbm>>
        %dma_start3A_232 = arith.constant 0 : i32
        %dma_start3A_233 = tpu.memref_slice %arg3[%add3A_23, %dma_start3A_232] : memref<25600x128xi32, #tpu.memory_space<hbm>> -> memref<8x128xi32, #tpu.memory_space<hbm>>
        tpu.enqueue_dma source(%dma_start3A_233 : memref<8x128xi32, #tpu.memory_space<hbm>>) target(%arg9 : memref<8x128xi32, #tpu.memory_space<vmem>>) target_semaphore(%run_scoped3A_229 : memref<!tpu.dma_semaphore, #tpu.memory_space<semaphore_mem>>)
        %dma_wait3A_234 = arith.constant 0 : i32
        %dma_wait3A_235 = tpu.memref_slice %arg3[%add3A_23, %dma_wait3A_234] : memref<25600x128xi32, #tpu.memory_space<hbm>> -> memref<8x128xi32, #tpu.memory_space<hbm>>
        %dma_wait3A_236 = arith.constant 0 : i32
        %dma_wait3A_237 = tpu.memref_slice %arg3[%add3A_23, %dma_wait3A_236] : memref<25600x128xi32, #tpu.memory_space<hbm>> -> memref<8x128xi32, #tpu.memory_space<hbm>>
        tpu.wait_dma2 semaphore(%run_scoped3A_229 : memref<!tpu.dma_semaphore, #tpu.memory_space<semaphore_mem>>) src(%dma_wait3A_237 : memref<8x128xi32, #tpu.memory_space<hbm>>) dst(%arg9 : memref<8x128xi32, #tpu.memory_space<vmem>>)
        tpu.yield
      }) : () -> ()
      %dma_start3A = arith.constant 0 : i32
      %dma_start3A_24 = arith.constant 0 : i32
      %dma_start3A_25 = arith.constant 0 : i32
      %dma_start3A_26 = arith.constant 0 : i32
      %dma_start3A_27 = tpu.memref_slice %arg10[%dma_start3A_24, %dma_start3A_25, %dma_start3A_26] : memref<8x128x16xf32, #tpu.memory_space<vmem>> -> memref<1x128x16xf32, #tpu.memory_space<vmem>>
      %dma_start3A_28 = tpu.memref_squeeze %dma_start3A_27 : memref<1x128x16xf32, #tpu.memory_space<vmem>> -> memref<128x16xf32, #tpu.memory_space<vmem>>
      %dma_start3A_29 = arith.constant 0 : i32
      %dma_start3A_30 = tpu.memref_slice %arg8[%dma_start3A, %dma_start3A_29] : memref<8x128xi32, #tpu.memory_space<vmem>> -> memref<1x128xi32, #tpu.memory_space<vmem>>
      %dma_start3A_31 = tpu.memref_squeeze %dma_start3A_30 : memref<1x128xi32, #tpu.memory_space<vmem>> -> memref<128xi32, #tpu.memory_space<vmem>>
      %dma_start3A_32 = arith.constant 0 : i32
      %dma_start3A_33 = arith.constant 0 : i32
      %dma_start3A_34 = tpu.memref_slice %arg4[%dma_start3A_32, %dma_start3A_33] : memref<100352x16xf32, #tpu.memory_space<hbm>> -> memref<100352x16xf32, #tpu.memory_space<hbm>>
      tpu.enqueue_indirect_dma source(%dma_start3A_34 : memref<100352x16xf32, #tpu.memory_space<hbm>>) target(%dma_start3A_28 : memref<128x16xf32, #tpu.memory_space<vmem>>) offsets(%dma_start3A_31 : memref<128xi32, #tpu.memory_space<vmem>>) semaphore(%arg11 : memref<!tpu.dma_semaphore, #tpu.memory_space<semaphore_mem>>)
      %dma_start3A_35 = arith.constant 1 : i32
      %dma_start3A_36 = arith.constant 1 : i32
      %dma_start3A_37 = arith.constant 0 : i32
      %dma_start3A_38 = arith.constant 0 : i32
      %dma_start3A_39 = tpu.memref_slice %arg10[%dma_start3A_36, %dma_start3A_37, %dma_start3A_38] : memref<8x128x16xf32, #tpu.memory_space<vmem>> -> memref<1x128x16xf32, #tpu.memory_space<vmem>>
      %dma_start3A_40 = tpu.memref_squeeze %dma_start3A_39 : memref<1x128x16xf32, #tpu.memory_space<vmem>> -> memref<128x16xf32, #tpu.memory_space<vmem>>
      %dma_start3A_41 = arith.constant 0 : i32
      %dma_start3A_42 = tpu.memref_slice %arg8[%dma_start3A_35, %dma_start3A_41] : memref<8x128xi32, #tpu.memory_space<vmem>> -> memref<1x128xi32, #tpu.memory_space<vmem>>
      %dma_start3A_43 = tpu.memref_squeeze %dma_start3A_42 : memref<1x128xi32, #tpu.memory_space<vmem>> -> memref<128xi32, #tpu.memory_space<vmem>>
      %dma_start3A_44 = arith.constant 0 : i32
      %dma_start3A_45 = arith.constant 0 : i32
      %dma_start3A_46 = tpu.memref_slice %arg4[%dma_start3A_44, %dma_start3A_45] : memref<100352x16xf32, #tpu.memory_space<hbm>> -> memref<100352x16xf32, #tpu.memory_space<hbm>>
      tpu.enqueue_indirect_dma source(%dma_start3A_46 : memref<100352x16xf32, #tpu.memory_space<hbm>>) target(%dma_start3A_40 : memref<128x16xf32, #tpu.memory_space<vmem>>) offsets(%dma_start3A_43 : memref<128xi32, #tpu.memory_space<vmem>>) semaphore(%arg11 : memref<!tpu.dma_semaphore, #tpu.memory_space<semaphore_mem>>)
      %dma_start3A_47 = arith.constant 2 : i32
      %dma_start3A_48 = arith.constant 2 : i32
      %dma_start3A_49 = arith.constant 0 : i32
      %dma_start3A_50 = arith.constant 0 : i32
      %dma_start3A_51 = tpu.memref_slice %arg10[%dma_start3A_48, %dma_start3A_49, %dma_start3A_50] : memref<8x128x16xf32, #tpu.memory_space<vmem>> -> memref<1x128x16xf32, #tpu.memory_space<vmem>>
      %dma_start3A_52 = tpu.memref_squeeze %dma_start3A_51 : memref<1x128x16xf32, #tpu.memory_space<vmem>> -> memref<128x16xf32, #tpu.memory_space<vmem>>
      %dma_start3A_53 = arith.constant 0 : i32
      %dma_start3A_54 = tpu.memref_slice %arg8[%dma_start3A_47, %dma_start3A_53] : memref<8x128xi32, #tpu.memory_space<vmem>> -> memref<1x128xi32, #tpu.memory_space<vmem>>
      %dma_start3A_55 = tpu.memref_squeeze %dma_start3A_54 : memref<1x128xi32, #tpu.memory_space<vmem>> -> memref<128xi32, #tpu.memory_space<vmem>>
      %dma_start3A_56 = arith.constant 0 : i32
      %dma_start3A_57 = arith.constant 0 : i32
      %dma_start3A_58 = tpu.memref_slice %arg4[%dma_start3A_56, %dma_start3A_57] : memref<100352x16xf32, #tpu.memory_space<hbm>> -> memref<100352x16xf32, #tpu.memory_space<hbm>>
      tpu.enqueue_indirect_dma source(%dma_start3A_58 : memref<100352x16xf32, #tpu.memory_space<hbm>>) target(%dma_start3A_52 : memref<128x16xf32, #tpu.memory_space<vmem>>) offsets(%dma_start3A_55 : memref<128xi32, #tpu.memory_space<vmem>>) semaphore(%arg11 : memref<!tpu.dma_semaphore, #tpu.memory_space<semaphore_mem>>)
      %dma_start3A_59 = arith.constant 3 : i32
      %dma_start3A_60 = arith.constant 3 : i32
      %dma_start3A_61 = arith.constant 0 : i32
      %dma_start3A_62 = arith.constant 0 : i32
      %dma_start3A_63 = tpu.memref_slice %arg10[%dma_start3A_60, %dma_start3A_61, %dma_start3A_62] : memref<8x128x16xf32, #tpu.memory_space<vmem>> -> memref<1x128x16xf32, #tpu.memory_space<vmem>>
      %dma_start3A_64 = tpu.memref_squeeze %dma_start3A_63 : memref<1x128x16xf32, #tpu.memory_space<vmem>> -> memref<128x16xf32, #tpu.memory_space<vmem>>
      %dma_start3A_65 = arith.constant 0 : i32
      %dma_start3A_66 = tpu.memref_slice %arg8[%dma_start3A_59, %dma_start3A_65] : memref<8x128xi32, #tpu.memory_space<vmem>> -> memref<1x128xi32, #tpu.memory_space<vmem>>
      %dma_start3A_67 = tpu.memref_squeeze %dma_start3A_66 : memref<1x128xi32, #tpu.memory_space<vmem>> -> memref<128xi32, #tpu.memory_space<vmem>>
      %dma_start3A_68 = arith.constant 0 : i32
      %dma_start3A_69 = arith.constant 0 : i32
      %dma_start3A_70 = tpu.memref_slice %arg4[%dma_start3A_68, %dma_start3A_69] : memref<100352x16xf32, #tpu.memory_space<hbm>> -> memref<100352x16xf32, #tpu.memory_space<hbm>>
      tpu.enqueue_indirect_dma source(%dma_start3A_70 : memref<100352x16xf32, #tpu.memory_space<hbm>>) target(%dma_start3A_64 : memref<128x16xf32, #tpu.memory_space<vmem>>) offsets(%dma_start3A_67 : memref<128xi32, #tpu.memory_space<vmem>>) semaphore(%arg11 : memref<!tpu.dma_semaphore, #tpu.memory_space<semaphore_mem>>)
      %dma_start3A_71 = arith.constant 4 : i32
      %dma_start3A_72 = arith.constant 4 : i32
      %dma_start3A_73 = arith.constant 0 : i32
      %dma_start3A_74 = arith.constant 0 : i32
      %dma_start3A_75 = tpu.memref_slice %arg10[%dma_start3A_72, %dma_start3A_73, %dma_start3A_74] : memref<8x128x16xf32, #tpu.memory_space<vmem>> -> memref<1x128x16xf32, #tpu.memory_space<vmem>>
      %dma_start3A_76 = tpu.memref_squeeze %dma_start3A_75 : memref<1x128x16xf32, #tpu.memory_space<vmem>> -> memref<128x16xf32, #tpu.memory_space<vmem>>
      %dma_start3A_77 = arith.constant 0 : i32
      %dma_start3A_78 = tpu.memref_slice %arg8[%dma_start3A_71, %dma_start3A_77] : memref<8x128xi32, #tpu.memory_space<vmem>> -> memref<1x128xi32, #tpu.memory_space<vmem>>
      %dma_start3A_79 = tpu.memref_squeeze %dma_start3A_78 : memref<1x128xi32, #tpu.memory_space<vmem>> -> memref<128xi32, #tpu.memory_space<vmem>>
      %dma_start3A_80 = arith.constant 0 : i32
      %dma_start3A_81 = arith.constant 0 : i32
      %dma_start3A_82 = tpu.memref_slice %arg4[%dma_start3A_80, %dma_start3A_81] : memref<100352x16xf32, #tpu.memory_space<hbm>> -> memref<100352x16xf32, #tpu.memory_space<hbm>>
      tpu.enqueue_indirect_dma source(%dma_start3A_82 : memref<100352x16xf32, #tpu.memory_space<hbm>>) target(%dma_start3A_76 : memref<128x16xf32, #tpu.memory_space<vmem>>) offsets(%dma_start3A_79 : memref<128xi32, #tpu.memory_space<vmem>>) semaphore(%arg11 : memref<!tpu.dma_semaphore, #tpu.memory_space<semaphore_mem>>)
      %dma_start3A_83 = arith.constant 5 : i32
      %dma_start3A_84 = arith.constant 5 : i32
      %dma_start3A_85 = arith.constant 0 : i32
      %dma_start3A_86 = arith.constant 0 : i32
      %dma_start3A_87 = tpu.memref_slice %arg10[%dma_start3A_84, %dma_start3A_85, %dma_start3A_86] : memref<8x128x16xf32, #tpu.memory_space<vmem>> -> memref<1x128x16xf32, #tpu.memory_space<vmem>>
      %dma_start3A_88 = tpu.memref_squeeze %dma_start3A_87 : memref<1x128x16xf32, #tpu.memory_space<vmem>> -> memref<128x16xf32, #tpu.memory_space<vmem>>
      %dma_start3A_89 = arith.constant 0 : i32
      %dma_start3A_90 = tpu.memref_slice %arg8[%dma_start3A_83, %dma_start3A_89] : memref<8x128xi32, #tpu.memory_space<vmem>> -> memref<1x128xi32, #tpu.memory_space<vmem>>
      %dma_start3A_91 = tpu.memref_squeeze %dma_start3A_90 : memref<1x128xi32, #tpu.memory_space<vmem>> -> memref<128xi32, #tpu.memory_space<vmem>>
      %dma_start3A_92 = arith.constant 0 : i32
      %dma_start3A_93 = arith.constant 0 : i32
      %dma_start3A_94 = tpu.memref_slice %arg4[%dma_start3A_92, %dma_start3A_93] : memref<100352x16xf32, #tpu.memory_space<hbm>> -> memref<100352x16xf32, #tpu.memory_space<hbm>>
      tpu.enqueue_indirect_dma source(%dma_start3A_94 : memref<100352x16xf32, #tpu.memory_space<hbm>>) target(%dma_start3A_88 : memref<128x16xf32, #tpu.memory_space<vmem>>) offsets(%dma_start3A_91 : memref<128xi32, #tpu.memory_space<vmem>>) semaphore(%arg11 : memref<!tpu.dma_semaphore, #tpu.memory_space<semaphore_mem>>)
      %dma_start3A_95 = arith.constant 6 : i32
      %dma_start3A_96 = arith.constant 6 : i32
      %dma_start3A_97 = arith.constant 0 : i32
      %dma_start3A_98 = arith.constant 0 : i32
      %dma_start3A_99 = tpu.memref_slice %arg10[%dma_start3A_96, %dma_start3A_97, %dma_start3A_98] : memref<8x128x16xf32, #tpu.memory_space<vmem>> -> memref<1x128x16xf32, #tpu.memory_space<vmem>>
      %dma_start3A_100 = tpu.memref_squeeze %dma_start3A_99 : memref<1x128x16xf32, #tpu.memory_space<vmem>> -> memref<128x16xf32, #tpu.memory_space<vmem>>
      %dma_start3A_101 = arith.constant 0 : i32
      %dma_start3A_102 = tpu.memref_slice %arg8[%dma_start3A_95, %dma_start3A_101] : memref<8x128xi32, #tpu.memory_space<vmem>> -> memref<1x128xi32, #tpu.memory_space<vmem>>
      %dma_start3A_103 = tpu.memref_squeeze %dma_start3A_102 : memref<1x128xi32, #tpu.memory_space<vmem>> -> memref<128xi32, #tpu.memory_space<vmem>>
      %dma_start3A_104 = arith.constant 0 : i32
      %dma_start3A_105 = arith.constant 0 : i32
      %dma_start3A_106 = tpu.memref_slice %arg4[%dma_start3A_104, %dma_start3A_105] : memref<100352x16xf32, #tpu.memory_space<hbm>> -> memref<100352x16xf32, #tpu.memory_space<hbm>>
      tpu.enqueue_indirect_dma source(%dma_start3A_106 : memref<100352x16xf32, #tpu.memory_space<hbm>>) target(%dma_start3A_100 : memref<128x16xf32, #tpu.memory_space<vmem>>) offsets(%dma_start3A_103 : memref<128xi32, #tpu.memory_space<vmem>>) semaphore(%arg11 : memref<!tpu.dma_semaphore, #tpu.memory_space<semaphore_mem>>)
      %dma_start3A_107 = arith.constant 7 : i32
      %dma_start3A_108 = arith.constant 7 : i32
      %dma_start3A_109 = arith.constant 0 : i32
      %dma_start3A_110 = arith.constant 0 : i32
      %dma_start3A_111 = tpu.memref_slice %arg10[%dma_start3A_108, %dma_start3A_109, %dma_start3A_110] : memref<8x128x16xf32, #tpu.memory_space<vmem>> -> memref<1x128x16xf32, #tpu.memory_space<vmem>>
      %dma_start3A_112 = tpu.memref_squeeze %dma_start3A_111 : memref<1x128x16xf32, #tpu.memory_space<vmem>> -> memref<128x16xf32, #tpu.memory_space<vmem>>
      %dma_start3A_113 = arith.constant 0 : i32
      %dma_start3A_114 = tpu.memref_slice %arg8[%dma_start3A_107, %dma_start3A_113] : memref<8x128xi32, #tpu.memory_space<vmem>> -> memref<1x128xi32, #tpu.memory_space<vmem>>
      %dma_start3A_115 = tpu.memref_squeeze %dma_start3A_114 : memref<1x128xi32, #tpu.memory_space<vmem>> -> memref<128xi32, #tpu.memory_space<vmem>>
      %dma_start3A_116 = arith.constant 0 : i32
      %dma_start3A_117 = arith.constant 0 : i32
      %dma_start3A_118 = tpu.memref_slice %arg4[%dma_start3A_116, %dma_start3A_117] : memref<100352x16xf32, #tpu.memory_space<hbm>> -> memref<100352x16xf32, #tpu.memory_space<hbm>>
      tpu.enqueue_indirect_dma source(%dma_start3A_118 : memref<100352x16xf32, #tpu.memory_space<hbm>>) target(%dma_start3A_112 : memref<128x16xf32, #tpu.memory_space<vmem>>) offsets(%dma_start3A_115 : memref<128xi32, #tpu.memory_space<vmem>>) semaphore(%arg11 : memref<!tpu.dma_semaphore, #tpu.memory_space<semaphore_mem>>)
      %dma_wait3A = arith.constant 0 : i32
      %dma_wait3A_119 = arith.constant 0 : i32
      %dma_wait3A_120 = arith.constant 0 : i32
      %dma_wait3A_121 = arith.constant 0 : i32
      %dma_wait3A_122 = tpu.memref_slice %arg10[%dma_wait3A_119, %dma_wait3A_120, %dma_wait3A_121] : memref<8x128x16xf32, #tpu.memory_space<vmem>> -> memref<1x128x16xf32, #tpu.memory_space<vmem>>
      %dma_wait3A_123 = tpu.memref_squeeze %dma_wait3A_122 : memref<1x128x16xf32, #tpu.memory_space<vmem>> -> memref<128x16xf32, #tpu.memory_space<vmem>>
      %dma_wait3A_124 = arith.constant 0 : i32
      %dma_wait3A_125 = tpu.memref_slice %arg8[%dma_wait3A, %dma_wait3A_124] : memref<8x128xi32, #tpu.memory_space<vmem>> -> memref<1x128xi32, #tpu.memory_space<vmem>>
      %dma_wait3A_126 = tpu.memref_squeeze %dma_wait3A_125 : memref<1x128xi32, #tpu.memory_space<vmem>> -> memref<128xi32, #tpu.memory_space<vmem>>
      %dma_wait3A_127 = arith.constant 0 : i32
      %dma_wait3A_128 = arith.constant 0 : i32
      %dma_wait3A_129 = tpu.memref_slice %arg4[%dma_wait3A_127, %dma_wait3A_128] : memref<100352x16xf32, #tpu.memory_space<hbm>> -> memref<100352x16xf32, #tpu.memory_space<hbm>>
      tpu.wait_indirect_dma semaphore(%arg11 : memref<!tpu.dma_semaphore, #tpu.memory_space<semaphore_mem>>) src(%dma_wait3A_129 : memref<100352x16xf32, #tpu.memory_space<hbm>>) dst(%dma_wait3A_123 : memref<128x16xf32, #tpu.memory_space<vmem>>)
      %dma_wait3A_130 = arith.constant 1 : i32
      %dma_wait3A_131 = arith.constant 1 : i32
      %dma_wait3A_132 = arith.constant 0 : i32
      %dma_wait3A_133 = arith.constant 0 : i32
      %dma_wait3A_134 = tpu.memref_slice %arg10[%dma_wait3A_131, %dma_wait3A_132, %dma_wait3A_133] : memref<8x128x16xf32, #tpu.memory_space<vmem>> -> memref<1x128x16xf32, #tpu.memory_space<vmem>>
      %dma_wait3A_135 = tpu.memref_squeeze %dma_wait3A_134 : memref<1x128x16xf32, #tpu.memory_space<vmem>> -> memref<128x16xf32, #tpu.memory_space<vmem>>
      %dma_wait3A_136 = arith.constant 0 : i32
      %dma_wait3A_137 = tpu.memref_slice %arg8[%dma_wait3A_130, %dma_wait3A_136] : memref<8x128xi32, #tpu.memory_space<vmem>> -> memref<1x128xi32, #tpu.memory_space<vmem>>
      %dma_wait3A_138 = tpu.memref_squeeze %dma_wait3A_137 : memref<1x128xi32, #tpu.memory_space<vmem>> -> memref<128xi32, #tpu.memory_space<vmem>>
      %dma_wait3A_139 = arith.constant 0 : i32
      %dma_wait3A_140 = arith.constant 0 : i32
      %dma_wait3A_141 = tpu.memref_slice %arg4[%dma_wait3A_139, %dma_wait3A_140] : memref<100352x16xf32, #tpu.memory_space<hbm>> -> memref<100352x16xf32, #tpu.memory_space<hbm>>
      tpu.wait_indirect_dma semaphore(%arg11 : memref<!tpu.dma_semaphore, #tpu.memory_space<semaphore_mem>>) src(%dma_wait3A_141 : memref<100352x16xf32, #tpu.memory_space<hbm>>) dst(%dma_wait3A_135 : memref<128x16xf32, #tpu.memory_space<vmem>>)
      %dma_wait3A_142 = arith.constant 2 : i32
      %dma_wait3A_143 = arith.constant 2 : i32
      %dma_wait3A_144 = arith.constant 0 : i32
      %dma_wait3A_145 = arith.constant 0 : i32
      %dma_wait3A_146 = tpu.memref_slice %arg10[%dma_wait3A_143, %dma_wait3A_144, %dma_wait3A_145] : memref<8x128x16xf32, #tpu.memory_space<vmem>> -> memref<1x128x16xf32, #tpu.memory_space<vmem>>
      %dma_wait3A_147 = tpu.memref_squeeze %dma_wait3A_146 : memref<1x128x16xf32, #tpu.memory_space<vmem>> -> memref<128x16xf32, #tpu.memory_space<vmem>>
      %dma_wait3A_148 = arith.constant 0 : i32
      %dma_wait3A_149 = tpu.memref_slice %arg8[%dma_wait3A_142, %dma_wait3A_148] : memref<8x128xi32, #tpu.memory_space<vmem>> -> memref<1x128xi32, #tpu.memory_space<vmem>>
      %dma_wait3A_150 = tpu.memref_squeeze %dma_wait3A_149 : memref<1x128xi32, #tpu.memory_space<vmem>> -> memref<128xi32, #tpu.memory_space<vmem>>
      %dma_wait3A_151 = arith.constant 0 : i32
      %dma_wait3A_152 = arith.constant 0 : i32
      %dma_wait3A_153 = tpu.memref_slice %arg4[%dma_wait3A_151, %dma_wait3A_152] : memref<100352x16xf32, #tpu.memory_space<hbm>> -> memref<100352x16xf32, #tpu.memory_space<hbm>>
      tpu.wait_indirect_dma semaphore(%arg11 : memref<!tpu.dma_semaphore, #tpu.memory_space<semaphore_mem>>) src(%dma_wait3A_153 : memref<100352x16xf32, #tpu.memory_space<hbm>>) dst(%dma_wait3A_147 : memref<128x16xf32, #tpu.memory_space<vmem>>)
      %dma_wait3A_154 = arith.constant 3 : i32
      %dma_wait3A_155 = arith.constant 3 : i32
      %dma_wait3A_156 = arith.constant 0 : i32
      %dma_wait3A_157 = arith.constant 0 : i32
      %dma_wait3A_158 = tpu.memref_slice %arg10[%dma_wait3A_155, %dma_wait3A_156, %dma_wait3A_157] : memref<8x128x16xf32, #tpu.memory_space<vmem>> -> memref<1x128x16xf32, #tpu.memory_space<vmem>>
      %dma_wait3A_159 = tpu.memref_squeeze %dma_wait3A_158 : memref<1x128x16xf32, #tpu.memory_space<vmem>> -> memref<128x16xf32, #tpu.memory_space<vmem>>
      %dma_wait3A_160 = arith.constant 0 : i32
      %dma_wait3A_161 = tpu.memref_slice %arg8[%dma_wait3A_154, %dma_wait3A_160] : memref<8x128xi32, #tpu.memory_space<vmem>> -> memref<1x128xi32, #tpu.memory_space<vmem>>
      %dma_wait3A_162 = tpu.memref_squeeze %dma_wait3A_161 : memref<1x128xi32, #tpu.memory_space<vmem>> -> memref<128xi32, #tpu.memory_space<vmem>>
      %dma_wait3A_163 = arith.constant 0 : i32
      %dma_wait3A_164 = arith.constant 0 : i32
      %dma_wait3A_165 = tpu.memref_slice %arg4[%dma_wait3A_163, %dma_wait3A_164] : memref<100352x16xf32, #tpu.memory_space<hbm>> -> memref<100352x16xf32, #tpu.memory_space<hbm>>
      tpu.wait_indirect_dma semaphore(%arg11 : memref<!tpu.dma_semaphore, #tpu.memory_space<semaphore_mem>>) src(%dma_wait3A_165 : memref<100352x16xf32, #tpu.memory_space<hbm>>) dst(%dma_wait3A_159 : memref<128x16xf32, #tpu.memory_space<vmem>>)
      %dma_wait3A_166 = arith.constant 4 : i32
      %dma_wait3A_167 = arith.constant 4 : i32
      %dma_wait3A_168 = arith.constant 0 : i32
      %dma_wait3A_169 = arith.constant 0 : i32
      %dma_wait3A_170 = tpu.memref_slice %arg10[%dma_wait3A_167, %dma_wait3A_168, %dma_wait3A_169] : memref<8x128x16xf32, #tpu.memory_space<vmem>> -> memref<1x128x16xf32, #tpu.memory_space<vmem>>
      %dma_wait3A_171 = tpu.memref_squeeze %dma_wait3A_170 : memref<1x128x16xf32, #tpu.memory_space<vmem>> -> memref<128x16xf32, #tpu.memory_space<vmem>>
      %dma_wait3A_172 = arith.constant 0 : i32
      %dma_wait3A_173 = tpu.memref_slice %arg8[%dma_wait3A_166, %dma_wait3A_172] : memref<8x128xi32, #tpu.memory_space<vmem>> -> memref<1x128xi32, #tpu.memory_space<vmem>>
      %dma_wait3A_174 = tpu.memref_squeeze %dma_wait3A_173 : memref<1x128xi32, #tpu.memory_space<vmem>> -> memref<128xi32, #tpu.memory_space<vmem>>
      %dma_wait3A_175 = arith.constant 0 : i32
      %dma_wait3A_176 = arith.constant 0 : i32
      %dma_wait3A_177 = tpu.memref_slice %arg4[%dma_wait3A_175, %dma_wait3A_176] : memref<100352x16xf32, #tpu.memory_space<hbm>> -> memref<100352x16xf32, #tpu.memory_space<hbm>>
      tpu.wait_indirect_dma semaphore(%arg11 : memref<!tpu.dma_semaphore, #tpu.memory_space<semaphore_mem>>) src(%dma_wait3A_177 : memref<100352x16xf32, #tpu.memory_space<hbm>>) dst(%dma_wait3A_171 : memref<128x16xf32, #tpu.memory_space<vmem>>)
      %dma_wait3A_178 = arith.constant 5 : i32
      %dma_wait3A_179 = arith.constant 5 : i32
      %dma_wait3A_180 = arith.constant 0 : i32
      %dma_wait3A_181 = arith.constant 0 : i32
      %dma_wait3A_182 = tpu.memref_slice %arg10[%dma_wait3A_179, %dma_wait3A_180, %dma_wait3A_181] : memref<8x128x16xf32, #tpu.memory_space<vmem>> -> memref<1x128x16xf32, #tpu.memory_space<vmem>>
      %dma_wait3A_183 = tpu.memref_squeeze %dma_wait3A_182 : memref<1x128x16xf32, #tpu.memory_space<vmem>> -> memref<128x16xf32, #tpu.memory_space<vmem>>
      %dma_wait3A_184 = arith.constant 0 : i32
      %dma_wait3A_185 = tpu.memref_slice %arg8[%dma_wait3A_178, %dma_wait3A_184] : memref<8x128xi32, #tpu.memory_space<vmem>> -> memref<1x128xi32, #tpu.memory_space<vmem>>
      %dma_wait3A_186 = tpu.memref_squeeze %dma_wait3A_185 : memref<1x128xi32, #tpu.memory_space<vmem>> -> memref<128xi32, #tpu.memory_space<vmem>>
      %dma_wait3A_187 = arith.constant 0 : i32
      %dma_wait3A_188 = arith.constant 0 : i32
      %dma_wait3A_189 = tpu.memref_slice %arg4[%dma_wait3A_187, %dma_wait3A_188] : memref<100352x16xf32, #tpu.memory_space<hbm>> -> memref<100352x16xf32, #tpu.memory_space<hbm>>
      tpu.wait_indirect_dma semaphore(%arg11 : memref<!tpu.dma_semaphore, #tpu.memory_space<semaphore_mem>>) src(%dma_wait3A_189 : memref<100352x16xf32, #tpu.memory_space<hbm>>) dst(%dma_wait3A_183 : memref<128x16xf32, #tpu.memory_space<vmem>>)
      %dma_wait3A_190 = arith.constant 6 : i32
      %dma_wait3A_191 = arith.constant 6 : i32
      %dma_wait3A_192 = arith.constant 0 : i32
      %dma_wait3A_193 = arith.constant 0 : i32
      %dma_wait3A_194 = tpu.memref_slice %arg10[%dma_wait3A_191, %dma_wait3A_192, %dma_wait3A_193] : memref<8x128x16xf32, #tpu.memory_space<vmem>> -> memref<1x128x16xf32, #tpu.memory_space<vmem>>
      %dma_wait3A_195 = tpu.memref_squeeze %dma_wait3A_194 : memref<1x128x16xf32, #tpu.memory_space<vmem>> -> memref<128x16xf32, #tpu.memory_space<vmem>>
      %dma_wait3A_196 = arith.constant 0 : i32
      %dma_wait3A_197 = tpu.memref_slice %arg8[%dma_wait3A_190, %dma_wait3A_196] : memref<8x128xi32, #tpu.memory_space<vmem>> -> memref<1x128xi32, #tpu.memory_space<vmem>>
      %dma_wait3A_198 = tpu.memref_squeeze %dma_wait3A_197 : memref<1x128xi32, #tpu.memory_space<vmem>> -> memref<128xi32, #tpu.memory_space<vmem>>
      %dma_wait3A_199 = arith.constant 0 : i32
      %dma_wait3A_200 = arith.constant 0 : i32
      %dma_wait3A_201 = tpu.memref_slice %arg4[%dma_wait3A_199, %dma_wait3A_200] : memref<100352x16xf32, #tpu.memory_space<hbm>> -> memref<100352x16xf32, #tpu.memory_space<hbm>>
      tpu.wait_indirect_dma semaphore(%arg11 : memref<!tpu.dma_semaphore, #tpu.memory_space<semaphore_mem>>) src(%dma_wait3A_201 : memref<100352x16xf32, #tpu.memory_space<hbm>>) dst(%dma_wait3A_195 : memref<128x16xf32, #tpu.memory_space<vmem>>)
      %dma_wait3A_202 = arith.constant 7 : i32
      %dma_wait3A_203 = arith.constant 7 : i32
      %dma_wait3A_204 = arith.constant 0 : i32
      %dma_wait3A_205 = arith.constant 0 : i32
      %dma_wait3A_206 = tpu.memref_slice %arg10[%dma_wait3A_203, %dma_wait3A_204, %dma_wait3A_205] : memref<8x128x16xf32, #tpu.memory_space<vmem>> -> memref<1x128x16xf32, #tpu.memory_space<vmem>>
      %dma_wait3A_207 = tpu.memref_squeeze %dma_wait3A_206 : memref<1x128x16xf32, #tpu.memory_space<vmem>> -> memref<128x16xf32, #tpu.memory_space<vmem>>
      %dma_wait3A_208 = arith.constant 0 : i32
      %dma_wait3A_209 = tpu.memref_slice %arg8[%dma_wait3A_202, %dma_wait3A_208] : memref<8x128xi32, #tpu.memory_space<vmem>> -> memref<1x128xi32, #tpu.memory_space<vmem>>
      %dma_wait3A_210 = tpu.memref_squeeze %dma_wait3A_209 : memref<1x128xi32, #tpu.memory_space<vmem>> -> memref<128xi32, #tpu.memory_space<vmem>>
      %dma_wait3A_211 = arith.constant 0 : i32
      %dma_wait3A_212 = arith.constant 0 : i32
      %dma_wait3A_213 = tpu.memref_slice %arg4[%dma_wait3A_211, %dma_wait3A_212] : memref<100352x16xf32, #tpu.memory_space<hbm>> -> memref<100352x16xf32, #tpu.memory_space<hbm>>
      tpu.wait_indirect_dma semaphore(%arg11 : memref<!tpu.dma_semaphore, #tpu.memory_space<semaphore_mem>>) src(%dma_wait3A_213 : memref<100352x16xf32, #tpu.memory_space<hbm>>) dst(%dma_wait3A_207 : memref<128x16xf32, #tpu.memory_space<vmem>>)
      %run_scoped3A = arith.constant 0 : i32
      %run_scoped3A_214 = arith.constant 0 : i32
      "tpu.region"() ({
        %run_scoped3A_229 = tpu.sem_alloc : memref<!tpu.dma_semaphore, #tpu.memory_space<semaphore_mem>>
        %dma_start3A_230 = arith.constant 0 : i32
        %dma_start3A_231 = arith.constant 0 : i32
        %dma_start3A_232 = tpu.memref_slice %arg10[%run_scoped3A, %dma_start3A_230, %dma_start3A_231] : memref<8x128x16xf32, #tpu.memory_space<vmem>> -> memref<1x128x16xf32, #tpu.memory_space<vmem>>
        %dma_start3A_233 = tpu.memref_squeeze %dma_start3A_232 : memref<1x128x16xf32, #tpu.memory_space<vmem>> -> memref<128x16xf32, #tpu.memory_space<vmem>>
        %dma_start3A_234 = arith.constant 0 : i32
        %dma_start3A_235 = tpu.memref_slice %arg9[%run_scoped3A_214, %dma_start3A_234] : memref<8x128xi32, #tpu.memory_space<vmem>> -> memref<1x128xi32, #tpu.memory_space<vmem>>
        %dma_start3A_236 = tpu.memref_squeeze %dma_start3A_235 : memref<1x128xi32, #tpu.memory_space<vmem>> -> memref<128xi32, #tpu.memory_space<vmem>>
        %dma_start3A_237 = arith.constant 0 : i32
        %dma_start3A_238 = arith.constant 0 : i32
        %dma_start3A_239 = tpu.memref_slice %arg7[%dma_start3A_237, %dma_start3A_238] : memref<100352x16xf32, #tpu.memory_space<vmem_shared>> -> memref<100352x16xf32, #tpu.memory_space<vmem_shared>>
        tpu.enqueue_indirect_dma source(%dma_start3A_233 : memref<128x16xf32, #tpu.memory_space<vmem>>) target(%dma_start3A_239 : memref<100352x16xf32, #tpu.memory_space<vmem_shared>>) offsets(%dma_start3A_236 : memref<128xi32, #tpu.memory_space<vmem>>) semaphore(%run_scoped3A_229 : memref<!tpu.dma_semaphore, #tpu.memory_space<semaphore_mem>>) {add = true}
        %dma_wait3A_240 = arith.constant 0 : i32
        %dma_wait3A_241 = arith.constant 0 : i32
        %dma_wait3A_242 = tpu.memref_slice %arg10[%run_scoped3A, %dma_wait3A_240, %dma_wait3A_241] : memref<8x128x16xf32, #tpu.memory_space<vmem>> -> memref<1x128x16xf32, #tpu.memory_space<vmem>>
        %dma_wait3A_243 = tpu.memref_squeeze %dma_wait3A_242 : memref<1x128x16xf32, #tpu.memory_space<vmem>> -> memref<128x16xf32, #tpu.memory_space<vmem>>
        %dma_wait3A_244 = arith.constant 0 : i32
        %dma_wait3A_245 = tpu.memref_slice %arg9[%run_scoped3A_214, %dma_wait3A_244] : memref<8x128xi32, #tpu.memory_space<vmem>> -> memref<1x128xi32, #tpu.memory_space<vmem>>
        %dma_wait3A_246 = tpu.memref_squeeze %dma_wait3A_245 : memref<1x128xi32, #tpu.memory_space<vmem>> -> memref<128xi32, #tpu.memory_space<vmem>>
        %dma_wait3A_247 = arith.constant 0 : i32
        %dma_wait3A_248 = arith.constant 0 : i32
        %dma_wait3A_249 = tpu.memref_slice %arg7[%dma_wait3A_247, %dma_wait3A_248] : memref<100352x16xf32, #tpu.memory_space<vmem_shared>> -> memref<100352x16xf32, #tpu.memory_space<vmem_shared>>
        tpu.wait_indirect_dma semaphore(%run_scoped3A_229 : memref<!tpu.dma_semaphore, #tpu.memory_space<semaphore_mem>>) src(%dma_wait3A_243 : memref<128x16xf32, #tpu.memory_space<vmem>>) dst(%dma_wait3A_249 : memref<100352x16xf32, #tpu.memory_space<vmem_shared>>)
        tpu.yield
      }) : () -> ()
      %run_scoped3A_215 = arith.constant 1 : i32
      %run_scoped3A_216 = arith.constant 1 : i32
      "tpu.region"() ({
        %run_scoped3A_229 = tpu.sem_alloc : memref<!tpu.dma_semaphore, #tpu.memory_space<semaphore_mem>>
        %dma_start3A_230 = arith.constant 0 : i32
        %dma_start3A_231 = arith.constant 0 : i32
        %dma_start3A_232 = tpu.memref_slice %arg10[%run_scoped3A_215, %dma_start3A_230, %dma_start3A_231] : memref<8x128x16xf32, #tpu.memory_space<vmem>> -> memref<1x128x16xf32, #tpu.memory_space<vmem>>
        %dma_start3A_233 = tpu.memref_squeeze %dma_start3A_232 : memref<1x128x16xf32, #tpu.memory_space<vmem>> -> memref<128x16xf32, #tpu.memory_space<vmem>>
        %dma_start3A_234 = arith.constant 0 : i32
        %dma_start3A_235 = tpu.memref_slice %arg9[%run_scoped3A_216, %dma_start3A_234] : memref<8x128xi32, #tpu.memory_space<vmem>> -> memref<1x128xi32, #tpu.memory_space<vmem>>
        %dma_start3A_236 = tpu.memref_squeeze %dma_start3A_235 : memref<1x128xi32, #tpu.memory_space<vmem>> -> memref<128xi32, #tpu.memory_space<vmem>>
        %dma_start3A_237 = arith.constant 0 : i32
        %dma_start3A_238 = arith.constant 0 : i32
        %dma_start3A_239 = tpu.memref_slice %arg7[%dma_start3A_237, %dma_start3A_238] : memref<100352x16xf32, #tpu.memory_space<vmem_shared>> -> memref<100352x16xf32, #tpu.memory_space<vmem_shared>>
        tpu.enqueue_indirect_dma source(%dma_start3A_233 : memref<128x16xf32, #tpu.memory_space<vmem>>) target(%dma_start3A_239 : memref<100352x16xf32, #tpu.memory_space<vmem_shared>>) offsets(%dma_start3A_236 : memref<128xi32, #tpu.memory_space<vmem>>) semaphore(%run_scoped3A_229 : memref<!tpu.dma_semaphore, #tpu.memory_space<semaphore_mem>>) {add = true}
        %dma_wait3A_240 = arith.constant 0 : i32
        %dma_wait3A_241 = arith.constant 0 : i32
        %dma_wait3A_242 = tpu.memref_slice %arg10[%run_scoped3A_215, %dma_wait3A_240, %dma_wait3A_241] : memref<8x128x16xf32, #tpu.memory_space<vmem>> -> memref<1x128x16xf32, #tpu.memory_space<vmem>>
        %dma_wait3A_243 = tpu.memref_squeeze %dma_wait3A_242 : memref<1x128x16xf32, #tpu.memory_space<vmem>> -> memref<128x16xf32, #tpu.memory_space<vmem>>
        %dma_wait3A_244 = arith.constant 0 : i32
        %dma_wait3A_245 = tpu.memref_slice %arg9[%run_scoped3A_216, %dma_wait3A_244] : memref<8x128xi32, #tpu.memory_space<vmem>> -> memref<1x128xi32, #tpu.memory_space<vmem>>
        %dma_wait3A_246 = tpu.memref_squeeze %dma_wait3A_245 : memref<1x128xi32, #tpu.memory_space<vmem>> -> memref<128xi32, #tpu.memory_space<vmem>>
        %dma_wait3A_247 = arith.constant 0 : i32
        %dma_wait3A_248 = arith.constant 0 : i32
        %dma_wait3A_249 = tpu.memref_slice %arg7[%dma_wait3A_247, %dma_wait3A_248] : memref<100352x16xf32, #tpu.memory_space<vmem_shared>> -> memref<100352x16xf32, #tpu.memory_space<vmem_shared>>
        tpu.wait_indirect_dma semaphore(%run_scoped3A_229 : memref<!tpu.dma_semaphore, #tpu.memory_space<semaphore_mem>>) src(%dma_wait3A_243 : memref<128x16xf32, #tpu.memory_space<vmem>>) dst(%dma_wait3A_249 : memref<100352x16xf32, #tpu.memory_space<vmem_shared>>)
        tpu.yield
      }) : () -> ()
      %run_scoped3A_217 = arith.constant 2 : i32
      %run_scoped3A_218 = arith.constant 2 : i32
      "tpu.region"() ({
        %run_scoped3A_229 = tpu.sem_alloc : memref<!tpu.dma_semaphore, #tpu.memory_space<semaphore_mem>>
        %dma_start3A_230 = arith.constant 0 : i32
        %dma_start3A_231 = arith.constant 0 : i32
        %dma_start3A_232 = tpu.memref_slice %arg10[%run_scoped3A_217, %dma_start3A_230, %dma_start3A_231] : memref<8x128x16xf32, #tpu.memory_space<vmem>> -> memref<1x128x16xf32, #tpu.memory_space<vmem>>
        %dma_start3A_233 = tpu.memref_squeeze %dma_start3A_232 : memref<1x128x16xf32, #tpu.memory_space<vmem>> -> memref<128x16xf32, #tpu.memory_space<vmem>>
        %dma_start3A_234 = arith.constant 0 : i32
        %dma_start3A_235 = tpu.memref_slice %arg9[%run_scoped3A_218, %dma_start3A_234] : memref<8x128xi32, #tpu.memory_space<vmem>> -> memref<1x128xi32, #tpu.memory_space<vmem>>
        %dma_start3A_236 = tpu.memref_squeeze %dma_start3A_235 : memref<1x128xi32, #tpu.memory_space<vmem>> -> memref<128xi32, #tpu.memory_space<vmem>>
        %dma_start3A_237 = arith.constant 0 : i32
        %dma_start3A_238 = arith.constant 0 : i32
        %dma_start3A_239 = tpu.memref_slice %arg7[%dma_start3A_237, %dma_start3A_238] : memref<100352x16xf32, #tpu.memory_space<vmem_shared>> -> memref<100352x16xf32, #tpu.memory_space<vmem_shared>>
        tpu.enqueue_indirect_dma source(%dma_start3A_233 : memref<128x16xf32, #tpu.memory_space<vmem>>) target(%dma_start3A_239 : memref<100352x16xf32, #tpu.memory_space<vmem_shared>>) offsets(%dma_start3A_236 : memref<128xi32, #tpu.memory_space<vmem>>) semaphore(%run_scoped3A_229 : memref<!tpu.dma_semaphore, #tpu.memory_space<semaphore_mem>>) {add = true}
        %dma_wait3A_240 = arith.constant 0 : i32
        %dma_wait3A_241 = arith.constant 0 : i32
        %dma_wait3A_242 = tpu.memref_slice %arg10[%run_scoped3A_217, %dma_wait3A_240, %dma_wait3A_241] : memref<8x128x16xf32, #tpu.memory_space<vmem>> -> memref<1x128x16xf32, #tpu.memory_space<vmem>>
        %dma_wait3A_243 = tpu.memref_squeeze %dma_wait3A_242 : memref<1x128x16xf32, #tpu.memory_space<vmem>> -> memref<128x16xf32, #tpu.memory_space<vmem>>
        %dma_wait3A_244 = arith.constant 0 : i32
        %dma_wait3A_245 = tpu.memref_slice %arg9[%run_scoped3A_218, %dma_wait3A_244] : memref<8x128xi32, #tpu.memory_space<vmem>> -> memref<1x128xi32, #tpu.memory_space<vmem>>
        %dma_wait3A_246 = tpu.memref_squeeze %dma_wait3A_245 : memref<1x128xi32, #tpu.memory_space<vmem>> -> memref<128xi32, #tpu.memory_space<vmem>>
        %dma_wait3A_247 = arith.constant 0 : i32
        %dma_wait3A_248 = arith.constant 0 : i32
        %dma_wait3A_249 = tpu.memref_slice %arg7[%dma_wait3A_247, %dma_wait3A_248] : memref<100352x16xf32, #tpu.memory_space<vmem_shared>> -> memref<100352x16xf32, #tpu.memory_space<vmem_shared>>
        tpu.wait_indirect_dma semaphore(%run_scoped3A_229 : memref<!tpu.dma_semaphore, #tpu.memory_space<semaphore_mem>>) src(%dma_wait3A_243 : memref<128x16xf32, #tpu.memory_space<vmem>>) dst(%dma_wait3A_249 : memref<100352x16xf32, #tpu.memory_space<vmem_shared>>)
        tpu.yield
      }) : () -> ()
      %run_scoped3A_219 = arith.constant 3 : i32
      %run_scoped3A_220 = arith.constant 3 : i32
      "tpu.region"() ({
        %run_scoped3A_229 = tpu.sem_alloc : memref<!tpu.dma_semaphore, #tpu.memory_space<semaphore_mem>>
        %dma_start3A_230 = arith.constant 0 : i32
        %dma_start3A_231 = arith.constant 0 : i32
        %dma_start3A_232 = tpu.memref_slice %arg10[%run_scoped3A_219, %dma_start3A_230, %dma_start3A_231] : memref<8x128x16xf32, #tpu.memory_space<vmem>> -> memref<1x128x16xf32, #tpu.memory_space<vmem>>
        %dma_start3A_233 = tpu.memref_squeeze %dma_start3A_232 : memref<1x128x16xf32, #tpu.memory_space<vmem>> -> memref<128x16xf32, #tpu.memory_space<vmem>>
        %dma_start3A_234 = arith.constant 0 : i32
        %dma_start3A_235 = tpu.memref_slice %arg9[%run_scoped3A_220, %dma_start3A_234] : memref<8x128xi32, #tpu.memory_space<vmem>> -> memref<1x128xi32, #tpu.memory_space<vmem>>
        %dma_start3A_236 = tpu.memref_squeeze %dma_start3A_235 : memref<1x128xi32, #tpu.memory_space<vmem>> -> memref<128xi32, #tpu.memory_space<vmem>>
        %dma_start3A_237 = arith.constant 0 : i32
        %dma_start3A_238 = arith.constant 0 : i32
        %dma_start3A_239 = tpu.memref_slice %arg7[%dma_start3A_237, %dma_start3A_238] : memref<100352x16xf32, #tpu.memory_space<vmem_shared>> -> memref<100352x16xf32, #tpu.memory_space<vmem_shared>>
        tpu.enqueue_indirect_dma source(%dma_start3A_233 : memref<128x16xf32, #tpu.memory_space<vmem>>) target(%dma_start3A_239 : memref<100352x16xf32, #tpu.memory_space<vmem_shared>>) offsets(%dma_start3A_236 : memref<128xi32, #tpu.memory_space<vmem>>) semaphore(%run_scoped3A_229 : memref<!tpu.dma_semaphore, #tpu.memory_space<semaphore_mem>>) {add = true}
        %dma_wait3A_240 = arith.constant 0 : i32
        %dma_wait3A_241 = arith.constant 0 : i32
        %dma_wait3A_242 = tpu.memref_slice %arg10[%run_scoped3A_219, %dma_wait3A_240, %dma_wait3A_241] : memref<8x128x16xf32, #tpu.memory_space<vmem>> -> memref<1x128x16xf32, #tpu.memory_space<vmem>>
        %dma_wait3A_243 = tpu.memref_squeeze %dma_wait3A_242 : memref<1x128x16xf32, #tpu.memory_space<vmem>> -> memref<128x16xf32, #tpu.memory_space<vmem>>
        %dma_wait3A_244 = arith.constant 0 : i32
        %dma_wait3A_245 = tpu.memref_slice %arg9[%run_scoped3A_220, %dma_wait3A_244] : memref<8x128xi32, #tpu.memory_space<vmem>> -> memref<1x128xi32, #tpu.memory_space<vmem>>
        %dma_wait3A_246 = tpu.memref_squeeze %dma_wait3A_245 : memref<1x128xi32, #tpu.memory_space<vmem>> -> memref<128xi32, #tpu.memory_space<vmem>>
        %dma_wait3A_247 = arith.constant 0 : i32
        %dma_wait3A_248 = arith.constant 0 : i32
        %dma_wait3A_249 = tpu.memref_slice %arg7[%dma_wait3A_247, %dma_wait3A_248] : memref<100352x16xf32, #tpu.memory_space<vmem_shared>> -> memref<100352x16xf32, #tpu.memory_space<vmem_shared>>
        tpu.wait_indirect_dma semaphore(%run_scoped3A_229 : memref<!tpu.dma_semaphore, #tpu.memory_space<semaphore_mem>>) src(%dma_wait3A_243 : memref<128x16xf32, #tpu.memory_space<vmem>>) dst(%dma_wait3A_249 : memref<100352x16xf32, #tpu.memory_space<vmem_shared>>)
        tpu.yield
      }) : () -> ()
      %run_scoped3A_221 = arith.constant 4 : i32
      %run_scoped3A_222 = arith.constant 4 : i32
      "tpu.region"() ({
        %run_scoped3A_229 = tpu.sem_alloc : memref<!tpu.dma_semaphore, #tpu.memory_space<semaphore_mem>>
        %dma_start3A_230 = arith.constant 0 : i32
        %dma_start3A_231 = arith.constant 0 : i32
        %dma_start3A_232 = tpu.memref_slice %arg10[%run_scoped3A_221, %dma_start3A_230, %dma_start3A_231] : memref<8x128x16xf32, #tpu.memory_space<vmem>> -> memref<1x128x16xf32, #tpu.memory_space<vmem>>
        %dma_start3A_233 = tpu.memref_squeeze %dma_start3A_232 : memref<1x128x16xf32, #tpu.memory_space<vmem>> -> memref<128x16xf32, #tpu.memory_space<vmem>>
        %dma_start3A_234 = arith.constant 0 : i32
        %dma_start3A_235 = tpu.memref_slice %arg9[%run_scoped3A_222, %dma_start3A_234] : memref<8x128xi32, #tpu.memory_space<vmem>> -> memref<1x128xi32, #tpu.memory_space<vmem>>
        %dma_start3A_236 = tpu.memref_squeeze %dma_start3A_235 : memref<1x128xi32, #tpu.memory_space<vmem>> -> memref<128xi32, #tpu.memory_space<vmem>>
        %dma_start3A_237 = arith.constant 0 : i32
        %dma_start3A_238 = arith.constant 0 : i32
        %dma_start3A_239 = tpu.memref_slice %arg7[%dma_start3A_237, %dma_start3A_238] : memref<100352x16xf32, #tpu.memory_space<vmem_shared>> -> memref<100352x16xf32, #tpu.memory_space<vmem_shared>>
        tpu.enqueue_indirect_dma source(%dma_start3A_233 : memref<128x16xf32, #tpu.memory_space<vmem>>) target(%dma_start3A_239 : memref<100352x16xf32, #tpu.memory_space<vmem_shared>>) offsets(%dma_start3A_236 : memref<128xi32, #tpu.memory_space<vmem>>) semaphore(%run_scoped3A_229 : memref<!tpu.dma_semaphore, #tpu.memory_space<semaphore_mem>>) {add = true}
        %dma_wait3A_240 = arith.constant 0 : i32
        %dma_wait3A_241 = arith.constant 0 : i32
        %dma_wait3A_242 = tpu.memref_slice %arg10[%run_scoped3A_221, %dma_wait3A_240, %dma_wait3A_241] : memref<8x128x16xf32, #tpu.memory_space<vmem>> -> memref<1x128x16xf32, #tpu.memory_space<vmem>>
        %dma_wait3A_243 = tpu.memref_squeeze %dma_wait3A_242 : memref<1x128x16xf32, #tpu.memory_space<vmem>> -> memref<128x16xf32, #tpu.memory_space<vmem>>
        %dma_wait3A_244 = arith.constant 0 : i32
        %dma_wait3A_245 = tpu.memref_slice %arg9[%run_scoped3A_222, %dma_wait3A_244] : memref<8x128xi32, #tpu.memory_space<vmem>> -> memref<1x128xi32, #tpu.memory_space<vmem>>
        %dma_wait3A_246 = tpu.memref_squeeze %dma_wait3A_245 : memref<1x128xi32, #tpu.memory_space<vmem>> -> memref<128xi32, #tpu.memory_space<vmem>>
        %dma_wait3A_247 = arith.constant 0 : i32
        %dma_wait3A_248 = arith.constant 0 : i32
        %dma_wait3A_249 = tpu.memref_slice %arg7[%dma_wait3A_247, %dma_wait3A_248] : memref<100352x16xf32, #tpu.memory_space<vmem_shared>> -> memref<100352x16xf32, #tpu.memory_space<vmem_shared>>
        tpu.wait_indirect_dma semaphore(%run_scoped3A_229 : memref<!tpu.dma_semaphore, #tpu.memory_space<semaphore_mem>>) src(%dma_wait3A_243 : memref<128x16xf32, #tpu.memory_space<vmem>>) dst(%dma_wait3A_249 : memref<100352x16xf32, #tpu.memory_space<vmem_shared>>)
        tpu.yield
      }) : () -> ()
      %run_scoped3A_223 = arith.constant 5 : i32
      %run_scoped3A_224 = arith.constant 5 : i32
      "tpu.region"() ({
        %run_scoped3A_229 = tpu.sem_alloc : memref<!tpu.dma_semaphore, #tpu.memory_space<semaphore_mem>>
        %dma_start3A_230 = arith.constant 0 : i32
        %dma_start3A_231 = arith.constant 0 : i32
        %dma_start3A_232 = tpu.memref_slice %arg10[%run_scoped3A_223, %dma_start3A_230, %dma_start3A_231] : memref<8x128x16xf32, #tpu.memory_space<vmem>> -> memref<1x128x16xf32, #tpu.memory_space<vmem>>
        %dma_start3A_233 = tpu.memref_squeeze %dma_start3A_232 : memref<1x128x16xf32, #tpu.memory_space<vmem>> -> memref<128x16xf32, #tpu.memory_space<vmem>>
        %dma_start3A_234 = arith.constant 0 : i32
        %dma_start3A_235 = tpu.memref_slice %arg9[%run_scoped3A_224, %dma_start3A_234] : memref<8x128xi32, #tpu.memory_space<vmem>> -> memref<1x128xi32, #tpu.memory_space<vmem>>
        %dma_start3A_236 = tpu.memref_squeeze %dma_start3A_235 : memref<1x128xi32, #tpu.memory_space<vmem>> -> memref<128xi32, #tpu.memory_space<vmem>>
        %dma_start3A_237 = arith.constant 0 : i32
        %dma_start3A_238 = arith.constant 0 : i32
        %dma_start3A_239 = tpu.memref_slice %arg7[%dma_start3A_237, %dma_start3A_238] : memref<100352x16xf32, #tpu.memory_space<vmem_shared>> -> memref<100352x16xf32, #tpu.memory_space<vmem_shared>>
        tpu.enqueue_indirect_dma source(%dma_start3A_233 : memref<128x16xf32, #tpu.memory_space<vmem>>) target(%dma_start3A_239 : memref<100352x16xf32, #tpu.memory_space<vmem_shared>>) offsets(%dma_start3A_236 : memref<128xi32, #tpu.memory_space<vmem>>) semaphore(%run_scoped3A_229 : memref<!tpu.dma_semaphore, #tpu.memory_space<semaphore_mem>>) {add = true}
        %dma_wait3A_240 = arith.constant 0 : i32
        %dma_wait3A_241 = arith.constant 0 : i32
        %dma_wait3A_242 = tpu.memref_slice %arg10[%run_scoped3A_223, %dma_wait3A_240, %dma_wait3A_241] : memref<8x128x16xf32, #tpu.memory_space<vmem>> -> memref<1x128x16xf32, #tpu.memory_space<vmem>>
        %dma_wait3A_243 = tpu.memref_squeeze %dma_wait3A_242 : memref<1x128x16xf32, #tpu.memory_space<vmem>> -> memref<128x16xf32, #tpu.memory_space<vmem>>
        %dma_wait3A_244 = arith.constant 0 : i32
        %dma_wait3A_245 = tpu.memref_slice %arg9[%run_scoped3A_224, %dma_wait3A_244] : memref<8x128xi32, #tpu.memory_space<vmem>> -> memref<1x128xi32, #tpu.memory_space<vmem>>
        %dma_wait3A_246 = tpu.memref_squeeze %dma_wait3A_245 : memref<1x128xi32, #tpu.memory_space<vmem>> -> memref<128xi32, #tpu.memory_space<vmem>>
        %dma_wait3A_247 = arith.constant 0 : i32
        %dma_wait3A_248 = arith.constant 0 : i32
        %dma_wait3A_249 = tpu.memref_slice %arg7[%dma_wait3A_247, %dma_wait3A_248] : memref<100352x16xf32, #tpu.memory_space<vmem_shared>> -> memref<100352x16xf32, #tpu.memory_space<vmem_shared>>
        tpu.wait_indirect_dma semaphore(%run_scoped3A_229 : memref<!tpu.dma_semaphore, #tpu.memory_space<semaphore_mem>>) src(%dma_wait3A_243 : memref<128x16xf32, #tpu.memory_space<vmem>>) dst(%dma_wait3A_249 : memref<100352x16xf32, #tpu.memory_space<vmem_shared>>)
        tpu.yield
      }) : () -> ()
      %run_scoped3A_225 = arith.constant 6 : i32
      %run_scoped3A_226 = arith.constant 6 : i32
      "tpu.region"() ({
        %run_scoped3A_229 = tpu.sem_alloc : memref<!tpu.dma_semaphore, #tpu.memory_space<semaphore_mem>>
        %dma_start3A_230 = arith.constant 0 : i32
        %dma_start3A_231 = arith.constant 0 : i32
        %dma_start3A_232 = tpu.memref_slice %arg10[%run_scoped3A_225, %dma_start3A_230, %dma_start3A_231] : memref<8x128x16xf32, #tpu.memory_space<vmem>> -> memref<1x128x16xf32, #tpu.memory_space<vmem>>
        %dma_start3A_233 = tpu.memref_squeeze %dma_start3A_232 : memref<1x128x16xf32, #tpu.memory_space<vmem>> -> memref<128x16xf32, #tpu.memory_space<vmem>>
        %dma_start3A_234 = arith.constant 0 : i32
        %dma_start3A_235 = tpu.memref_slice %arg9[%run_scoped3A_226, %dma_start3A_234] : memref<8x128xi32, #tpu.memory_space<vmem>> -> memref<1x128xi32, #tpu.memory_space<vmem>>
        %dma_start3A_236 = tpu.memref_squeeze %dma_start3A_235 : memref<1x128xi32, #tpu.memory_space<vmem>> -> memref<128xi32, #tpu.memory_space<vmem>>
        %dma_start3A_237 = arith.constant 0 : i32
        %dma_start3A_238 = arith.constant 0 : i32
        %dma_start3A_239 = tpu.memref_slice %arg7[%dma_start3A_237, %dma_start3A_238] : memref<100352x16xf32, #tpu.memory_space<vmem_shared>> -> memref<100352x16xf32, #tpu.memory_space<vmem_shared>>
        tpu.enqueue_indirect_dma source(%dma_start3A_233 : memref<128x16xf32, #tpu.memory_space<vmem>>) target(%dma_start3A_239 : memref<100352x16xf32, #tpu.memory_space<vmem_shared>>) offsets(%dma_start3A_236 : memref<128xi32, #tpu.memory_space<vmem>>) semaphore(%run_scoped3A_229 : memref<!tpu.dma_semaphore, #tpu.memory_space<semaphore_mem>>) {add = true}
        %dma_wait3A_240 = arith.constant 0 : i32
        %dma_wait3A_241 = arith.constant 0 : i32
        %dma_wait3A_242 = tpu.memref_slice %arg10[%run_scoped3A_225, %dma_wait3A_240, %dma_wait3A_241] : memref<8x128x16xf32, #tpu.memory_space<vmem>> -> memref<1x128x16xf32, #tpu.memory_space<vmem>>
        %dma_wait3A_243 = tpu.memref_squeeze %dma_wait3A_242 : memref<1x128x16xf32, #tpu.memory_space<vmem>> -> memref<128x16xf32, #tpu.memory_space<vmem>>
        %dma_wait3A_244 = arith.constant 0 : i32
        %dma_wait3A_245 = tpu.memref_slice %arg9[%run_scoped3A_226, %dma_wait3A_244] : memref<8x128xi32, #tpu.memory_space<vmem>> -> memref<1x128xi32, #tpu.memory_space<vmem>>
        %dma_wait3A_246 = tpu.memref_squeeze %dma_wait3A_245 : memref<1x128xi32, #tpu.memory_space<vmem>> -> memref<128xi32, #tpu.memory_space<vmem>>
        %dma_wait3A_247 = arith.constant 0 : i32
        %dma_wait3A_248 = arith.constant 0 : i32
        %dma_wait3A_249 = tpu.memref_slice %arg7[%dma_wait3A_247, %dma_wait3A_248] : memref<100352x16xf32, #tpu.memory_space<vmem_shared>> -> memref<100352x16xf32, #tpu.memory_space<vmem_shared>>
        tpu.wait_indirect_dma semaphore(%run_scoped3A_229 : memref<!tpu.dma_semaphore, #tpu.memory_space<semaphore_mem>>) src(%dma_wait3A_243 : memref<128x16xf32, #tpu.memory_space<vmem>>) dst(%dma_wait3A_249 : memref<100352x16xf32, #tpu.memory_space<vmem_shared>>)
        tpu.yield
      }) : () -> ()
      %run_scoped3A_227 = arith.constant 7 : i32
      %run_scoped3A_228 = arith.constant 7 : i32
      "tpu.region"() ({
        %run_scoped3A_229 = tpu.sem_alloc : memref<!tpu.dma_semaphore, #tpu.memory_space<semaphore_mem>>
        %dma_start3A_230 = arith.constant 0 : i32
        %dma_start3A_231 = arith.constant 0 : i32
        %dma_start3A_232 = tpu.memref_slice %arg10[%run_scoped3A_227, %dma_start3A_230, %dma_start3A_231] : memref<8x128x16xf32, #tpu.memory_space<vmem>> -> memref<1x128x16xf32, #tpu.memory_space<vmem>>
        %dma_start3A_233 = tpu.memref_squeeze %dma_start3A_232 : memref<1x128x16xf32, #tpu.memory_space<vmem>> -> memref<128x16xf32, #tpu.memory_space<vmem>>
        %dma_start3A_234 = arith.constant 0 : i32
        %dma_start3A_235 = tpu.memref_slice %arg9[%run_scoped3A_228, %dma_start3A_234] : memref<8x128xi32, #tpu.memory_space<vmem>> -> memref<1x128xi32, #tpu.memory_space<vmem>>
        %dma_start3A_236 = tpu.memref_squeeze %dma_start3A_235 : memref<1x128xi32, #tpu.memory_space<vmem>> -> memref<128xi32, #tpu.memory_space<vmem>>
        %dma_start3A_237 = arith.constant 0 : i32
        %dma_start3A_238 = arith.constant 0 : i32
        %dma_start3A_239 = tpu.memref_slice %arg7[%dma_start3A_237, %dma_start3A_238] : memref<100352x16xf32, #tpu.memory_space<vmem_shared>> -> memref<100352x16xf32, #tpu.memory_space<vmem_shared>>
        tpu.enqueue_indirect_dma source(%dma_start3A_233 : memref<128x16xf32, #tpu.memory_space<vmem>>) target(%dma_start3A_239 : memref<100352x16xf32, #tpu.memory_space<vmem_shared>>) offsets(%dma_start3A_236 : memref<128xi32, #tpu.memory_space<vmem>>) semaphore(%run_scoped3A_229 : memref<!tpu.dma_semaphore, #tpu.memory_space<semaphore_mem>>) {add = true}
        %dma_wait3A_240 = arith.constant 0 : i32
        %dma_wait3A_241 = arith.constant 0 : i32
        %dma_wait3A_242 = tpu.memref_slice %arg10[%run_scoped3A_227, %dma_wait3A_240, %dma_wait3A_241] : memref<8x128x16xf32, #tpu.memory_space<vmem>> -> memref<1x128x16xf32, #tpu.memory_space<vmem>>
        %dma_wait3A_243 = tpu.memref_squeeze %dma_wait3A_242 : memref<1x128x16xf32, #tpu.memory_space<vmem>> -> memref<128x16xf32, #tpu.memory_space<vmem>>
        %dma_wait3A_244 = arith.constant 0 : i32
        %dma_wait3A_245 = tpu.memref_slice %arg9[%run_scoped3A_228, %dma_wait3A_244] : memref<8x128xi32, #tpu.memory_space<vmem>> -> memref<1x128xi32, #tpu.memory_space<vmem>>
        %dma_wait3A_246 = tpu.memref_squeeze %dma_wait3A_245 : memref<1x128xi32, #tpu.memory_space<vmem>> -> memref<128xi32, #tpu.memory_space<vmem>>
        %dma_wait3A_247 = arith.constant 0 : i32
        %dma_wait3A_248 = arith.constant 0 : i32
        %dma_wait3A_249 = tpu.memref_slice %arg7[%dma_wait3A_247, %dma_wait3A_248] : memref<100352x16xf32, #tpu.memory_space<vmem_shared>> -> memref<100352x16xf32, #tpu.memory_space<vmem_shared>>
        tpu.wait_indirect_dma semaphore(%run_scoped3A_229 : memref<!tpu.dma_semaphore, #tpu.memory_space<semaphore_mem>>) src(%dma_wait3A_243 : memref<128x16xf32, #tpu.memory_space<vmem>>) dst(%dma_wait3A_249 : memref<100352x16xf32, #tpu.memory_space<vmem_shared>>)
        tpu.yield
      }) : () -> ()
    }
    %scan3A_11 = arith.constant 100 : i32
    %barrier3A_12 = arith.constant 0 : index
    tpu.barrier barrier_id(%barrier3A_12)
    %mul3A_13 = arith.constant 6272 : i32
    %mul3A_14 = arith.muli %arg1, %mul3A_13 : i32
    %mul3A_15 = arith.constant 100352 : i32
    %mul3A_16 = arith.muli %arg0, %mul3A_15 : i32
    %mul3A_17 = arith.constant 6272 : i32
    %mul3A_18 = arith.muli %arg1, %mul3A_17 : i32
    %add3A_19 = arith.addi %mul3A_16, %mul3A_18 : i32
    "tpu.region"() ({
      %run_scoped3A = tpu.sem_alloc : memref<!tpu.dma_semaphore, #tpu.memory_space<semaphore_mem>>
      %dma_start3A = arith.constant 0 : i32
      %dma_start3A_20 = tpu.memref_slice %arg6[%add3A_19, %dma_start3A] : memref<200704x16xf32, #tpu.memory_space<hbm>> -> memref<6272x16xf32, #tpu.memory_space<hbm>>
      %dma_start3A_21 = arith.constant 0 : i32
      %dma_start3A_22 = tpu.memref_slice %arg7[%mul3A_14, %dma_start3A_21] : memref<100352x16xf32, #tpu.memory_space<vmem_shared>> -> memref<6272x16xf32, #tpu.memory_space<vmem_shared>>
      tpu.enqueue_dma source(%dma_start3A_22 : memref<6272x16xf32, #tpu.memory_space<vmem_shared>>) target(%dma_start3A_20 : memref<6272x16xf32, #tpu.memory_space<hbm>>) target_semaphore(%run_scoped3A : memref<!tpu.dma_semaphore, #tpu.memory_space<semaphore_mem>>)
      %dma_wait3A = arith.constant 0 : i32
      %dma_wait3A_23 = tpu.memref_slice %arg6[%add3A_19, %dma_wait3A] : memref<200704x16xf32, #tpu.memory_space<hbm>> -> memref<6272x16xf32, #tpu.memory_space<hbm>>
      %dma_wait3A_24 = arith.constant 0 : i32
      %dma_wait3A_25 = tpu.memref_slice %arg7[%mul3A_14, %dma_wait3A_24] : memref<100352x16xf32, #tpu.memory_space<vmem_shared>> -> memref<6272x16xf32, #tpu.memory_space<vmem_shared>>
      tpu.wait_dma2 semaphore(%run_scoped3A : memref<!tpu.dma_semaphore, #tpu.memory_space<semaphore_mem>>) src(%dma_wait3A_25 : memref<6272x16xf32, #tpu.memory_space<vmem_shared>>) dst(%dma_wait3A_23 : memref<6272x16xf32, #tpu.memory_space<hbm>>)
      tpu.yield
    }) : () -> ()
    return
  }
}

module attributes {stable_mosaic.version = 14 : i64} {
  func.func @_tc_a(%arg0: memref<2x12544x8xf32, #tpu.memory_space<vmem>>, %arg1: memref<12544x48xf32, #tpu.memory_space<vmem>>, %arg2: memref<48x128xf32, #tpu.memory_space<vmem>>, %arg3: memref<8x128xf32, #tpu.memory_space<vmem>>, %arg4: memref<12544x128xf32, #tpu.memory_space<vmem>>, %arg5: memref<12544x128xf32, #tpu.memory_space<vmem>>) attributes {dimension_semantics = [], scalar_prefetch = 0 : i64, scratch_operands = 0 : i64, tpu.core_type = #tpu.core_type<tc>} {
    %get3A = arith.constant 0 : index
    %get3A_0 = arith.constant 0 : index
    %get3A_1 = arith.constant 0 : index
    %get3A_2 = vector.load %arg0[%get3A, %get3A_0, %get3A_1] : memref<2x12544x8xf32, #tpu.memory_space<vmem>>, vector<1x12544x8xf32>
    %get3A_3 = vector.shape_cast %get3A_2 : vector<1x12544x8xf32> to vector<12544x8xf32>
    %get3A_4 = arith.constant 1 : index
    %get3A_5 = arith.constant 0 : index
    %get3A_6 = arith.constant 0 : index
    %get3A_7 = vector.load %arg0[%get3A_4, %get3A_5, %get3A_6] : memref<2x12544x8xf32, #tpu.memory_space<vmem>>, vector<1x12544x8xf32>
    %get3A_8 = vector.shape_cast %get3A_7 : vector<1x12544x8xf32> to vector<12544x8xf32>
    %add3A = arith.addf %get3A_3, %get3A_8 : vector<12544x8xf32>
    %add3A_9 = arith.constant 1.000000e+00 : f32
    %add3A_10 = vector.broadcast %add3A_9 : f32 to vector<12544x8xf32>
    %add3A_11 = arith.addf %add3A, %add3A_10 : vector<12544x8xf32>
    %rsqrt3A = math.rsqrt %add3A_11 : vector<12544x8xf32>
    %get3A_12 = arith.constant 0 : index
    %get3A_13 = arith.constant 0 : index
    %get3A_14 = vector.load %arg3[%get3A_12, %get3A_13] : memref<8x128xf32, #tpu.memory_space<vmem>>, vector<8x128xf32>
    %dot_general3A = arith.constant dense<0.000000e+00> : vector<12544x128xf32>
    %dot_general3A_15 = tpu.matmul %rsqrt3A, %get3A_14, %dot_general3A {dimension_numbers = #tpu.dot_dimension_numbers<[1], [0], [0], [1], [0, 0, 1, 1], [], []>, transpose_lhs_hint = false} : vector<12544x8xf32>, vector<8x128xf32>, vector<12544x128xf32> -> vector<12544x128xf32>
    %swap3A = arith.constant 0 : index
    %swap3A_16 = arith.constant 0 : index
    %swap3A_17 = vector.load %arg4[%swap3A, %swap3A_16] : memref<12544x128xf32, #tpu.memory_space<vmem>>, vector<12544x128xf32>
    tpu.vector_store %arg4[%swap3A, %swap3A_16], %dot_general3A_15 {strides = array<i32>} : memref<12544x128xf32, #tpu.memory_space<vmem>>, vector<12544x128xf32>,
    %get3A_18 = arith.constant 0 : index
    %get3A_19 = arith.constant 0 : index
    %get3A_20 = vector.load %arg1[%get3A_18, %get3A_19] : memref<12544x48xf32, #tpu.memory_space<vmem>>, vector<12544x48xf32>
    %get3A_21 = arith.constant 0 : index
    %get3A_22 = arith.constant 0 : index
    %get3A_23 = vector.load %arg2[%get3A_21, %get3A_22] : memref<48x128xf32, #tpu.memory_space<vmem>>, vector<48x128xf32>
    %dot_general3A_24 = arith.constant dense<0.000000e+00> : vector<12544x128xf32>
    %dot_general3A_25 = tpu.matmul %get3A_20, %get3A_23, %dot_general3A_24 {dimension_numbers = #tpu.dot_dimension_numbers<[1], [0], [0], [1], [0, 0, 1, 1], [], []>, transpose_lhs_hint = false} : vector<12544x48xf32>, vector<48x128xf32>, vector<12544x128xf32> -> vector<12544x128xf32>
    %mul3A = arith.mulf %dot_general3A_25, %dot_general3A_15 : vector<12544x128xf32>
    %swap3A_26 = arith.constant 0 : index
    %swap3A_27 = arith.constant 0 : index
    %swap3A_28 = vector.load %arg5[%swap3A_26, %swap3A_27] : memref<12544x128xf32, #tpu.memory_space<vmem>>, vector<12544x128xf32>
    tpu.vector_store %arg5[%swap3A_26, %swap3A_27], %mul3A {strides = array<i32>} : memref<12544x128xf32, #tpu.memory_space<vmem>>, vector<12544x128xf32>,
    return
  }
}

module attributes {stable_mosaic.version = 14 : i64} {
  func.func @_tc_b(%arg0: memref<2x12544x128xf32, #tpu.memory_space<vmem>>, %arg1: memref<12544x128xf32, #tpu.memory_space<vmem>>, %arg2: memref<12544x128xf32, #tpu.memory_space<vmem>>, %arg3: memref<1x128xf32, #tpu.memory_space<vmem>>, %arg4: memref<128x128xf32, #tpu.memory_space<vmem>>, %arg5: memref<12544x128xf32, #tpu.memory_space<vmem>>) attributes {dimension_semantics = [], scalar_prefetch = 0 : i64, scratch_operands = 0 : i64, tpu.core_type = #tpu.core_type<tc>} {
    %get3A = arith.constant 0 : index
    %get3A_0 = arith.constant 0 : index
    %get3A_1 = vector.load %arg2[%get3A, %get3A_0] : memref<12544x128xf32, #tpu.memory_space<vmem>>, vector<12544x128xf32>
    %get3A_2 = arith.constant 0 : index
    %get3A_3 = arith.constant 0 : index
    %get3A_4 = arith.constant 0 : index
    %get3A_5 = vector.load %arg0[%get3A_2, %get3A_3, %get3A_4] : memref<2x12544x128xf32, #tpu.memory_space<vmem>>, vector<1x12544x128xf32>
    %get3A_6 = vector.shape_cast %get3A_5 : vector<1x12544x128xf32> to vector<12544x128xf32>
    %get3A_7 = arith.constant 1 : index
    %get3A_8 = arith.constant 0 : index
    %get3A_9 = arith.constant 0 : index
    %get3A_10 = vector.load %arg0[%get3A_7, %get3A_8, %get3A_9] : memref<2x12544x128xf32, #tpu.memory_space<vmem>>, vector<1x12544x128xf32>
    %get3A_11 = vector.shape_cast %get3A_10 : vector<1x12544x128xf32> to vector<12544x128xf32>
    %add3A = arith.addf %get3A_6, %get3A_11 : vector<12544x128xf32>
    %get3A_12 = arith.constant 0 : index
    %get3A_13 = arith.constant 0 : index
    %get3A_14 = vector.load %arg1[%get3A_12, %get3A_13] : memref<12544x128xf32, #tpu.memory_space<vmem>>, vector<12544x128xf32>
    %add3A_15 = arith.addf %add3A, %get3A_14 : vector<12544x128xf32>
    %mul3A = arith.mulf %get3A_1, %add3A_15 : vector<12544x128xf32>
    %get3A_16 = arith.constant 0 : index
    %get3A_17 = arith.constant 0 : index
    %get3A_18 = vector.load %arg3[%get3A_16, %get3A_17] : memref<1x128xf32, #tpu.memory_space<vmem>>, vector<1x128xf32>
    %add3A_19 = vector.broadcast %get3A_18 : vector<1x128xf32> to vector<12544x128xf32>
    %add3A_20 = arith.addf %mul3A, %add3A_19 : vector<12544x128xf32>
    %max3A = arith.constant 0.000000e+00 : f32
    %max3A_21 = vector.broadcast %max3A : f32 to vector<12544x128xf32>
    %max3A_22 = arith.maximumf %add3A_20, %max3A_21 : vector<12544x128xf32>
    %get3A_23 = arith.constant 0 : index
    %get3A_24 = arith.constant 0 : index
    %get3A_25 = vector.load %arg4[%get3A_23, %get3A_24] : memref<128x128xf32, #tpu.memory_space<vmem>>, vector<128x128xf32>
    %dot_general3A = arith.constant dense<0.000000e+00> : vector<12544x128xf32>
    %dot_general3A_26 = tpu.matmul %max3A_22, %get3A_25, %dot_general3A {dimension_numbers = #tpu.dot_dimension_numbers<[1], [0], [0], [1], [0, 0, 1, 1], [], []>, transpose_lhs_hint = false} : vector<12544x128xf32>, vector<128x128xf32>, vector<12544x128xf32> -> vector<12544x128xf32>
    %mul3A_27 = arith.mulf %dot_general3A_26, %get3A_1 : vector<12544x128xf32>
    %swap3A = arith.constant 0 : index
    %swap3A_28 = arith.constant 0 : index
    %swap3A_29 = vector.load %arg5[%swap3A, %swap3A_28] : memref<12544x128xf32, #tpu.memory_space<vmem>>, vector<12544x128xf32>
    tpu.vector_store %arg5[%swap3A, %swap3A_28], %mul3A_27 {strides = array<i32>} : memref<12544x128xf32, #tpu.memory_space<vmem>>, vector<12544x128xf32>,
    return
  }
}

module attributes {stable_mosaic.version = 14 : i64} {
  func.func @_tc_c(%arg0: memref<2x12544x128xf32, #tpu.memory_space<vmem>>, %arg1: memref<12544x128xf32, #tpu.memory_space<vmem>>, %arg2: memref<12544x128xf32, #tpu.memory_space<vmem>>, %arg3: memref<1x128xf32, #tpu.memory_space<vmem>>, %arg4: memref<128x104xf32, #tpu.memory_space<vmem>>, %arg5: memref<128x64xf32, #tpu.memory_space<vmem>>, %arg6: memref<1x104xf32, #tpu.memory_space<vmem>>, %arg7: memref<1x64xf32, #tpu.memory_space<vmem>>, %arg8: memref<12544x104xf32, #tpu.memory_space<vmem>>, %arg9: memref<12544x64xf32, #tpu.memory_space<vmem>>) attributes {dimension_semantics = [], scalar_prefetch = 0 : i64, scratch_operands = 0 : i64, tpu.core_type = #tpu.core_type<tc>} {
    %get3A = arith.constant 0 : index
    %get3A_0 = arith.constant 0 : index
    %get3A_1 = vector.load %arg2[%get3A, %get3A_0] : memref<12544x128xf32, #tpu.memory_space<vmem>>, vector<12544x128xf32>
    %get3A_2 = arith.constant 0 : index
    %get3A_3 = arith.constant 0 : index
    %get3A_4 = arith.constant 0 : index
    %get3A_5 = vector.load %arg0[%get3A_2, %get3A_3, %get3A_4] : memref<2x12544x128xf32, #tpu.memory_space<vmem>>, vector<1x12544x128xf32>
    %get3A_6 = vector.shape_cast %get3A_5 : vector<1x12544x128xf32> to vector<12544x128xf32>
    %get3A_7 = arith.constant 1 : index
    %get3A_8 = arith.constant 0 : index
    %get3A_9 = arith.constant 0 : index
    %get3A_10 = vector.load %arg0[%get3A_7, %get3A_8, %get3A_9] : memref<2x12544x128xf32, #tpu.memory_space<vmem>>, vector<1x12544x128xf32>
    %get3A_11 = vector.shape_cast %get3A_10 : vector<1x12544x128xf32> to vector<12544x128xf32>
    %add3A = arith.addf %get3A_6, %get3A_11 : vector<12544x128xf32>
    %get3A_12 = arith.constant 0 : index
    %get3A_13 = arith.constant 0 : index
    %get3A_14 = vector.load %arg1[%get3A_12, %get3A_13] : memref<12544x128xf32, #tpu.memory_space<vmem>>, vector<12544x128xf32>
    %add3A_15 = arith.addf %add3A, %get3A_14 : vector<12544x128xf32>
    %mul3A = arith.mulf %get3A_1, %add3A_15 : vector<12544x128xf32>
    %get3A_16 = arith.constant 0 : index
    %get3A_17 = arith.constant 0 : index
    %get3A_18 = vector.load %arg3[%get3A_16, %get3A_17] : memref<1x128xf32, #tpu.memory_space<vmem>>, vector<1x128xf32>
    %add3A_19 = vector.broadcast %get3A_18 : vector<1x128xf32> to vector<12544x128xf32>
    %add3A_20 = arith.addf %mul3A, %add3A_19 : vector<12544x128xf32>
    %max3A = arith.constant 0.000000e+00 : f32
    %max3A_21 = vector.broadcast %max3A : f32 to vector<12544x128xf32>
    %max3A_22 = arith.maximumf %add3A_20, %max3A_21 : vector<12544x128xf32>
    %get3A_23 = arith.constant 0 : index
    %get3A_24 = arith.constant 0 : index
    %get3A_25 = vector.load %arg4[%get3A_23, %get3A_24] : memref<128x104xf32, #tpu.memory_space<vmem>>, vector<128x104xf32>
    %dot_general3A = arith.constant dense<0.000000e+00> : vector<12544x104xf32>
    %dot_general3A_26 = tpu.matmul %max3A_22, %get3A_25, %dot_general3A {dimension_numbers = #tpu.dot_dimension_numbers<[1], [0], [0], [1], [0, 0, 1, 1], [], []>, transpose_lhs_hint = false} : vector<12544x128xf32>, vector<128x104xf32>, vector<12544x104xf32> -> vector<12544x104xf32>
    %get3A_27 = arith.constant 0 : index
    %get3A_28 = arith.constant 0 : index
    %get3A_29 = vector.load %arg6[%get3A_27, %get3A_28] : memref<1x104xf32, #tpu.memory_space<vmem>>, vector<1x104xf32>
    %add3A_30 = vector.broadcast %get3A_29 : vector<1x104xf32> to vector<12544x104xf32>
    %add3A_31 = arith.addf %dot_general3A_26, %add3A_30 : vector<12544x104xf32>
    %swap3A = arith.constant 0 : index
    %swap3A_32 = arith.constant 0 : index
    %swap3A_33 = vector.load %arg8[%swap3A, %swap3A_32] : memref<12544x104xf32, #tpu.memory_space<vmem>>, vector<12544x104xf32>
    tpu.vector_store %arg8[%swap3A, %swap3A_32], %add3A_31 {strides = array<i32>} : memref<12544x104xf32, #tpu.memory_space<vmem>>, vector<12544x104xf32>,
    %get3A_34 = arith.constant 0 : index
    %get3A_35 = arith.constant 0 : index
    %get3A_36 = vector.load %arg5[%get3A_34, %get3A_35] : memref<128x64xf32, #tpu.memory_space<vmem>>, vector<128x64xf32>
    %dot_general3A_37 = arith.constant dense<0.000000e+00> : vector<12544x64xf32>
    %dot_general3A_38 = tpu.matmul %max3A_22, %get3A_36, %dot_general3A_37 {dimension_numbers = #tpu.dot_dimension_numbers<[1], [0], [0], [1], [0, 0, 1, 1], [], []>, transpose_lhs_hint = false} : vector<12544x128xf32>, vector<128x64xf32>, vector<12544x64xf32> -> vector<12544x64xf32>
    %get3A_39 = arith.constant 0 : index
    %get3A_40 = arith.constant 0 : index
    %get3A_41 = vector.load %arg7[%get3A_39, %get3A_40] : memref<1x64xf32, #tpu.memory_space<vmem>>, vector<1x64xf32>
    %add3A_42 = vector.broadcast %get3A_41 : vector<1x64xf32> to vector<12544x64xf32>
    %add3A_43 = arith.addf %dot_general3A_38, %add3A_42 : vector<12544x64xf32>
    %swap3A_44 = arith.constant 0 : index
    %swap3A_45 = arith.constant 0 : index
    %swap3A_46 = vector.load %arg9[%swap3A_44, %swap3A_45] : memref<12544x64xf32, #tpu.memory_space<vmem>>, vector<12544x64xf32>
    tpu.vector_store %arg9[%swap3A_44, %swap3A_45], %add3A_43 {strides = array<i32>} : memref<12544x64xf32, #tpu.memory_space<vmem>>, vector<12544x64xf32>,
    return
  }
}

</mosaic_0001>

<sc_bundles>
// kernel: kernel.11.cloned.1.call-start
scs
__scs_entry_jumppad:
0x0: {  	(pc) =	sbr.rel $0x88, $3  }
0x1: {  	(tag) =	ssettag $0x0;
	lr =	simm.s32 $0x1  }
0x2: {  	[smem:$0x3F97] =	sst lr;
	_ =	strace $0xD0000000  }
0x3: {  	_ = 	snop  }
0x4: {  	_ = 	snop  }
0x5: {  	_ = 	snop  }
0x6: {  	_ = 	snop  }
0x7: {  	_ = 	snop  }
__scs_overlays_trampoline_lowered:
0x8: {  	[smem:$0x3FA6] =	sst s0  }
0x9: {  	[smem:$0x3FA7] =	sst s1  }
0xa: {  	[smem:$0x3FA8] =	sst s2  }
0xb: {  	[smem:$0x3FA9] =	sst s3  }
0xc: {  	[smem:$0x3FAA] =	sst s4  }
0xd: {  	[smem:$0x3FAB] =	sst s5  }
0xe: {  	[smem:$0x3FAC] =	sst s6  }
0xf: {  	[smem:$0x3FAD] =	sst s7  }
0x10: {  	[smem:$0x3FAE] =	sst s8  }
0x11: {  	[smem:$0x3FAF] =	sst s9;
	s0 =	simm.s32 @!p0 $0x0  }
0x12: {  	s1 =	sld [smem:$0x3F95];
	s0 =	simm.s32 @p0 $0x1  }
0x13: {  	[smem:$0x3FB0] =	sst s0;
	s0 =	simm.s32 @!p1 $0x0  }
0x14: {  	s2 =	sld [smem:$0x3F94];
	s0 =	simm.s32 @p1 $0x1  }
0x15: {  	[smem:$0x3FB1] =	sst s0;
	s0 =	simm.s32 @!p2 $0x0  }
0x16: {  	s3 =	sld [smem:$0x3FDB];
	s0 =	simm.s32 @p2 $0x1  }
0x17: {  	s4 =	simm.s32 $0x1BF5;
	[smem:$0x3FB3] =	sst s0  }
0x18: {  	s0 =	sld [smem:$0x3F96];
	_ =	swait.ge [sflag:s4], $0x0  }
0x19: {  	s7 =	sld [smem:$0x3F97]  }
0x1a: {  	s8 =	sadd.s32 $0xFFFFE003, lr  }
0x1b: {  	s9 =	sadd.s32 $0xFFFFFEF7, lr;
	s5 =	simm.s32 $0xFFFFFFFF;
	p2 =	slt.u32 s8, $0xFFFFF086  }
0x1c: {  	p1 =	slt.u32 s9, $0xF7A;
	s5 =	simm.s32 @!p2 $0x0  }
0x1d: {  	s5 =	simm.s32 @p1 $0x1;
	p0 =	seq.s32 s7, s2  }
0x1e: {  	s7 =	smul.u32 @!p0 $0xF7A, s2;
	p2 =	seq.s32 @!p0 s5, $0x0  }
0x1f: {  	s9 =	smul.u32 $0xF7A, s1;
	s8 =	simm.s32 @!p0 $0x1BF5;
	p2 =	por !p2, p0  }
0x20: {  	[sflag:s8] =	ssyncset.s32 @!p0 $0xFFFFF086;
	s6 =	sadd.s32 @!p0 s3, s7;
	s7 =	simm.s32 @!p0 $0x108  }
0x21: {  	s3 =	sadd.s32 s3, s9;
	s6 =	sadd.s32 @!p0 $0x88, s6;
	s7 =	simm.s32 @p2 $0x1082  }
0x22: {  	[simem:s7], [sflag:s8] =	dma.local @!p0 [hbm:s6], $0xF7A  }
0x23: {  	s9 =	sor.u32 $0xD0000000, s2;
	s6 =	simm.s32 $0x108;
	_ =	swait.ge @!p0 [sflag:s8], $0x0  }
0x24: {  	s3 =	sadd.s32 $0x88, s3;
	s6 =	simm.s32 @!p1 $0x1082;
	[sflag:s4] =	ssyncset.s32 $0xFFFFF086  }
0x25: {  	[simem:s6], [sflag:s4] =	dma.local [hbm:s3], $0xF7A  }
0x26: {  	[smem:$0x3F97] =	sst s1;
	(tag) =	ssettag s2;
	_ =	strace s9  }
0x27: {  	s1 =	sld [smem:$0x3FA7]  }
0x28: {  	s2 =	sld [smem:$0x3FA8]  }
0x29: {  	s4 =	sld [smem:$0x3FAA]  }
0x2a: {  	p0 =	seq.s32 s5, $0x0;
	s5 =	sld [smem:$0x3FAB]  }
0x2b: {  	s6 =	sld [smem:$0x3FAC]  }
0x2c: {  	s7 =	sld [smem:$0x3FAD]  }
0x2d: {  	s3 =	simm.s32 $0x108;
	s8 =	sld [smem:$0x3FAE]  }
0x2e: {  	s3 =	simm.s32 @!p0 $0x1082;
	s9 =	sld [smem:$0x3FAF]  }
0x2f: {  	lr =	sadd.s32 s0, s3;
	s0 =	sld [smem:$0x3FA6]  }
0x30: {  	s3 =	sld [smem:$0x3FA9]  }
0x31: {  	[smem:$0x3FB2] =	sst s10  }
0x32: {  	s10 =	sld [smem:$0x3FB0];
	_ =	sdelay $0x3  }
0x33: {  	p0 =	seq.s32 s10, $0x1;
	s10 =	sld [smem:$0x3FB2];
	_ =	sdelay $0x3  }
0x34: {  	[smem:$0x3FB2] =	sst s10  }
0x35: {  	s10 =	sld [smem:$0x3FB1];
	_ =	sdelay $0x3  }
0x36: {  	p1 =	seq.s32 s10, $0x1;
	s10 =	sld [smem:$0x3FB2];
	_ =	sdelay $0x3  }
0x37: {  	[smem:$0x3FB2] =	sst s10  }
0x38: {  	s10 =	sld [smem:$0x3FB3]  }
0x39: {  	_ = 	snop;
	(pc) =	sbr.ind lr, $3  }
0x3a: {  	_ = 	snop  }
0x3b: {  	_ = 	snop  }
0x3c: {  	p2 =	seq.s32 s10, $0x1;
	s10 =	sld [smem:$0x3FB2]  }
0x3d: {  	_ =	shalt  }
0x3e: {  	_ =	shalt  }
0x3f: {  	_ =	shalt  }
0x40: {  	_ =	shalt  }
0x41: {  	_ =	shalt  }
0x42: {  	_ =	shalt  }
0x43: {  	_ =	shalt  }
0x44: {  	_ =	shalt  }
0x45: {  	_ =	shalt  }
0x46: {  	_ =	shalt  }
0x47: {  	_ =	shalt  }
0x48: {  	_ =	shalt  }
0x49: {  	_ =	shalt  }
0x4a: {  	_ =	shalt  }
0x4b: {  	_ =	shalt  }
0x4c: {  	_ =	shalt  }
0x4d: {  	_ =	shalt  }
0x4e: {  	_ =	shalt  }
0x4f: {  	_ =	shalt  }
0x50: {  	_ =	shalt  }
0x51: {  	_ =	shalt  }
0x52: {  	_ =	shalt  }
0x53: {  	_ =	shalt  }
0x54: {  	_ =	shalt  }
0x55: {  	_ =	shalt  }
0x56: {  	_ =	shalt  }
0x57: {  	_ =	shalt  }
0x58: {  	_ =	shalt  }
0x59: {  	_ =	shalt  }
0x5a: {  	_ =	shalt  }
0x5b: {  	_ =	shalt  }
0x5c: {  	_ =	shalt  }
0x5d: {  	_ =	shalt  }
0x5e: {  	_ =	shalt  }
0x5f: {  	_ =	shalt  }
0x60: {  	_ =	shalt  }
0x61: {  	_ =	shalt  }
0x62: {  	_ =	shalt  }
0x63: {  	_ =	shalt  }
0x64: {  	_ =	shalt  }
0x65: {  	_ =	shalt  }
0x66: {  	_ =	shalt  }
0x67: {  	_ =	shalt  }
0x68: {  	_ =	shalt  }
0x69: {  	_ =	shalt  }
0x6a: {  	_ =	shalt  }
0x6b: {  	_ =	shalt  }
0x6c: {  	_ =	shalt  }
0x6d: {  	_ =	shalt  }
0x6e: {  	_ =	shalt  }
0x6f: {  	_ =	shalt  }
0x70: {  	_ =	shalt  }
0x71: {  	_ =	shalt  }
0x72: {  	_ =	shalt  }
0x73: {  	_ =	shalt  }
0x74: {  	_ =	shalt  }
0x75: {  	_ =	shalt  }
0x76: {  	_ =	shalt  }
0x77: {  	_ =	shalt  }
0x78: {  	_ =	shalt  }
0x79: {  	_ =	shalt  }
0x7a: {  	_ =	shalt  }
0x7b: {  	_ =	shalt  }
0x7c: {  	_ =	shalt  }
0x7d: {  	_ =	shalt  }
0x7e: {  	_ =	shalt  }
0x7f: {  	_ =	shalt  }
0x80: {  	_ =	shalt  }
0x81: {  	_ =	shalt  }
0x82: {  	_ =	shalt  }
0x83: {  	_ =	shalt  }
0x84: {  	_ =	shalt  }
0x85: {  	_ =	shalt  }
0x86: {  	_ =	shalt  }
0x87: {  	_ =	shalt  }
.Lfunc_end0:
.L_simem_size_0:
called_computation.1_lowered:
.L_overlay_start_0:
0x88: {  	s2 =	sld [smem:$0x3FD9]  }
0x89: {  	s3 =	sld [smem:$0x3FFE];
	_ =	sdelay $0x1  }
0x8a: {  	s1 =	srdreg.scid  }
0x8b: {  	s0 =	sand.u32 $0x1, s1  }
0x8c: {  	s16 =	sshll.u32 s0, $0xA;
	s2 =	sadd.s32 s3, s2  }
0x8d: {  	s2 =	sadd.s32 s2, s16  }
0x8e: {  	[smem:$0x3FBE] =	sst s2  }
0x8f: {  	_ = 	snop  }
0x90: {  	(tm) =	ssettm $0x1  }
0x91: {  	s17 =	sld [smem:$0x3FFB];
	_ =	sdelay $0x3  }
0x92: {  	_ =	strace s17  }
0x93: {  	s2 =	sld [smem:$0x3FFC];
	_ =	sdelay $0x3  }
0x94: {  	_ =	strace s2  }
0x95: {  	s2 =	sld [smem:$0x3FFD];
	_ =	sdelay $0x3  }
0x96: {  	_ =	strace s2  }
0x97: {  	_ =	strace $0x8FFFFFFF  }
0x98: {  	s18 =	sld [smem:$0x3FDB];
	_ =	sdelay $0x1  }
0x99: {  	s19 =	simm.s32 $_scs_section_size  }
0x9a: {  	s4 =	simm.s32 $_size__tile_overlayer_lowered;
	s5 =	simm.s32 $_tile_overlayer_lowered  }
0x9b: {  	s22 =	simm.s32 $0x1BFF;
	s21 =	sshll.u32 s5, $0x1;
	s2 =	sadd.s32 s19, s18  }
0x9c: {  	s6 =	simm.s32 $0x0;
	s20 =	sshll.u32 s4, $0x1;
	s4 =	sadd.s32 s21, s2  }
0x9d: {  	[timem:s6], [sflag:s22] =	dma.local [hbm:s4], s20  }
0x9e: {  	_ =	swait.ge [sflag:s22], s20  }
0x9f: {  	s3 =	ssub.s32 $0x0, s20;
	[sflag:s22] =	ssyncset.done $0x0  }
0xa0: {  	[sflag:s22] =	ssyncadd.s32 s3;
	_ =	sdelay $0x1  }
0xa1: {  	s23 =	simm.s32 $0x1B8B  }
0xa2: {  	_ =	swait.ge [sflag:s23], $0x1  }
0xa3: {  	[sflag:s23] =	ssyncset.done $0x0  }
0xa4: {  	s25 =	simm.s32 $0x1B8E;
	s24 =	sld [smem:$0x3FFE];
	[sflag:s23] =	ssyncadd.s32 $0xFFFFFFFF  }
0xa5: {  	s26 =	simm.s32 $execute0_lowered;
	[smem:$0x3FD2] =	sst s25  }
0xa6: {  	s4 =	sshll.u32 s26, $0x1;
	_ =	strace $0x80000049;
	[dreg:$0x1] =	wrdreg $0xFFFFFFFF  }
0xa7: {  	s28 =	simm.s32 $_size_execute0_lowered;
	s2 =	sadd.s32 s2, s4;
	[dreg:$0x0] =	wrdreg $0x0  }
0xa8: {  	s4 =	sshll.u32 s28, $0x1;
	[dreg:$0x2] =	wrdreg s2  }
0xa9: {  	[dreg:$0x3] =	wrdreg s4  }
0xaa: {  	[dreg:$0x4] =	wrdreg $0xC0  }
0xab: {  	_ =	task [dreg:s6], $0x5FFFF  }
0xac: {  	[dreg:$0x1] =	wrdreg $0xFFFFFFFF  }
0xad: {  	[dreg:$0x0] =	wrdreg $0x60  }
0xae: {  	[dreg:$0x2] =	wrdreg s24  }
0xaf: {  	[dreg:$0x3] =	wrdreg $0x0  }
0xb0: {  	[dreg:$0x4] =	wrdreg $0x9  }
0xb1: {  	_ =	task.clear_ibuf [dreg:s6], $0x5FFFF;
	_ =	strace $0x90000049  }
0xb2: {  	s29 =	simm.s32 $0x9;
	_ =	strace $0x8000004B  }
0xb3: {  	_ =	swait.ge [sflag:s29], $0x1  }
0xb4: {  	[sflag:s29] =	ssyncadd.s32 $0xFFFFFFFF  }
0xb5: {  	_ =	strace $0x9000004B  }
0xb6: {  	_ =	sfence  }
0xb7: {  	s30 =	sld [smem:$0x0];
	_ =	sdelay $0x2  }
0xb8: {  	s31 =	sshll.u32 s1, $0xD;
	s1 =	sshrl.u32 s1, $0x2  }
0xb9: {  	s3 =	sand.u32 $0x4000, s31;
	s1 =	sadd.s32 s1, s30  }
0xba: {  	s0 =	sor.u32 s3, s0;
	s1 =	sshll.u32 s1, $0x11  }
0xbb: {  	s0 =	sor.u32 s1, s0  }
0xbc: {  	s0 =	sadd.s32 $0x8F2B, s0  }
0xbd: {  	[sflag:s0] =	ssyncadd.remote.s32 $0x1  }
0xbe: {  	_ =	sfence.sel $0xFFFF  }
0xbf: {  	[dreg:$0x0] =	wrdreg $0xFFFFFFFF;
	(pc) =	sbr.abs _section_cstart, $3  }
0xc0: {  	[dreg:$0x1] =	wrdreg $0xFFFFFFFF  }
0xc1: {  	_ =	task.clear_ibuf [dreg:s6], $0x2FFFF;
	_ =	strace $0x9FFFFFFF  }
0xc2: {  	(tm) =	ssettm $0x7FFFFFFF  }
0xc3: {  	_ =	shalt  }
tec
execute0_lowered:
.L_overlay_start_1:
0x0: {  	(tag) =	ssettag $0x1  }
0x1: {  	s0 =	srdreg.scid;
	s1 =	rddreg [dreg:$0x0]  }
0x2: {  	s10 =	stileid.u32;
	s2 =	rddreg [dreg:$0x1];
	s3 =	simm.s32 $0x0  }
0x3: {  	s11 =	simm.s32 $0x18800;
	s12 =	simm.s32 $0x18C00;
	s24 =	simm.s32 $0x18880  }
0x4: {  	s13 =	simm.s32 $0x80;
	s25 =	simm.s32 $0x18900;
	s14 =	simm.s32 $0x19000  }
0x5: {  	s26 =	simm.s32 $0x18980;
	s15 =	simm.s32 $0x19800;
	s16 =	simm.s32 $0x1A000  }
0x6: {  	s28 =	simm.s32 $0x18C80;
	s29 =	simm.s32 $0x18D00;
	s5 =	smul.u32 $0x19000, s10  }
0x7: {  	s30 =	simm.s32 $0x18D80;
	s31 =	simm.s32 $0x18E00;
	s6 =	smul.u32 $0x18800, s10  }
0x8: {  	s0 =	sand.u32 $0x1, s0;
	[smem:$0x7FF] =	sst s3;
	s17 =	smul.u32 $0x3100, s10  }
0x9: {  	s21 =	sshll.u32 s10, $0x6;
	_ =	strace $0x8000004A;
	[dreg:$0x5] =	wrdreg s24  }
0xa: {  	s10 =	simm.s32 $0x2;
	s4 =	smul.u32 $0x190000, s0;
	[dreg:$0x6] =	wrdreg s25  }
0xb: {  	s7 =	smul.u32 $0x31000, s0;
	s0 =	ssub.s32 $0x2, s0;
	[dreg:$0x7] =	wrdreg s26  }
0xc: {  	s24 =	simm.s32 $0x18B80;
	s25 =	simm.s32 $0x1C800;
	s26 =	simm.s32 $0x1  }
0xd: {  	s9 =	sshrl.u32 s6, $0x3;
	s18 =	sshrl.u32 s0, $0x1;
	s19 =	sadd.s32 s6, s2  }
0xe: {  	s4 =	sadd.s32 s5, s4;
	s5 =	sadd.s32 s17, s7;
	s9 =	sadd.s32 s9, s1  }
0xf: {  	s0 =	ssub.s32 s0, s18;
	s7 =	sor.u32 $0x1C02, s21;
	s17 =	simm.s32 $0x1A800  }
0x10: {  	s18 =	simm.s32 $0x18A00;
	s21 =	simm.s32 $0x1B800;
	s4 =	sshrl.u32 s4, $0x3  }
0x11: {  	s20 =	sadd.s32 $0x12D400, s9;
	s0 =	smax.u32 s0, $0x1;
	[dreg:$0x9] =	wrdreg s7  }
0x12: {  	s9 =	simm.s32 $0x0;
	s8 =	sadd.s32 s4, s1;
	[dreg:$0x8] =	wrdreg s20  }
0x13: {  	s4 =	sadd.s32 $0xCB400, s1;
	s1 =	sadd.s32 s5, s1;
	[dreg:$0xb] =	wrdreg s0  }
0x14: {  	s20 =	simm.s32 $0x18A80;
	s0 =	simm.s32 $0x18F00;
	s1 =	sadd.s32 $0x15E400, s1  }
0x15: {  	s5 =	simm.s32 $0x18F80;
	s22 =	sadd.s32 $0x3200, s8;
	[dreg:$0xa] =	wrdreg s1  }
0x16: {  	s23 =	sadd.s32 $0x67400, s8;
	s8 =	sshrl.u32 s19, $0x3;
	[dreg:$0x3] =	wrdreg s22  }
0x17: {  	s19 =	simm.s32 $0x1B000;
	[dreg:$0x4] =	wrdreg s23;
	s22 =	simm.s32 $0x18B00  }
0x18: {  	s23 =	simm.s32 $0x1C000;
	s1 =	simm.s32 $0x18E80;
	[dreg:$0xc] =	wrdreg s8  }
.LBB2_1:
0x19: {  	[dreg:$0xd] =	wrdreg s9  }
0x1a: {  	s6 =	rddreg [dreg:$0x8]  }
0x1b: {  	[spmem:s8], [sflag:s7] =	dma.local [hbm:s6], $0x3100  }
0x1c: {  	_ =	swait.ge [sflag:s10], $0x3100  }
0x1d: {  	[sflag:s10] =	ssyncset.done $0x0  }
0x1e: {  	[sflag:s10] =	ssyncadd.s32 $0xFFFFCF00  }
0x1f: {  	[bflag:$0x0] =	sbarrier.arrive $0xFFFF  }
0x20: {  	s7 =	rddreg [dreg:$0x4]  }
0x21: {  	s6 =	sadd.s32 $0x0, s7  }
0x22: {  	[tilespmem:s11], [sflag:$0x2] =	stream.linear.gather [hbm4b:s6+s3], $0x400, $0x38;
	[tilespmem:$0x1D000] =	vst v63  }
0x23: {  	_ =	swait.ge [sflag:s10], $0x400  }
0x24: {  	s8 =	rddreg [dreg:$0x3];
	[sflag:s10] =	ssyncset.done $0x0  }
0x25: {  	[sflag:s10] =	ssyncadd.s32 $0xFFFFFC00;
	s6 =	sadd.s32 $0x0, s8  }
0x26: {  	[tilespmem:s12], [sflag:$0x2] =	stream.linear.gather [hbm4b:s6+s3], $0x400, $0x38;
	[tilespmem:$0x1D000] =	vst v63  }
0x27: {  	_ =	swait.ge [sflag:s10], $0x400  }
0x28: {  	[sflag:s10] =	ssyncset.done $0x0  }
0x29: {  	[sflag:s10] =	ssyncadd.s32 $0xFFFFFC00  }
0x2a: {  	[tilespmem:s14], [sflag:$0x1] =	stream.indirect.gather [hbm4b:s4+s13], $0x10, s11, s13, $0xb8;
	[tilespmem:$0x1D000] =	vst v63  }
0x2b: {  	s9 =	rddreg [dreg:$0x5]  }
0x2c: {  	[tilespmem:s15], [sflag:$0x1] =	stream.indirect.gather [hbm4b:s4+s13], $0x10, s9, s13, $0xb8;
	[tilespmem:$0x1D000] =	vst v63  }
0x2d: {  	s7 =	rddreg [dreg:$0x6]  }
0x2e: {  	[tilespmem:s16], [sflag:$0x1] =	stream.indirect.gather [hbm4b:s4+s13], $0x10, s7, s13, $0xb8;
	[tilespmem:$0x1D000] =	vst v63  }
0x2f: {  	s9 =	rddreg [dreg:$0x7]  }
0x30: {  	[tilespmem:s17], [sflag:$0x1] =	stream.indirect.gather [hbm4b:s4+s13], $0x10, s9, s13, $0xb8;
	[tilespmem:$0x1D000] =	vst v63  }
0x31: {  	_ = 	snop  }
0x32: {  	[tilespmem:s19], [sflag:$0x1] =	stream.indirect.gather [hbm4b:s4+s13], $0x10, s18, s13, $0xb8;
	[tilespmem:$0x1D000] =	vst v63  }
0x33: {  	_ = 	snop  }
0x34: {  	[tilespmem:s21], [sflag:$0x1] =	stream.indirect.gather [hbm4b:s4+s13], $0x10, s20, s13, $0xb8;
	[tilespmem:$0x1D000] =	vst v63  }
0x35: {  	_ = 	snop  }
0x36: {  	[tilespmem:s23], [sflag:$0x1] =	stream.indirect.gather [hbm4b:s4+s13], $0x10, s22, s13, $0xb8;
	[tilespmem:$0x1D000] =	vst v63  }
0x37: {  	_ = 	snop  }
0x38: {  	[tilespmem:s25], [sflag:$0x1] =	stream.indirect.gather [hbm4b:s4+s13], $0x10, s24, s13, $0xb8;
	[tilespmem:$0x1D000] =	vst v63  }
0x39: {  	_ =	swait.ge [sflag:s26], $0x800  }
0x3a: {  	[sflag:s26] =	ssyncset.done $0x0  }
0x3b: {  	[sflag:s26] =	ssyncadd.s32 $0xFFFFF800  }
0x3c: {  	_ =	swait.ge [sflag:s26], $0x800  }
0x3d: {  	[sflag:s26] =	ssyncset.done $0x0  }
0x3e: {  	[sflag:s26] =	ssyncadd.s32 $0xFFFFF800  }
0x3f: {  	_ =	swait.ge [sflag:s26], $0x800  }
0x40: {  	[sflag:s26] =	ssyncset.done $0x0  }
0x41: {  	[sflag:s26] =	ssyncadd.s32 $0xFFFFF800  }
0x42: {  	_ =	swait.ge [sflag:s26], $0x800  }
0x43: {  	[sflag:s26] =	ssyncset.done $0x0  }
0x44: {  	[sflag:s26] =	ssyncadd.s32 $0xFFFFF800  }
0x45: {  	_ =	swait.ge [sflag:s26], $0x800  }
0x46: {  	[sflag:s26] =	ssyncset.done $0x0  }
0x47: {  	[sflag:s26] =	ssyncadd.s32 $0xFFFFF800  }
0x48: {  	_ =	swait.ge [sflag:s26], $0x800  }
0x49: {  	[sflag:s26] =	ssyncset.done $0x0  }
0x4a: {  	[sflag:s26] =	ssyncadd.s32 $0xFFFFF800  }
0x4b: {  	_ =	swait.ge [sflag:s26], $0x800  }
0x4c: {  	[sflag:s26] =	ssyncset.done $0x0  }
0x4d: {  	[sflag:s26] =	ssyncadd.s32 $0xFFFFF800  }
0x4e: {  	_ =	swait.ge [sflag:s26], $0x800  }
0x4f: {  	[sflag:s26] =	ssyncset.done $0x0  }
0x50: {  	[sflag:s26] =	ssyncadd.s32 $0xFFFFF800  }
0x51: {  	[spmem:s2] =	stream.indirect.scatter.add.f32 [tilespmem:s14], [sflag:$0x2], $0x10, s12, s13, $0xb8;
	[tilespmem:$0x1D000] =	vst v63  }
0x52: {  	_ =	swait.ge [sflag:s10], $0x800  }
0x53: {  	[sflag:s10] =	ssyncset.done $0x0  }
0x54: {  	[sflag:s10] =	ssyncadd.s32 $0xFFFFF800  }
0x55: {  	[spmem:s2] =	stream.indirect.scatter.add.f32 [tilespmem:s15], [sflag:$0x2], $0x10, s28, s13, $0xb8;
	[tilespmem:$0x1D000] =	vst v63  }
0x56: {  	_ =	swait.ge [sflag:s10], $0x800  }
0x57: {  	[sflag:s10] =	ssyncset.done $0x0  }
0x58: {  	[sflag:s10] =	ssyncadd.s32 $0xFFFFF800  }
0x59: {  	[spmem:s2] =	stream.indirect.scatter.add.f32 [tilespmem:s16], [sflag:$0x2], $0x10, s29, s13, $0xb8;
	[tilespmem:$0x1D000] =	vst v63  }
0x5a: {  	_ =	swait.ge [sflag:s10], $0x800  }
0x5b: {  	[sflag:s10] =	ssyncset.done $0x0  }
0x5c: {  	[sflag:s10] =	ssyncadd.s32 $0xFFFFF800  }
0x5d: {  	[spmem:s2] =	stream.indirect.scatter.add.f32 [tilespmem:s17], [sflag:$0x2], $0x10, s30, s13, $0xb8;
	[tilespmem:$0x1D000] =	vst v63  }
0x5e: {  	_ =	swait.ge [sflag:s10], $0x800  }
0x5f: {  	[sflag:s10] =	ssyncset.done $0x0  }
0x60: {  	[sflag:s10] =	ssyncadd.s32 $0xFFFFF800  }
0x61: {  	[spmem:s2] =	stream.indirect.scatter.add.f32 [tilespmem:s19], [sflag:$0x2], $0x10, s31, s13, $0xb8;
	[tilespmem:$0x1D000] =	vst v63  }
0x62: {  	_ =	swait.ge [sflag:s10], $0x800  }
0x63: {  	[sflag:s10] =	ssyncset.done $0x0  }
0x64: {  	[sflag:s10] =	ssyncadd.s32 $0xFFFFF800  }
0x65: {  	[spmem:s2] =	stream.indirect.scatter.add.f32 [tilespmem:s21], [sflag:$0x2], $0x10, s1, s13, $0xb8;
	[tilespmem:$0x1D000] =	vst v63  }
0x66: {  	_ =	swait.ge [sflag:s10], $0x800  }
0x67: {  	[sflag:s10] =	ssyncset.done $0x0  }
0x68: {  	[sflag:s10] =	ssyncadd.s32 $0xFFFFF800  }
0x69: {  	[spmem:s2] =	stream.indirect.scatter.add.f32 [tilespmem:s23], [sflag:$0x2], $0x10, s0, s13, $0xb8;
	[tilespmem:$0x1D000] =	vst v63  }
0x6a: {  	_ =	swait.ge [sflag:s10], $0x800  }
0x6b: {  	[sflag:s10] =	ssyncset.done $0x0  }
0x6c: {  	[sflag:s10] =	ssyncadd.s32 $0xFFFFF800  }
0x6d: {  	[spmem:s2] =	stream.indirect.scatter.add.f32 [tilespmem:s25], [sflag:$0x2], $0x10, s5, s13, $0xb8;
	[tilespmem:$0x1D000] =	vst v63  }
0x6e: {  	s8 =	simm.s32 $0x80;
	_ =	swait.ge [sflag:s10], $0x800  }
0x6f: {  	s6 =	simm.s32 $0x100;
	s9 =	rddreg [dreg:$0x4];
	[sflag:s10] =	ssyncset.done $0x0  }
.LBB2_2:
0x70: {  	[sflag:s10] =	ssyncadd.s32 $0xFFFFF800;
	s9 =	sadd.s32 s8, s9  }
0x71: {  	[tilespmem:s11], [sflag:$0x2] =	stream.linear.gather [hbm4b:s9+s3], $0x400, $0x38;
	[tilespmem:$0x1D000] =	vst v63  }
0x72: {  	_ =	swait.ge [sflag:s10], $0x400  }
0x73: {  	s9 =	rddreg [dreg:$0x3];
	[sflag:s10] =	ssyncset.done $0x0  }
0x74: {  	[sflag:s10] =	ssyncadd.s32 $0xFFFFFC00;
	s9 =	sadd.s32 s8, s9  }
0x75: {  	[tilespmem:s12], [sflag:$0x2] =	stream.linear.gather [hbm4b:s9+s3], $0x400, $0x38;
	[tilespmem:$0x1D000] =	vst v63  }
0x76: {  	_ =	swait.ge [sflag:s10], $0x400  }
0x77: {  	[sflag:s10] =	ssyncset.done $0x0  }
0x78: {  	s7 =	smov.u32 s6;
	[sflag:s10] =	ssyncadd.s32 $0xFFFFFC00  }
0x79: {  	[tilespmem:s14], [sflag:$0x1] =	stream.indirect.gather [hbm4b:s4+s13], $0x10, s11, s13, $0xb8;
	[tilespmem:$0x1D000] =	vst v63  }
0x7a: {  	s8 =	smov.u32 s7;
	s7 =	rddreg [dreg:$0x5]  }
0x7b: {  	[tilespmem:s15], [sflag:$0x1] =	stream.indirect.gather [hbm4b:s4+s13], $0x10, s7, s13, $0xb8;
	[tilespmem:$0x1D000] =	vst v63  }
0x7c: {  	s9 =	rddreg [dreg:$0x6]  }
0x7d: {  	[tilespmem:s16], [sflag:$0x1] =	stream.indirect.gather [hbm4b:s4+s13], $0x10, s9, s13, $0xb8;
	[tilespmem:$0x1D000] =	vst v63  }
0x7e: {  	s7 =	rddreg [dreg:$0x7]  }
0x7f: {  	[tilespmem:s17], [sflag:$0x1] =	stream.indirect.gather [hbm4b:s4+s13], $0x10, s7, s13, $0xb8;
	[tilespmem:$0x1D000] =	vst v63  }
0x80: {  	_ = 	snop  }
0x81: {  	[tilespmem:s19], [sflag:$0x1] =	stream.indirect.gather [hbm4b:s4+s13], $0x10, s18, s13, $0xb8;
	[tilespmem:$0x1D000] =	vst v63  }
0x82: {  	_ = 	snop  }
0x83: {  	[tilespmem:s21], [sflag:$0x1] =	stream.indirect.gather [hbm4b:s4+s13], $0x10, s20, s13, $0xb8;
	[tilespmem:$0x1D000] =	vst v63  }
0x84: {  	_ = 	snop  }
0x85: {  	[tilespmem:s23], [sflag:$0x1] =	stream.indirect.gather [hbm4b:s4+s13], $0x10, s22, s13, $0xb8;
	[tilespmem:$0x1D000] =	vst v63  }
0x86: {  	_ = 	snop  }
0x87: {  	[tilespmem:s25], [sflag:$0x1] =	stream.indirect.gather [hbm4b:s4+s13], $0x10, s24, s13, $0xb8;
	[tilespmem:$0x1D000] =	vst v63  }
0x88: {  	_ =	swait.ge [sflag:s26], $0x800  }
0x89: {  	[sflag:s26] =	ssyncset.done $0x0  }
0x8a: {  	[sflag:s26] =	ssyncadd.s32 $0xFFFFF800  }
0x8b: {  	_ =	swait.ge [sflag:s26], $0x800  }
0x8c: {  	[sflag:s26] =	ssyncset.done $0x0  }
0x8d: {  	[sflag:s26] =	ssyncadd.s32 $0xFFFFF800  }
0x8e: {  	_ =	swait.ge [sflag:s26], $0x800  }
0x8f: {  	[sflag:s26] =	ssyncset.done $0x0  }
0x90: {  	[sflag:s26] =	ssyncadd.s32 $0xFFFFF800  }
0x91: {  	_ =	swait.ge [sflag:s26], $0x800  }
0x92: {  	[sflag:s26] =	ssyncset.done $0x0  }
0x93: {  	[sflag:s26] =	ssyncadd.s32 $0xFFFFF800  }
0x94: {  	_ =	swait.ge [sflag:s26], $0x800  }
0x95: {  	[sflag:s26] =	ssyncset.done $0x0  }
0x96: {  	[sflag:s26] =	ssyncadd.s32 $0xFFFFF800  }
0x97: {  	_ =	swait.ge [sflag:s26], $0x800  }
0x98: {  	[sflag:s26] =	ssyncset.done $0x0  }
0x99: {  	[sflag:s26] =	ssyncadd.s32 $0xFFFFF800  }
0x9a: {  	_ =	swait.ge [sflag:s26], $0x800  }
0x9b: {  	[sflag:s26] =	ssyncset.done $0x0  }
0x9c: {  	[sflag:s26] =	ssyncadd.s32 $0xFFFFF800  }
0x9d: {  	_ =	swait.ge [sflag:s26], $0x800  }
0x9e: {  	[sflag:s26] =	ssyncset.done $0x0  }
0x9f: {  	[sflag:s26] =	ssyncadd.s32 $0xFFFFF800  }
0xa0: {  	[spmem:s2] =	stream.indirect.scatter.add.f32 [tilespmem:s14], [sflag:$0x2], $0x10, s12, s13, $0xb8;
	[tilespmem:$0x1D000] =	vst v63  }
0xa1: {  	_ =	swait.ge [sflag:s10], $0x800  }
0xa2: {  	[sflag:s10] =	ssyncset.done $0x0  }
0xa3: {  	[sflag:s10] =	ssyncadd.s32 $0xFFFFF800  }
0xa4: {  	[spmem:s2] =	stream.indirect.scatter.add.f32 [tilespmem:s15], [sflag:$0x2], $0x10, s28, s13, $0xb8;
	[tilespmem:$0x1D000] =	vst v63  }
0xa5: {  	_ =	swait.ge [sflag:s10], $0x800  }
0xa6: {  	[sflag:s10] =	ssyncset.done $0x0  }
0xa7: {  	[sflag:s10] =	ssyncadd.s32 $0xFFFFF800  }
0xa8: {  	[spmem:s2] =	stream.indirect.scatter.add.f32 [tilespmem:s16], [sflag:$0x2], $0x10, s29, s13, $0xb8;
	[tilespmem:$0x1D000] =	vst v63  }
0xa9: {  	_ =	swait.ge [sflag:s10], $0x800  }
0xaa: {  	[sflag:s10] =	ssyncset.done $0x0  }
0xab: {  	[sflag:s10] =	ssyncadd.s32 $0xFFFFF800  }
0xac: {  	[spmem:s2] =	stream.indirect.scatter.add.f32 [tilespmem:s17], [sflag:$0x2], $0x10, s30, s13, $0xb8;
	[tilespmem:$0x1D000] =	vst v63  }
0xad: {  	_ =	swait.ge [sflag:s10], $0x800  }
0xae: {  	[sflag:s10] =	ssyncset.done $0x0  }
0xaf: {  	[sflag:s10] =	ssyncadd.s32 $0xFFFFF800  }
0xb0: {  	[spmem:s2] =	stream.indirect.scatter.add.f32 [tilespmem:s19], [sflag:$0x2], $0x10, s31, s13, $0xb8;
	[tilespmem:$0x1D000] =	vst v63  }
0xb1: {  	_ =	swait.ge [sflag:s10], $0x800  }
0xb2: {  	[sflag:s10] =	ssyncset.done $0x0  }
0xb3: {  	[sflag:s10] =	ssyncadd.s32 $0xFFFFF800  }
0xb4: {  	[spmem:s2] =	stream.indirect.scatter.add.f32 [tilespmem:s21], [sflag:$0x2], $0x10, s1, s13, $0xb8;
	[tilespmem:$0x1D000] =	vst v63  }
0xb5: {  	_ =	swait.ge [sflag:s10], $0x800  }
0xb6: {  	[sflag:s10] =	ssyncset.done $0x0  }
0xb7: {  	[sflag:s10] =	ssyncadd.s32 $0xFFFFF800  }
0xb8: {  	[spmem:s2] =	stream.indirect.scatter.add.f32 [tilespmem:s23], [sflag:$0x2], $0x10, s0, s13, $0xb8;
	[tilespmem:$0x1D000] =	vst v63  }
0xb9: {  	p0 =	sne.s32 s6, $0x3180;
	_ =	swait.ge [sflag:s10], $0x800  }
.Ltmp0:
0xba: {  	[sflag:s10] =	ssyncset.done $0x0;
	(pc) =	sbr.rel @p0 .LBB2_2-.Ltmp0, $4  }
0xbb: {  	[sflag:s10] =	ssyncadd.s32 $0xFFFFF800  }
0xbc: {  	[spmem:s2] =	stream.indirect.scatter.add.f32 [tilespmem:s25], [sflag:$0x2], $0x10, s5, s13, $0xb8;
	[tilespmem:$0x1D000] =	vst v63  }
0xbd: {  	_ =	swait.ge [sflag:s10], $0x800  }
0xbe: {  	s6 =	sadd.s32 $0x80, s6;
	s9 =	rddreg [dreg:$0x4];
	[sflag:s10] =	ssyncset.done $0x0  }
0xbf: {  	[sflag:s10] =	ssyncadd.s32 $0xFFFFF800;
	s6 =	sadd.s32 s8, s9  }
0xc0: {  	[tilespmem:s11], [sflag:$0x2] =	stream.linear.gather [hbm4b:s6+s3], $0x400, $0x38;
	[tilespmem:$0x1D000] =	vst v63  }
0xc1: {  	_ =	swait.ge [sflag:s10], $0x400  }
0xc2: {  	s7 =	rddreg [dreg:$0x3];
	[sflag:s10] =	ssyncset.done $0x0  }
0xc3: {  	[sflag:s10] =	ssyncadd.s32 $0xFFFFFC00;
	s6 =	sadd.s32 s8, s7  }
0xc4: {  	[tilespmem:s12], [sflag:$0x2] =	stream.linear.gather [hbm4b:s6+s3], $0x400, $0x38;
	[tilespmem:$0x1D000] =	vst v63  }
0xc5: {  	_ =	swait.ge [sflag:s10], $0x400  }
0xc6: {  	[sflag:s10] =	ssyncset.done $0x0  }
0xc7: {  	[sflag:s10] =	ssyncadd.s32 $0xFFFFFC00  }
0xc8: {  	[tilespmem:s14], [sflag:$0x1] =	stream.indirect.gather [hbm4b:s4+s13], $0x10, s11, s13, $0xb8;
	[tilespmem:$0x1D000] =	vst v63  }
0xc9: {  	s9 =	rddreg [dreg:$0x5]  }
0xca: {  	[tilespmem:s15], [sflag:$0x1] =	stream.indirect.gather [hbm4b:s4+s13], $0x10, s9, s13, $0xb8;
	[tilespmem:$0x1D000] =	vst v63  }
0xcb: {  	s7 =	rddreg [dreg:$0x6]  }
0xcc: {  	[tilespmem:s16], [sflag:$0x1] =	stream.indirect.gather [hbm4b:s4+s13], $0x10, s7, s13, $0xb8;
	[tilespmem:$0x1D000] =	vst v63  }
0xcd: {  	s8 =	rddreg [dreg:$0x7]  }
0xce: {  	[tilespmem:s17], [sflag:$0x1] =	stream.indirect.gather [hbm4b:s4+s13], $0x10, s8, s13, $0xb8;
	[tilespmem:$0x1D000] =	vst v63  }
0xcf: {  	_ = 	snop  }
0xd0: {  	[tilespmem:s19], [sflag:$0x1] =	stream.indirect.gather [hbm4b:s4+s13], $0x10, s18, s13, $0xb8;
	[tilespmem:$0x1D000] =	vst v63  }
0xd1: {  	_ = 	snop  }
0xd2: {  	[tilespmem:s21], [sflag:$0x1] =	stream.indirect.gather [hbm4b:s4+s13], $0x10, s20, s13, $0xb8;
	[tilespmem:$0x1D000] =	vst v63  }
0xd3: {  	_ = 	snop  }
0xd4: {  	[tilespmem:s23], [sflag:$0x1] =	stream.indirect.gather [hbm4b:s4+s13], $0x10, s22, s13, $0xb8;
	[tilespmem:$0x1D000] =	vst v63  }
0xd5: {  	_ = 	snop  }
0xd6: {  	[tilespmem:s25], [sflag:$0x1] =	stream.indirect.gather [hbm4b:s4+s13], $0x10, s24, s13, $0xb8;
	[tilespmem:$0x1D000] =	vst v63  }
0xd7: {  	_ =	swait.ge [sflag:s26], $0x800  }
0xd8: {  	[sflag:s26] =	ssyncset.done $0x0  }
0xd9: {  	[sflag:s26] =	ssyncadd.s32 $0xFFFFF800  }
0xda: {  	_ =	swait.ge [sflag:s26], $0x800  }
0xdb: {  	[sflag:s26] =	ssyncset.done $0x0  }
0xdc: {  	[sflag:s26] =	ssyncadd.s32 $0xFFFFF800  }
0xdd: {  	_ =	swait.ge [sflag:s26], $0x800  }
0xde: {  	[sflag:s26] =	ssyncset.done $0x0  }
0xdf: {  	[sflag:s26] =	ssyncadd.s32 $0xFFFFF800  }
0xe0: {  	_ =	swait.ge [sflag:s26], $0x800  }
0xe1: {  	[sflag:s26] =	ssyncset.done $0x0  }
0xe2: {  	[sflag:s26] =	ssyncadd.s32 $0xFFFFF800  }
0xe3: {  	_ =	swait.ge [sflag:s26], $0x800  }
0xe4: {  	[sflag:s26] =	ssyncset.done $0x0  }
0xe5: {  	[sflag:s26] =	ssyncadd.s32 $0xFFFFF800  }
0xe6: {  	_ =	swait.ge [sflag:s26], $0x800  }
0xe7: {  	[sflag:s26] =	ssyncset.done $0x0  }
0xe8: {  	[sflag:s26] =	ssyncadd.s32 $0xFFFFF800  }
0xe9: {  	_ =	swait.ge [sflag:s26], $0x800  }
0xea: {  	[sflag:s26] =	ssyncset.done $0x0  }
0xeb: {  	[sflag:s26] =	ssyncadd.s32 $0xFFFFF800  }
0xec: {  	_ =	swait.ge [sflag:s26], $0x800  }
0xed: {  	[sflag:s26] =	ssyncset.done $0x0  }
0xee: {  	[sflag:s26] =	ssyncadd.s32 $0xFFFFF800  }
0xef: {  	[spmem:s2] =	stream.indirect.scatter.add.f32 [tilespmem:s14], [sflag:$0x2], $0x10, s12, s13, $0xb8;
	[tilespmem:$0x1D000] =	vst v63  }
0xf0: {  	_ =	swait.ge [sflag:s10], $0x800  }
0xf1: {  	[sflag:s10] =	ssyncset.done $0x0  }
0xf2: {  	[sflag:s10] =	ssyncadd.s32 $0xFFFFF800  }
0xf3: {  	[spmem:s2] =	stream.indirect.scatter.add.f32 [tilespmem:s15], [sflag:$0x2], $0x10, s28, s13, $0xb8;
	[tilespmem:$0x1D000] =	vst v63  }
0xf4: {  	_ =	swait.ge [sflag:s10], $0x800  }
0xf5: {  	[sflag:s10] =	ssyncset.done $0x0  }
0xf6: {  	[sflag:s10] =	ssyncadd.s32 $0xFFFFF800  }
0xf7: {  	[spmem:s2] =	stream.indirect.scatter.add.f32 [tilespmem:s16], [sflag:$0x2], $0x10, s29, s13, $0xb8;
	[tilespmem:$0x1D000] =	vst v63  }
0xf8: {  	_ =	swait.ge [sflag:s10], $0x800  }
0xf9: {  	[sflag:s10] =	ssyncset.done $0x0  }
0xfa: {  	[sflag:s10] =	ssyncadd.s32 $0xFFFFF800  }
0xfb: {  	[spmem:s2] =	stream.indirect.scatter.add.f32 [tilespmem:s17], [sflag:$0x2], $0x10, s30, s13, $0xb8;
	[tilespmem:$0x1D000] =	vst v63  }
0xfc: {  	_ =	swait.ge [sflag:s10], $0x800  }
0xfd: {  	[sflag:s10] =	ssyncset.done $0x0  }
0xfe: {  	[sflag:s10] =	ssyncadd.s32 $0xFFFFF800  }
0xff: {  	[spmem:s2] =	stream.indirect.scatter.add.f32 [tilespmem:s19], [sflag:$0x2], $0x10, s31, s13, $0xb8;
	[tilespmem:$0x1D000] =	vst v63  }
0x100: {  	_ =	swait.ge [sflag:s10], $0x800  }
0x101: {  	[sflag:s10] =	ssyncset.done $0x0  }
0x102: {  	[sflag:s10] =	ssyncadd.s32 $0xFFFFF800  }
0x103: {  	[spmem:s2] =	stream.indirect.scatter.add.f32 [tilespmem:s21], [sflag:$0x2], $0x10, s1, s13, $0xb8;
	[tilespmem:$0x1D000] =	vst v63  }
0x104: {  	_ =	swait.ge [sflag:s10], $0x800  }
0x105: {  	[sflag:s10] =	ssyncset.done $0x0  }
0x106: {  	[sflag:s10] =	ssyncadd.s32 $0xFFFFF800  }
0x107: {  	[spmem:s2] =	stream.indirect.scatter.add.f32 [tilespmem:s23], [sflag:$0x2], $0x10, s0, s13, $0xb8;
	[tilespmem:$0x1D000] =	vst v63  }
0x108: {  	_ =	swait.ge [sflag:s10], $0x800  }
0x109: {  	[sflag:s10] =	ssyncset.done $0x0  }
0x10a: {  	[sflag:s10] =	ssyncadd.s32 $0xFFFFF800  }
0x10b: {  	[spmem:s2] =	stream.indirect.scatter.add.f32 [tilespmem:s25], [sflag:$0x2], $0x10, s5, s13, $0xb8;
	[tilespmem:$0x1D000] =	vst v63  }
0x10c: {  	_ =	swait.ge [sflag:s10], $0x800  }
0x10d: {  	[sflag:s10] =	ssyncset.done $0x0  }
0x10e: {  	[sflag:s10] =	ssyncadd.s32 $0xFFFFF800  }
0x10f: {  	[bflag:$0x0] =	sbarrier.arrive $0xFFFF  }
0x110: {  	s7 =	rddreg [dreg:$0x9]  }
0x111: {  	s9 =	rddreg [dreg:$0xa]  }
0x112: {  	s8 =	rddreg [dreg:$0xc]  }
0x113: {  	[hbm:s9], [sflag:s7] =	dma.local [spmem:s8], $0x3100  }
0x114: {  	_ =	swait.ge [sflag:s10], $0x3100  }
0x115: {  	s6 =	rddreg [dreg:$0xd]  }
0x116: {  	s9 =	sadd.s32 $0x1, s6;
	s6 =	rddreg [dreg:$0xb]  }
0x117: {  	p0 =	sne.s32 s9, s6  }
.Ltmp1:
0x118: {  	_ = 	snop;
	(pc) =	sbr.rel @p0 .LBB2_1-.Ltmp1, $3  }
0x119: {  	_ =	sdelay $0x1  }
0x11a: {  	[sflag:s10] =	ssyncset.done $0x0  }
0x11b: {  	[sflag:s10] =	ssyncadd.s32 $0xFFFFCF00  }
0x11c: {  	_ =	sfence.sel $0x180000  }
0x11d: {  	[bflag:$0x0] =	sbarrier.arrive $0xFFFF  }
0x11e: {  	_ =	strace $0x9000004A  }
0x11f: {  	s0 =	stileid.u32;
	[bflag:$0x2] =	sbarrier.arrive $0xFFFF  }
0x120: {  	p0 =	sne.s32 s0, $0x0;
	s0 =	rddreg [dreg:$0x2]  }
0x121: {  	s0 =	sadd.s32 @!p0 $0x100000, s0  }
0x122: {  	[sflag:s0] =	ssyncadd.tile.s32 @!p0 $0x1;
	_ =	shalt  }
.Lfunc_end2:
_tile_overlayer_lowered:
.L_overlay_start_2:
0x123: {  	(tag) =	ssettag $0x2  }
0x124: {  	s0 =	rddreg [dreg:$0x0];
	s2 =	stileid.u32  }
0x125: {  	s1 =	rddreg [dreg:$0x1];
	p0 =	sne.s32 s2, $0x0  }
0x126: {  	s3 =	rddreg [dreg:$0x2];
	[bflag:$0x3] =	sbarrier.arrive $0xFFFF;
	s2 =	simm.s32 @!p0 $0x1C02  }
0x127: {  	[timem:s3], [sflag:s2] =	dma.local @!p0 [hbm:s0], s1  }
0x128: {  	s0 =	simm.s32 @!p0 $0x2  }
0x129: {  	_ =	swait.ge @!p0 [sflag:s0], s1  }
0x12a: {  	s1 =	ssub.s32 @!p0 $0x0, s1;
	[sflag:s0] =	ssyncset.done @!p0 $0x0  }
0x12b: {  	[sflag:s0] =	ssyncadd.s32 @!p0 s1  }
0x12c: {  	[bflag:$0x3] =	sbarrier.arrive $0xFFFF  }
0x12d: {  	_ =	shalt  }

// kernel: kernel.14.cloned.1.call-start
scs
__scs_entry_jumppad:
0x0: {  	(pc) =	sbr.rel $0x88, $3  }
0x1: {  	(tag) =	ssettag $0x0;
	lr =	simm.s32 $0x1  }
0x2: {  	[smem:$0x3F97] =	sst lr;
	_ =	strace $0xD0000000  }
0x3: {  	_ = 	snop  }
0x4: {  	_ = 	snop  }
0x5: {  	_ = 	snop  }
0x6: {  	_ = 	snop  }
0x7: {  	_ = 	snop  }
__scs_overlays_trampoline_lowered:
0x8: {  	[smem:$0x3FA6] =	sst s0  }
0x9: {  	[smem:$0x3FA7] =	sst s1  }
0xa: {  	[smem:$0x3FA8] =	sst s2  }
0xb: {  	[smem:$0x3FA9] =	sst s3  }
0xc: {  	[smem:$0x3FAA] =	sst s4  }
0xd: {  	[smem:$0x3FAB] =	sst s5  }
0xe: {  	[smem:$0x3FAC] =	sst s6  }
0xf: {  	[smem:$0x3FAD] =	sst s7  }
0x10: {  	[smem:$0x3FAE] =	sst s8  }
0x11: {  	[smem:$0x3FAF] =	sst s9;
	s0 =	simm.s32 @!p0 $0x0  }
0x12: {  	s1 =	sld [smem:$0x3F95];
	s0 =	simm.s32 @p0 $0x1  }
0x13: {  	[smem:$0x3FB0] =	sst s0;
	s0 =	simm.s32 @!p1 $0x0  }
0x14: {  	s2 =	sld [smem:$0x3F94];
	s0 =	simm.s32 @p1 $0x1  }
0x15: {  	[smem:$0x3FB1] =	sst s0;
	s0 =	simm.s32 @!p2 $0x0  }
0x16: {  	s3 =	sld [smem:$0x3FDB];
	s0 =	simm.s32 @p2 $0x1  }
0x17: {  	s4 =	simm.s32 $0x1BF5;
	[smem:$0x3FB3] =	sst s0  }
0x18: {  	s0 =	sld [smem:$0x3F96];
	_ =	swait.ge [sflag:s4], $0x0  }
0x19: {  	s7 =	sld [smem:$0x3F97]  }
0x1a: {  	s8 =	sadd.s32 $0xFFFFE003, lr  }
0x1b: {  	s9 =	sadd.s32 $0xFFFFFEF7, lr;
	s5 =	simm.s32 $0xFFFFFFFF;
	p2 =	slt.u32 s8, $0xFFFFF086  }
0x1c: {  	p1 =	slt.u32 s9, $0xF7A;
	s5 =	simm.s32 @!p2 $0x0  }
0x1d: {  	s5 =	simm.s32 @p1 $0x1;
	p0 =	seq.s32 s7, s2  }
0x1e: {  	s7 =	smul.u32 @!p0 $0xF7A, s2;
	p2 =	seq.s32 @!p0 s5, $0x0  }
0x1f: {  	s9 =	smul.u32 $0xF7A, s1;
	s8 =	simm.s32 @!p0 $0x1BF5;
	p2 =	por !p2, p0  }
0x20: {  	[sflag:s8] =	ssyncset.s32 @!p0 $0xFFFFF086;
	s6 =	sadd.s32 @!p0 s3, s7;
	s7 =	simm.s32 @!p0 $0x108  }
0x21: {  	s3 =	sadd.s32 s3, s9;
	s6 =	sadd.s32 @!p0 $0x88, s6;
	s7 =	simm.s32 @p2 $0x1082  }
0x22: {  	[simem:s7], [sflag:s8] =	dma.local @!p0 [hbm:s6], $0xF7A  }
0x23: {  	s9 =	sor.u32 $0xD0000000, s2;
	s6 =	simm.s32 $0x108;
	_ =	swait.ge @!p0 [sflag:s8], $0x0  }
0x24: {  	s3 =	sadd.s32 $0x88, s3;
	s6 =	simm.s32 @!p1 $0x1082;
	[sflag:s4] =	ssyncset.s32 $0xFFFFF086  }
0x25: {  	[simem:s6], [sflag:s4] =	dma.local [hbm:s3], $0xF7A  }
0x26: {  	[smem:$0x3F97] =	sst s1;
	(tag) =	ssettag s2;
	_ =	strace s9  }
0x27: {  	s1 =	sld [smem:$0x3FA7]  }
0x28: {  	s2 =	sld [smem:$0x3FA8]  }
0x29: {  	s4 =	sld [smem:$0x3FAA]  }
0x2a: {  	p0 =	seq.s32 s5, $0x0;
	s5 =	sld [smem:$0x3FAB]  }
0x2b: {  	s6 =	sld [smem:$0x3FAC]  }
0x2c: {  	s7 =	sld [smem:$0x3FAD]  }
0x2d: {  	s3 =	simm.s32 $0x108;
	s8 =	sld [smem:$0x3FAE]  }
0x2e: {  	s3 =	simm.s32 @!p0 $0x1082;
	s9 =	sld [smem:$0x3FAF]  }
0x2f: {  	lr =	sadd.s32 s0, s3;
	s0 =	sld [smem:$0x3FA6]  }
0x30: {  	s3 =	sld [smem:$0x3FA9]  }
0x31: {  	[smem:$0x3FB2] =	sst s10  }
0x32: {  	s10 =	sld [smem:$0x3FB0];
	_ =	sdelay $0x3  }
0x33: {  	p0 =	seq.s32 s10, $0x1;
	s10 =	sld [smem:$0x3FB2];
	_ =	sdelay $0x3  }
0x34: {  	[smem:$0x3FB2] =	sst s10  }
0x35: {  	s10 =	sld [smem:$0x3FB1];
	_ =	sdelay $0x3  }
0x36: {  	p1 =	seq.s32 s10, $0x1;
	s10 =	sld [smem:$0x3FB2];
	_ =	sdelay $0x3  }
0x37: {  	[smem:$0x3FB2] =	sst s10  }
0x38: {  	s10 =	sld [smem:$0x3FB3]  }
0x39: {  	_ = 	snop;
	(pc) =	sbr.ind lr, $3  }
0x3a: {  	_ = 	snop  }
0x3b: {  	_ = 	snop  }
0x3c: {  	p2 =	seq.s32 s10, $0x1;
	s10 =	sld [smem:$0x3FB2]  }
0x3d: {  	_ =	shalt  }
0x3e: {  	_ =	shalt  }
0x3f: {  	_ =	shalt  }
0x40: {  	_ =	shalt  }
0x41: {  	_ =	shalt  }
0x42: {  	_ =	shalt  }
0x43: {  	_ =	shalt  }
0x44: {  	_ =	shalt  }
0x45: {  	_ =	shalt  }
0x46: {  	_ =	shalt  }
0x47: {  	_ =	shalt  }
0x48: {  	_ =	shalt  }
0x49: {  	_ =	shalt  }
0x4a: {  	_ =	shalt  }
0x4b: {  	_ =	shalt  }
0x4c: {  	_ =	shalt  }
0x4d: {  	_ =	shalt  }
0x4e: {  	_ =	shalt  }
0x4f: {  	_ =	shalt  }
0x50: {  	_ =	shalt  }
0x51: {  	_ =	shalt  }
0x52: {  	_ =	shalt  }
0x53: {  	_ =	shalt  }
0x54: {  	_ =	shalt  }
0x55: {  	_ =	shalt  }
0x56: {  	_ =	shalt  }
0x57: {  	_ =	shalt  }
0x58: {  	_ =	shalt  }
0x59: {  	_ =	shalt  }
0x5a: {  	_ =	shalt  }
0x5b: {  	_ =	shalt  }
0x5c: {  	_ =	shalt  }
0x5d: {  	_ =	shalt  }
0x5e: {  	_ =	shalt  }
0x5f: {  	_ =	shalt  }
0x60: {  	_ =	shalt  }
0x61: {  	_ =	shalt  }
0x62: {  	_ =	shalt  }
0x63: {  	_ =	shalt  }
0x64: {  	_ =	shalt  }
0x65: {  	_ =	shalt  }
0x66: {  	_ =	shalt  }
0x67: {  	_ =	shalt  }
0x68: {  	_ =	shalt  }
0x69: {  	_ =	shalt  }
0x6a: {  	_ =	shalt  }
0x6b: {  	_ =	shalt  }
0x6c: {  	_ =	shalt  }
0x6d: {  	_ =	shalt  }
0x6e: {  	_ =	shalt  }
0x6f: {  	_ =	shalt  }
0x70: {  	_ =	shalt  }
0x71: {  	_ =	shalt  }
0x72: {  	_ =	shalt  }
0x73: {  	_ =	shalt  }
0x74: {  	_ =	shalt  }
0x75: {  	_ =	shalt  }
0x76: {  	_ =	shalt  }
0x77: {  	_ =	shalt  }
0x78: {  	_ =	shalt  }
0x79: {  	_ =	shalt  }
0x7a: {  	_ =	shalt  }
0x7b: {  	_ =	shalt  }
0x7c: {  	_ =	shalt  }
0x7d: {  	_ =	shalt  }
0x7e: {  	_ =	shalt  }
0x7f: {  	_ =	shalt  }
0x80: {  	_ =	shalt  }
0x81: {  	_ =	shalt  }
0x82: {  	_ =	shalt  }
0x83: {  	_ =	shalt  }
0x84: {  	_ =	shalt  }
0x85: {  	_ =	shalt  }
0x86: {  	_ =	shalt  }
0x87: {  	_ =	shalt  }
.Lfunc_end0:
.L_simem_size_0:
called_computation.2_lowered:
.L_overlay_start_0:
0x88: {  	s2 =	sld [smem:$0x3FD9]  }
0x89: {  	s3 =	sld [smem:$0x3FFE];
	_ =	sdelay $0x1  }
0x8a: {  	s1 =	srdreg.scid  }
0x8b: {  	s0 =	sand.u32 $0x1, s1  }
0x8c: {  	s16 =	sshll.u32 s0, $0xA;
	s2 =	sadd.s32 s3, s2  }
0x8d: {  	s2 =	sadd.s32 s2, s16  }
0x8e: {  	[smem:$0x3FBE] =	sst s2  }
0x8f: {  	_ = 	snop  }
0x90: {  	(tm) =	ssettm $0x1  }
0x91: {  	s17 =	sld [smem:$0x3FFB];
	_ =	sdelay $0x3  }
0x92: {  	_ =	strace s17  }
0x93: {  	s2 =	sld [smem:$0x3FFC];
	_ =	sdelay $0x3  }
0x94: {  	_ =	strace s2  }
0x95: {  	s2 =	sld [smem:$0x3FFD];
	_ =	sdelay $0x3  }
0x96: {  	_ =	strace s2  }
0x97: {  	_ =	strace $0x8FFFFFFF  }
0x98: {  	s18 =	sld [smem:$0x3FDB];
	_ =	sdelay $0x1  }
0x99: {  	s19 =	simm.s32 $_scs_section_size  }
0x9a: {  	s4 =	simm.s32 $_size__tile_overlayer_lowered;
	s5 =	simm.s32 $_tile_overlayer_lowered  }
0x9b: {  	s22 =	simm.s32 $0x1BFF;
	s21 =	sshll.u32 s5, $0x1;
	s2 =	sadd.s32 s19, s18  }
0x9c: {  	s6 =	simm.s32 $0x0;
	s20 =	sshll.u32 s4, $0x1;
	s4 =	sadd.s32 s21, s2  }
0x9d: {  	[timem:s6], [sflag:s22] =	dma.local [hbm:s4], s20  }
0x9e: {  	_ =	swait.ge [sflag:s22], s20  }
0x9f: {  	s3 =	ssub.s32 $0x0, s20;
	[sflag:s22] =	ssyncset.done $0x0  }
0xa0: {  	[sflag:s22] =	ssyncadd.s32 s3;
	_ =	sdelay $0x1  }
0xa1: {  	s23 =	simm.s32 $0x1B8B  }
0xa2: {  	_ =	swait.ge [sflag:s23], $0x1  }
0xa3: {  	[sflag:s23] =	ssyncset.done $0x0  }
0xa4: {  	s25 =	simm.s32 $0x1B8E;
	s24 =	sld [smem:$0x3FFE];
	[sflag:s23] =	ssyncadd.s32 $0xFFFFFFFF  }
0xa5: {  	s26 =	simm.s32 $execute0_lowered;
	[smem:$0x3FD2] =	sst s25  }
0xa6: {  	s4 =	sshll.u32 s26, $0x1;
	_ =	strace $0x8000004C;
	[dreg:$0x1] =	wrdreg $0xFFFFFFFF  }
0xa7: {  	s28 =	simm.s32 $_size_execute0_lowered;
	s2 =	sadd.s32 s2, s4;
	[dreg:$0x0] =	wrdreg $0x0  }
0xa8: {  	s4 =	sshll.u32 s28, $0x1;
	[dreg:$0x2] =	wrdreg s2  }
0xa9: {  	[dreg:$0x3] =	wrdreg s4  }
0xaa: {  	[dreg:$0x4] =	wrdreg $0xC0  }
0xab: {  	_ =	task [dreg:s6], $0x5FFFF  }
0xac: {  	[dreg:$0x1] =	wrdreg $0xFFFFFFFF  }
0xad: {  	[dreg:$0x0] =	wrdreg $0x60  }
0xae: {  	[dreg:$0x2] =	wrdreg s24  }
0xaf: {  	[dreg:$0x3] =	wrdreg $0x0  }
0xb0: {  	[dreg:$0x4] =	wrdreg $0x9  }
0xb1: {  	_ =	task.clear_ibuf [dreg:s6], $0x5FFFF;
	_ =	strace $0x9000004C  }
0xb2: {  	s29 =	simm.s32 $0x9;
	_ =	strace $0x8000004E  }
0xb3: {  	_ =	swait.ge [sflag:s29], $0x1  }
0xb4: {  	[sflag:s29] =	ssyncadd.s32 $0xFFFFFFFF  }
0xb5: {  	_ =	strace $0x9000004E  }
0xb6: {  	_ =	sfence  }
0xb7: {  	s30 =	sld [smem:$0x0];
	_ =	sdelay $0x2  }
0xb8: {  	s31 =	sshll.u32 s1, $0xD;
	s1 =	sshrl.u32 s1, $0x2  }
0xb9: {  	s3 =	sand.u32 $0x4000, s31;
	s1 =	sadd.s32 s1, s30  }
0xba: {  	s0 =	sor.u32 s3, s0;
	s1 =	sshll.u32 s1, $0x11  }
0xbb: {  	s0 =	sor.u32 s1, s0  }
0xbc: {  	s0 =	sadd.s32 $0x8F2B, s0  }
0xbd: {  	[sflag:s0] =	ssyncadd.remote.s32 $0x1  }
0xbe: {  	_ =	sfence.sel $0xFFFF  }
0xbf: {  	[dreg:$0x0] =	wrdreg $0xFFFFFFFF;
	(pc) =	sbr.abs _section_cstart, $3  }
0xc0: {  	[dreg:$0x1] =	wrdreg $0xFFFFFFFF  }
0xc1: {  	_ =	task.clear_ibuf [dreg:s6], $0x2FFFF;
	_ =	strace $0x9FFFFFFF  }
0xc2: {  	(tm) =	ssettm $0x7FFFFFFF  }
0xc3: {  	_ =	shalt  }
tec
execute0_lowered:
.L_overlay_start_1:
0x0: {  	(tag) =	ssettag $0x1  }
0x1: {  	s0 =	srdreg.scid;
	s1 =	rddreg [dreg:$0x0]  }
0x2: {  	s10 =	stileid.u32;
	s2 =	rddreg [dreg:$0x1];
	s3 =	simm.s32 $0x0  }
0x3: {  	s11 =	simm.s32 $0x18800;
	s12 =	simm.s32 $0x18C00;
	s24 =	simm.s32 $0x18880  }
0x4: {  	s13 =	simm.s32 $0x80;
	s25 =	simm.s32 $0x18900;
	s14 =	simm.s32 $0x19000  }
0x5: {  	s26 =	simm.s32 $0x18980;
	s15 =	simm.s32 $0x19800;
	s16 =	simm.s32 $0x1A000  }
0x6: {  	s28 =	simm.s32 $0x18C80;
	s29 =	simm.s32 $0x18D00;
	s5 =	smul.u32 $0x19000, s10  }
0x7: {  	s30 =	simm.s32 $0x18D80;
	s31 =	simm.s32 $0x18E00;
	s6 =	smul.u32 $0x18800, s10  }
0x8: {  	s0 =	sand.u32 $0x1, s0;
	[smem:$0x7FF] =	sst s3;
	s17 =	smul.u32 $0x3100, s10  }
0x9: {  	s21 =	sshll.u32 s10, $0x6;
	_ =	strace $0x8000004D;
	[dreg:$0x5] =	wrdreg s24  }
0xa: {  	s10 =	simm.s32 $0x2;
	s4 =	smul.u32 $0x190000, s0;
	[dreg:$0x6] =	wrdreg s25  }
0xb: {  	s7 =	smul.u32 $0x31000, s0;
	s0 =	ssub.s32 $0x2, s0;
	[dreg:$0x7] =	wrdreg s26  }
0xc: {  	s24 =	simm.s32 $0x18B80;
	s25 =	simm.s32 $0x1C800;
	s26 =	simm.s32 $0x1  }
0xd: {  	s9 =	sshrl.u32 s6, $0x3;
	s18 =	sshrl.u32 s0, $0x1;
	s19 =	sadd.s32 s6, s2  }
0xe: {  	s4 =	sadd.s32 s5, s4;
	s5 =	sadd.s32 s17, s7;
	s9 =	sadd.s32 s9, s1  }
0xf: {  	s0 =	ssub.s32 s0, s18;
	s7 =	sor.u32 $0x1C02, s21;
	s17 =	simm.s32 $0x1A800  }
0x10: {  	s18 =	simm.s32 $0x18A00;
	s21 =	simm.s32 $0x1B800;
	s4 =	sshrl.u32 s4, $0x3  }
0x11: {  	s20 =	sadd.s32 $0x12D400, s9;
	s0 =	smax.u32 s0, $0x1;
	[dreg:$0x9] =	wrdreg s7  }
0x12: {  	s9 =	simm.s32 $0x0;
	s8 =	sadd.s32 s4, s1;
	[dreg:$0x8] =	wrdreg s20  }
0x13: {  	s4 =	sadd.s32 $0xCB400, s1;
	s1 =	sadd.s32 s5, s1;
	[dreg:$0xb] =	wrdreg s0  }
0x14: {  	s20 =	simm.s32 $0x18A80;
	s0 =	simm.s32 $0x18F00;
	s1 =	sadd.s32 $0x15E400, s1  }
0x15: {  	s5 =	simm.s32 $0x18F80;
	s22 =	sadd.s32 $0x3200, s8;
	[dreg:$0xa] =	wrdreg s1  }
0x16: {  	s23 =	sadd.s32 $0x67400, s8;
	s8 =	sshrl.u32 s19, $0x3;
	[dreg:$0x3] =	wrdreg s22  }
0x17: {  	s19 =	simm.s32 $0x1B000;
	[dreg:$0x4] =	wrdreg s23;
	s22 =	simm.s32 $0x18B00  }
0x18: {  	s23 =	simm.s32 $0x1C000;
	s1 =	simm.s32 $0x18E80;
	[dreg:$0xc] =	wrdreg s8  }
.LBB2_1:
0x19: {  	[dreg:$0xd] =	wrdreg s9  }
0x1a: {  	s6 =	rddreg [dreg:$0x8]  }
0x1b: {  	[spmem:s8], [sflag:s7] =	dma.local [hbm:s6], $0x3100  }
0x1c: {  	_ =	swait.ge [sflag:s10], $0x3100  }
0x1d: {  	[sflag:s10] =	ssyncset.done $0x0  }
0x1e: {  	[sflag:s10] =	ssyncadd.s32 $0xFFFFCF00  }
0x1f: {  	[bflag:$0x0] =	sbarrier.arrive $0xFFFF  }
0x20: {  	s7 =	rddreg [dreg:$0x4]  }
0x21: {  	s6 =	sadd.s32 $0x0, s7  }
0x22: {  	[tilespmem:s11], [sflag:$0x2] =	stream.linear.gather [hbm4b:s6+s3], $0x400, $0x38;
	[tilespmem:$0x1D000] =	vst v63  }
0x23: {  	_ =	swait.ge [sflag:s10], $0x400  }
0x24: {  	s8 =	rddreg [dreg:$0x3];
	[sflag:s10] =	ssyncset.done $0x0  }
0x25: {  	[sflag:s10] =	ssyncadd.s32 $0xFFFFFC00;
	s6 =	sadd.s32 $0x0, s8  }
0x26: {  	[tilespmem:s12], [sflag:$0x2] =	stream.linear.gather [hbm4b:s6+s3], $0x400, $0x38;
	[tilespmem:$0x1D000] =	vst v63  }
0x27: {  	_ =	swait.ge [sflag:s10], $0x400  }
0x28: {  	[sflag:s10] =	ssyncset.done $0x0  }
0x29: {  	[sflag:s10] =	ssyncadd.s32 $0xFFFFFC00  }
0x2a: {  	[tilespmem:s14], [sflag:$0x1] =	stream.indirect.gather [hbm4b:s4+s13], $0x10, s11, s13, $0xb8;
	[tilespmem:$0x1D000] =	vst v63  }
0x2b: {  	s9 =	rddreg [dreg:$0x5]  }
0x2c: {  	[tilespmem:s15], [sflag:$0x1] =	stream.indirect.gather [hbm4b:s4+s13], $0x10, s9, s13, $0xb8;
	[tilespmem:$0x1D000] =	vst v63  }
0x2d: {  	s7 =	rddreg [dreg:$0x6]  }
0x2e: {  	[tilespmem:s16], [sflag:$0x1] =	stream.indirect.gather [hbm4b:s4+s13], $0x10, s7, s13, $0xb8;
	[tilespmem:$0x1D000] =	vst v63  }
0x2f: {  	s9 =	rddreg [dreg:$0x7]  }
0x30: {  	[tilespmem:s17], [sflag:$0x1] =	stream.indirect.gather [hbm4b:s4+s13], $0x10, s9, s13, $0xb8;
	[tilespmem:$0x1D000] =	vst v63  }
0x31: {  	_ = 	snop  }
0x32: {  	[tilespmem:s19], [sflag:$0x1] =	stream.indirect.gather [hbm4b:s4+s13], $0x10, s18, s13, $0xb8;
	[tilespmem:$0x1D000] =	vst v63  }
0x33: {  	_ = 	snop  }
0x34: {  	[tilespmem:s21], [sflag:$0x1] =	stream.indirect.gather [hbm4b:s4+s13], $0x10, s20, s13, $0xb8;
	[tilespmem:$0x1D000] =	vst v63  }
0x35: {  	_ = 	snop  }
0x36: {  	[tilespmem:s23], [sflag:$0x1] =	stream.indirect.gather [hbm4b:s4+s13], $0x10, s22, s13, $0xb8;
	[tilespmem:$0x1D000] =	vst v63  }
0x37: {  	_ = 	snop  }
0x38: {  	[tilespmem:s25], [sflag:$0x1] =	stream.indirect.gather [hbm4b:s4+s13], $0x10, s24, s13, $0xb8;
	[tilespmem:$0x1D000] =	vst v63  }
0x39: {  	_ =	swait.ge [sflag:s26], $0x800  }
0x3a: {  	[sflag:s26] =	ssyncset.done $0x0  }
0x3b: {  	[sflag:s26] =	ssyncadd.s32 $0xFFFFF800  }
0x3c: {  	_ =	swait.ge [sflag:s26], $0x800  }
0x3d: {  	[sflag:s26] =	ssyncset.done $0x0  }
0x3e: {  	[sflag:s26] =	ssyncadd.s32 $0xFFFFF800  }
0x3f: {  	_ =	swait.ge [sflag:s26], $0x800  }
0x40: {  	[sflag:s26] =	ssyncset.done $0x0  }
0x41: {  	[sflag:s26] =	ssyncadd.s32 $0xFFFFF800  }
0x42: {  	_ =	swait.ge [sflag:s26], $0x800  }
0x43: {  	[sflag:s26] =	ssyncset.done $0x0  }
0x44: {  	[sflag:s26] =	ssyncadd.s32 $0xFFFFF800  }
0x45: {  	_ =	swait.ge [sflag:s26], $0x800  }
0x46: {  	[sflag:s26] =	ssyncset.done $0x0  }
0x47: {  	[sflag:s26] =	ssyncadd.s32 $0xFFFFF800  }
0x48: {  	_ =	swait.ge [sflag:s26], $0x800  }
0x49: {  	[sflag:s26] =	ssyncset.done $0x0  }
0x4a: {  	[sflag:s26] =	ssyncadd.s32 $0xFFFFF800  }
0x4b: {  	_ =	swait.ge [sflag:s26], $0x800  }
0x4c: {  	[sflag:s26] =	ssyncset.done $0x0  }
0x4d: {  	[sflag:s26] =	ssyncadd.s32 $0xFFFFF800  }
0x4e: {  	_ =	swait.ge [sflag:s26], $0x800  }
0x4f: {  	[sflag:s26] =	ssyncset.done $0x0  }
0x50: {  	[sflag:s26] =	ssyncadd.s32 $0xFFFFF800  }
0x51: {  	[spmem:s2] =	stream.indirect.scatter.add.f32 [tilespmem:s14], [sflag:$0x2], $0x10, s12, s13, $0xb8;
	[tilespmem:$0x1D000] =	vst v63  }
0x52: {  	_ =	swait.ge [sflag:s10], $0x800  }
0x53: {  	[sflag:s10] =	ssyncset.done $0x0  }
0x54: {  	[sflag:s10] =	ssyncadd.s32 $0xFFFFF800  }
0x55: {  	[spmem:s2] =	stream.indirect.scatter.add.f32 [tilespmem:s15], [sflag:$0x2], $0x10, s28, s13, $0xb8;
	[tilespmem:$0x1D000] =	vst v63  }
0x56: {  	_ =	swait.ge [sflag:s10], $0x800  }
0x57: {  	[sflag:s10] =	ssyncset.done $0x0  }
0x58: {  	[sflag:s10] =	ssyncadd.s32 $0xFFFFF800  }
0x59: {  	[spmem:s2] =	stream.indirect.scatter.add.f32 [tilespmem:s16], [sflag:$0x2], $0x10, s29, s13, $0xb8;
	[tilespmem:$0x1D000] =	vst v63  }
0x5a: {  	_ =	swait.ge [sflag:s10], $0x800  }
0x5b: {  	[sflag:s10] =	ssyncset.done $0x0  }
0x5c: {  	[sflag:s10] =	ssyncadd.s32 $0xFFFFF800  }
0x5d: {  	[spmem:s2] =	stream.indirect.scatter.add.f32 [tilespmem:s17], [sflag:$0x2], $0x10, s30, s13, $0xb8;
	[tilespmem:$0x1D000] =	vst v63  }
0x5e: {  	_ =	swait.ge [sflag:s10], $0x800  }
0x5f: {  	[sflag:s10] =	ssyncset.done $0x0  }
0x60: {  	[sflag:s10] =	ssyncadd.s32 $0xFFFFF800  }
0x61: {  	[spmem:s2] =	stream.indirect.scatter.add.f32 [tilespmem:s19], [sflag:$0x2], $0x10, s31, s13, $0xb8;
	[tilespmem:$0x1D000] =	vst v63  }
0x62: {  	_ =	swait.ge [sflag:s10], $0x800  }
0x63: {  	[sflag:s10] =	ssyncset.done $0x0  }
0x64: {  	[sflag:s10] =	ssyncadd.s32 $0xFFFFF800  }
0x65: {  	[spmem:s2] =	stream.indirect.scatter.add.f32 [tilespmem:s21], [sflag:$0x2], $0x10, s1, s13, $0xb8;
	[tilespmem:$0x1D000] =	vst v63  }
0x66: {  	_ =	swait.ge [sflag:s10], $0x800  }
0x67: {  	[sflag:s10] =	ssyncset.done $0x0  }
0x68: {  	[sflag:s10] =	ssyncadd.s32 $0xFFFFF800  }
0x69: {  	[spmem:s2] =	stream.indirect.scatter.add.f32 [tilespmem:s23], [sflag:$0x2], $0x10, s0, s13, $0xb8;
	[tilespmem:$0x1D000] =	vst v63  }
0x6a: {  	_ =	swait.ge [sflag:s10], $0x800  }
0x6b: {  	[sflag:s10] =	ssyncset.done $0x0  }
0x6c: {  	[sflag:s10] =	ssyncadd.s32 $0xFFFFF800  }
0x6d: {  	[spmem:s2] =	stream.indirect.scatter.add.f32 [tilespmem:s25], [sflag:$0x2], $0x10, s5, s13, $0xb8;
	[tilespmem:$0x1D000] =	vst v63  }
0x6e: {  	s8 =	simm.s32 $0x80;
	_ =	swait.ge [sflag:s10], $0x800  }
0x6f: {  	s6 =	simm.s32 $0x100;
	s9 =	rddreg [dreg:$0x4];
	[sflag:s10] =	ssyncset.done $0x0  }
.LBB2_2:
0x70: {  	[sflag:s10] =	ssyncadd.s32 $0xFFFFF800;
	s9 =	sadd.s32 s8, s9  }
0x71: {  	[tilespmem:s11], [sflag:$0x2] =	stream.linear.gather [hbm4b:s9+s3], $0x400, $0x38;
	[tilespmem:$0x1D000] =	vst v63  }
0x72: {  	_ =	swait.ge [sflag:s10], $0x400  }
0x73: {  	s9 =	rddreg [dreg:$0x3];
	[sflag:s10] =	ssyncset.done $0x0  }
0x74: {  	[sflag:s10] =	ssyncadd.s32 $0xFFFFFC00;
	s9 =	sadd.s32 s8, s9  }
0x75: {  	[tilespmem:s12], [sflag:$0x2] =	stream.linear.gather [hbm4b:s9+s3], $0x400, $0x38;
	[tilespmem:$0x1D000] =	vst v63  }
0x76: {  	_ =	swait.ge [sflag:s10], $0x400  }
0x77: {  	[sflag:s10] =	ssyncset.done $0x0  }
0x78: {  	s7 =	smov.u32 s6;
	[sflag:s10] =	ssyncadd.s32 $0xFFFFFC00  }
0x79: {  	[tilespmem:s14], [sflag:$0x1] =	stream.indirect.gather [hbm4b:s4+s13], $0x10, s11, s13, $0xb8;
	[tilespmem:$0x1D000] =	vst v63  }
0x7a: {  	s8 =	smov.u32 s7;
	s7 =	rddreg [dreg:$0x5]  }
0x7b: {  	[tilespmem:s15], [sflag:$0x1] =	stream.indirect.gather [hbm4b:s4+s13], $0x10, s7, s13, $0xb8;
	[tilespmem:$0x1D000] =	vst v63  }
0x7c: {  	s9 =	rddreg [dreg:$0x6]  }
0x7d: {  	[tilespmem:s16], [sflag:$0x1] =	stream.indirect.gather [hbm4b:s4+s13], $0x10, s9, s13, $0xb8;
	[tilespmem:$0x1D000] =	vst v63  }
0x7e: {  	s7 =	rddreg [dreg:$0x7]  }
0x7f: {  	[tilespmem:s17], [sflag:$0x1] =	stream.indirect.gather [hbm4b:s4+s13], $0x10, s7, s13, $0xb8;
	[tilespmem:$0x1D000] =	vst v63  }
0x80: {  	_ = 	snop  }
0x81: {  	[tilespmem:s19], [sflag:$0x1] =	stream.indirect.gather [hbm4b:s4+s13], $0x10, s18, s13, $0xb8;
	[tilespmem:$0x1D000] =	vst v63  }
0x82: {  	_ = 	snop  }
0x83: {  	[tilespmem:s21], [sflag:$0x1] =	stream.indirect.gather [hbm4b:s4+s13], $0x10, s20, s13, $0xb8;
	[tilespmem:$0x1D000] =	vst v63  }
0x84: {  	_ = 	snop  }
0x85: {  	[tilespmem:s23], [sflag:$0x1] =	stream.indirect.gather [hbm4b:s4+s13], $0x10, s22, s13, $0xb8;
	[tilespmem:$0x1D000] =	vst v63  }
0x86: {  	_ = 	snop  }
0x87: {  	[tilespmem:s25], [sflag:$0x1] =	stream.indirect.gather [hbm4b:s4+s13], $0x10, s24, s13, $0xb8;
	[tilespmem:$0x1D000] =	vst v63  }
0x88: {  	_ =	swait.ge [sflag:s26], $0x800  }
0x89: {  	[sflag:s26] =	ssyncset.done $0x0  }
0x8a: {  	[sflag:s26] =	ssyncadd.s32 $0xFFFFF800  }
0x8b: {  	_ =	swait.ge [sflag:s26], $0x800  }
0x8c: {  	[sflag:s26] =	ssyncset.done $0x0  }
0x8d: {  	[sflag:s26] =	ssyncadd.s32 $0xFFFFF800  }
0x8e: {  	_ =	swait.ge [sflag:s26], $0x800  }
0x8f: {  	[sflag:s26] =	ssyncset.done $0x0  }
0x90: {  	[sflag:s26] =	ssyncadd.s32 $0xFFFFF800  }
0x91: {  	_ =	swait.ge [sflag:s26], $0x800  }
0x92: {  	[sflag:s26] =	ssyncset.done $0x0  }
0x93: {  	[sflag:s26] =	ssyncadd.s32 $0xFFFFF800  }
0x94: {  	_ =	swait.ge [sflag:s26], $0x800  }
0x95: {  	[sflag:s26] =	ssyncset.done $0x0  }
0x96: {  	[sflag:s26] =	ssyncadd.s32 $0xFFFFF800  }
0x97: {  	_ =	swait.ge [sflag:s26], $0x800  }
0x98: {  	[sflag:s26] =	ssyncset.done $0x0  }
0x99: {  	[sflag:s26] =	ssyncadd.s32 $0xFFFFF800  }
0x9a: {  	_ =	swait.ge [sflag:s26], $0x800  }
0x9b: {  	[sflag:s26] =	ssyncset.done $0x0  }
0x9c: {  	[sflag:s26] =	ssyncadd.s32 $0xFFFFF800  }
0x9d: {  	_ =	swait.ge [sflag:s26], $0x800  }
0x9e: {  	[sflag:s26] =	ssyncset.done $0x0  }
0x9f: {  	[sflag:s26] =	ssyncadd.s32 $0xFFFFF800  }
0xa0: {  	[spmem:s2] =	stream.indirect.scatter.add.f32 [tilespmem:s14], [sflag:$0x2], $0x10, s12, s13, $0xb8;
	[tilespmem:$0x1D000] =	vst v63  }
0xa1: {  	_ =	swait.ge [sflag:s10], $0x800  }
0xa2: {  	[sflag:s10] =	ssyncset.done $0x0  }
0xa3: {  	[sflag:s10] =	ssyncadd.s32 $0xFFFFF800  }
0xa4: {  	[spmem:s2] =	stream.indirect.scatter.add.f32 [tilespmem:s15], [sflag:$0x2], $0x10, s28, s13, $0xb8;
	[tilespmem:$0x1D000] =	vst v63  }
0xa5: {  	_ =	swait.ge [sflag:s10], $0x800  }
0xa6: {  	[sflag:s10] =	ssyncset.done $0x0  }
0xa7: {  	[sflag:s10] =	ssyncadd.s32 $0xFFFFF800  }
0xa8: {  	[spmem:s2] =	stream.indirect.scatter.add.f32 [tilespmem:s16], [sflag:$0x2], $0x10, s29, s13, $0xb8;
	[tilespmem:$0x1D000] =	vst v63  }
0xa9: {  	_ =	swait.ge [sflag:s10], $0x800  }
0xaa: {  	[sflag:s10] =	ssyncset.done $0x0  }
0xab: {  	[sflag:s10] =	ssyncadd.s32 $0xFFFFF800  }
0xac: {  	[spmem:s2] =	stream.indirect.scatter.add.f32 [tilespmem:s17], [sflag:$0x2], $0x10, s30, s13, $0xb8;
	[tilespmem:$0x1D000] =	vst v63  }
0xad: {  	_ =	swait.ge [sflag:s10], $0x800  }
0xae: {  	[sflag:s10] =	ssyncset.done $0x0  }
0xaf: {  	[sflag:s10] =	ssyncadd.s32 $0xFFFFF800  }
0xb0: {  	[spmem:s2] =	stream.indirect.scatter.add.f32 [tilespmem:s19], [sflag:$0x2], $0x10, s31, s13, $0xb8;
	[tilespmem:$0x1D000] =	vst v63  }
0xb1: {  	_ =	swait.ge [sflag:s10], $0x800  }
0xb2: {  	[sflag:s10] =	ssyncset.done $0x0  }
0xb3: {  	[sflag:s10] =	ssyncadd.s32 $0xFFFFF800  }
0xb4: {  	[spmem:s2] =	stream.indirect.scatter.add.f32 [tilespmem:s21], [sflag:$0x2], $0x10, s1, s13, $0xb8;
	[tilespmem:$0x1D000] =	vst v63  }
0xb5: {  	_ =	swait.ge [sflag:s10], $0x800  }
0xb6: {  	[sflag:s10] =	ssyncset.done $0x0  }
0xb7: {  	[sflag:s10] =	ssyncadd.s32 $0xFFFFF800  }
0xb8: {  	[spmem:s2] =	stream.indirect.scatter.add.f32 [tilespmem:s23], [sflag:$0x2], $0x10, s0, s13, $0xb8;
	[tilespmem:$0x1D000] =	vst v63  }
0xb9: {  	p0 =	sne.s32 s6, $0x3180;
	_ =	swait.ge [sflag:s10], $0x800  }
.Ltmp0:
0xba: {  	[sflag:s10] =	ssyncset.done $0x0;
	(pc) =	sbr.rel @p0 .LBB2_2-.Ltmp0, $4  }
0xbb: {  	[sflag:s10] =	ssyncadd.s32 $0xFFFFF800  }
0xbc: {  	[spmem:s2] =	stream.indirect.scatter.add.f32 [tilespmem:s25], [sflag:$0x2], $0x10, s5, s13, $0xb8;
	[tilespmem:$0x1D000] =	vst v63  }
0xbd: {  	_ =	swait.ge [sflag:s10], $0x800  }
0xbe: {  	s6 =	sadd.s32 $0x80, s6;
	s9 =	rddreg [dreg:$0x4];
	[sflag:s10] =	ssyncset.done $0x0  }
0xbf: {  	[sflag:s10] =	ssyncadd.s32 $0xFFFFF800;
	s6 =	sadd.s32 s8, s9  }
0xc0: {  	[tilespmem:s11], [sflag:$0x2] =	stream.linear.gather [hbm4b:s6+s3], $0x400, $0x38;
	[tilespmem:$0x1D000] =	vst v63  }
0xc1: {  	_ =	swait.ge [sflag:s10], $0x400  }
0xc2: {  	s7 =	rddreg [dreg:$0x3];
	[sflag:s10] =	ssyncset.done $0x0  }
0xc3: {  	[sflag:s10] =	ssyncadd.s32 $0xFFFFFC00;
	s6 =	sadd.s32 s8, s7  }
0xc4: {  	[tilespmem:s12], [sflag:$0x2] =	stream.linear.gather [hbm4b:s6+s3], $0x400, $0x38;
	[tilespmem:$0x1D000] =	vst v63  }
0xc5: {  	_ =	swait.ge [sflag:s10], $0x400  }
0xc6: {  	[sflag:s10] =	ssyncset.done $0x0  }
0xc7: {  	[sflag:s10] =	ssyncadd.s32 $0xFFFFFC00  }
0xc8: {  	[tilespmem:s14], [sflag:$0x1] =	stream.indirect.gather [hbm4b:s4+s13], $0x10, s11, s13, $0xb8;
	[tilespmem:$0x1D000] =	vst v63  }
0xc9: {  	s9 =	rddreg [dreg:$0x5]  }
0xca: {  	[tilespmem:s15], [sflag:$0x1] =	stream.indirect.gather [hbm4b:s4+s13], $0x10, s9, s13, $0xb8;
	[tilespmem:$0x1D000] =	vst v63  }
0xcb: {  	s7 =	rddreg [dreg:$0x6]  }
0xcc: {  	[tilespmem:s16], [sflag:$0x1] =	stream.indirect.gather [hbm4b:s4+s13], $0x10, s7, s13, $0xb8;
	[tilespmem:$0x1D000] =	vst v63  }
0xcd: {  	s8 =	rddreg [dreg:$0x7]  }
0xce: {  	[tilespmem:s17], [sflag:$0x1] =	stream.indirect.gather [hbm4b:s4+s13], $0x10, s8, s13, $0xb8;
	[tilespmem:$0x1D000] =	vst v63  }
0xcf: {  	_ = 	snop  }
0xd0: {  	[tilespmem:s19], [sflag:$0x1] =	stream.indirect.gather [hbm4b:s4+s13], $0x10, s18, s13, $0xb8;
	[tilespmem:$0x1D000] =	vst v63  }
0xd1: {  	_ = 	snop  }
0xd2: {  	[tilespmem:s21], [sflag:$0x1] =	stream.indirect.gather [hbm4b:s4+s13], $0x10, s20, s13, $0xb8;
	[tilespmem:$0x1D000] =	vst v63  }
0xd3: {  	_ = 	snop  }
0xd4: {  	[tilespmem:s23], [sflag:$0x1] =	stream.indirect.gather [hbm4b:s4+s13], $0x10, s22, s13, $0xb8;
	[tilespmem:$0x1D000] =	vst v63  }
0xd5: {  	_ = 	snop  }
0xd6: {  	[tilespmem:s25], [sflag:$0x1] =	stream.indirect.gather [hbm4b:s4+s13], $0x10, s24, s13, $0xb8;
	[tilespmem:$0x1D000] =	vst v63  }
0xd7: {  	_ =	swait.ge [sflag:s26], $0x800  }
0xd8: {  	[sflag:s26] =	ssyncset.done $0x0  }
0xd9: {  	[sflag:s26] =	ssyncadd.s32 $0xFFFFF800  }
0xda: {  	_ =	swait.ge [sflag:s26], $0x800  }
0xdb: {  	[sflag:s26] =	ssyncset.done $0x0  }
0xdc: {  	[sflag:s26] =	ssyncadd.s32 $0xFFFFF800  }
0xdd: {  	_ =	swait.ge [sflag:s26], $0x800  }
0xde: {  	[sflag:s26] =	ssyncset.done $0x0  }
0xdf: {  	[sflag:s26] =	ssyncadd.s32 $0xFFFFF800  }
0xe0: {  	_ =	swait.ge [sflag:s26], $0x800  }
0xe1: {  	[sflag:s26] =	ssyncset.done $0x0  }
0xe2: {  	[sflag:s26] =	ssyncadd.s32 $0xFFFFF800  }
0xe3: {  	_ =	swait.ge [sflag:s26], $0x800  }
0xe4: {  	[sflag:s26] =	ssyncset.done $0x0  }
0xe5: {  	[sflag:s26] =	ssyncadd.s32 $0xFFFFF800  }
0xe6: {  	_ =	swait.ge [sflag:s26], $0x800  }
0xe7: {  	[sflag:s26] =	ssyncset.done $0x0  }
0xe8: {  	[sflag:s26] =	ssyncadd.s32 $0xFFFFF800  }
0xe9: {  	_ =	swait.ge [sflag:s26], $0x800  }
0xea: {  	[sflag:s26] =	ssyncset.done $0x0  }
0xeb: {  	[sflag:s26] =	ssyncadd.s32 $0xFFFFF800  }
0xec: {  	_ =	swait.ge [sflag:s26], $0x800  }
0xed: {  	[sflag:s26] =	ssyncset.done $0x0  }
0xee: {  	[sflag:s26] =	ssyncadd.s32 $0xFFFFF800  }
0xef: {  	[spmem:s2] =	stream.indirect.scatter.add.f32 [tilespmem:s14], [sflag:$0x2], $0x10, s12, s13, $0xb8;
	[tilespmem:$0x1D000] =	vst v63  }
0xf0: {  	_ =	swait.ge [sflag:s10], $0x800  }
0xf1: {  	[sflag:s10] =	ssyncset.done $0x0  }
0xf2: {  	[sflag:s10] =	ssyncadd.s32 $0xFFFFF800  }
0xf3: {  	[spmem:s2] =	stream.indirect.scatter.add.f32 [tilespmem:s15], [sflag:$0x2], $0x10, s28, s13, $0xb8;
	[tilespmem:$0x1D000] =	vst v63  }
0xf4: {  	_ =	swait.ge [sflag:s10], $0x800  }
0xf5: {  	[sflag:s10] =	ssyncset.done $0x0  }
0xf6: {  	[sflag:s10] =	ssyncadd.s32 $0xFFFFF800  }
0xf7: {  	[spmem:s2] =	stream.indirect.scatter.add.f32 [tilespmem:s16], [sflag:$0x2], $0x10, s29, s13, $0xb8;
	[tilespmem:$0x1D000] =	vst v63  }
0xf8: {  	_ =	swait.ge [sflag:s10], $0x800  }
0xf9: {  	[sflag:s10] =	ssyncset.done $0x0  }
0xfa: {  	[sflag:s10] =	ssyncadd.s32 $0xFFFFF800  }
0xfb: {  	[spmem:s2] =	stream.indirect.scatter.add.f32 [tilespmem:s17], [sflag:$0x2], $0x10, s30, s13, $0xb8;
	[tilespmem:$0x1D000] =	vst v63  }
0xfc: {  	_ =	swait.ge [sflag:s10], $0x800  }
0xfd: {  	[sflag:s10] =	ssyncset.done $0x0  }
0xfe: {  	[sflag:s10] =	ssyncadd.s32 $0xFFFFF800  }
0xff: {  	[spmem:s2] =	stream.indirect.scatter.add.f32 [tilespmem:s19], [sflag:$0x2], $0x10, s31, s13, $0xb8;
	[tilespmem:$0x1D000] =	vst v63  }
0x100: {  	_ =	swait.ge [sflag:s10], $0x800  }
0x101: {  	[sflag:s10] =	ssyncset.done $0x0  }
0x102: {  	[sflag:s10] =	ssyncadd.s32 $0xFFFFF800  }
0x103: {  	[spmem:s2] =	stream.indirect.scatter.add.f32 [tilespmem:s21], [sflag:$0x2], $0x10, s1, s13, $0xb8;
	[tilespmem:$0x1D000] =	vst v63  }
0x104: {  	_ =	swait.ge [sflag:s10], $0x800  }
0x105: {  	[sflag:s10] =	ssyncset.done $0x0  }
0x106: {  	[sflag:s10] =	ssyncadd.s32 $0xFFFFF800  }
0x107: {  	[spmem:s2] =	stream.indirect.scatter.add.f32 [tilespmem:s23], [sflag:$0x2], $0x10, s0, s13, $0xb8;
	[tilespmem:$0x1D000] =	vst v63  }
0x108: {  	_ =	swait.ge [sflag:s10], $0x800  }
0x109: {  	[sflag:s10] =	ssyncset.done $0x0  }
0x10a: {  	[sflag:s10] =	ssyncadd.s32 $0xFFFFF800  }
0x10b: {  	[spmem:s2] =	stream.indirect.scatter.add.f32 [tilespmem:s25], [sflag:$0x2], $0x10, s5, s13, $0xb8;
	[tilespmem:$0x1D000] =	vst v63  }
0x10c: {  	_ =	swait.ge [sflag:s10], $0x800  }
0x10d: {  	[sflag:s10] =	ssyncset.done $0x0  }
0x10e: {  	[sflag:s10] =	ssyncadd.s32 $0xFFFFF800  }
0x10f: {  	[bflag:$0x0] =	sbarrier.arrive $0xFFFF  }
0x110: {  	s7 =	rddreg [dreg:$0x9]  }
0x111: {  	s9 =	rddreg [dreg:$0xa]  }
0x112: {  	s8 =	rddreg [dreg:$0xc]  }
0x113: {  	[hbm:s9], [sflag:s7] =	dma.local [spmem:s8], $0x3100  }
0x114: {  	_ =	swait.ge [sflag:s10], $0x3100  }
0x115: {  	s6 =	rddreg [dreg:$0xd]  }
0x116: {  	s9 =	sadd.s32 $0x1, s6;
	s6 =	rddreg [dreg:$0xb]  }
0x117: {  	p0 =	sne.s32 s9, s6  }
.Ltmp1:
0x118: {  	_ = 	snop;
	(pc) =	sbr.rel @p0 .LBB2_1-.Ltmp1, $3  }
0x119: {  	_ =	sdelay $0x1  }
0x11a: {  	[sflag:s10] =	ssyncset.done $0x0  }
0x11b: {  	[sflag:s10] =	ssyncadd.s32 $0xFFFFCF00  }
0x11c: {  	_ =	sfence.sel $0x180000  }
0x11d: {  	[bflag:$0x0] =	sbarrier.arrive $0xFFFF  }
0x11e: {  	_ =	strace $0x9000004D  }
0x11f: {  	s0 =	stileid.u32;
	[bflag:$0x2] =	sbarrier.arrive $0xFFFF  }
0x120: {  	p0 =	sne.s32 s0, $0x0;
	s0 =	rddreg [dreg:$0x2]  }
0x121: {  	s0 =	sadd.s32 @!p0 $0x100000, s0  }
0x122: {  	[sflag:s0] =	ssyncadd.tile.s32 @!p0 $0x1;
	_ =	shalt  }
.Lfunc_end2:
_tile_overlayer_lowered:
.L_overlay_start_2:
0x123: {  	(tag) =	ssettag $0x2  }
0x124: {  	s0 =	rddreg [dreg:$0x0];
	s2 =	stileid.u32  }
0x125: {  	s1 =	rddreg [dreg:$0x1];
	p0 =	sne.s32 s2, $0x0  }
0x126: {  	s3 =	rddreg [dreg:$0x2];
	[bflag:$0x3] =	sbarrier.arrive $0xFFFF;
	s2 =	simm.s32 @!p0 $0x1C02  }
0x127: {  	[timem:s3], [sflag:s2] =	dma.local @!p0 [hbm:s0], s1  }
0x128: {  	s0 =	simm.s32 @!p0 $0x2  }
0x129: {  	_ =	swait.ge @!p0 [sflag:s0], s1  }
0x12a: {  	s1 =	ssub.s32 @!p0 $0x0, s1;
	[sflag:s0] =	ssyncset.done @!p0 $0x0  }
0x12b: {  	[sflag:s0] =	ssyncadd.s32 @!p0 s1  }
0x12c: {  	[bflag:$0x3] =	sbarrier.arrive $0xFFFF  }
0x12d: {  	_ =	shalt  }

// kernel: kernel.8.cloned.1.call-start
scs
__scs_entry_jumppad:
0x0: {  	(pc) =	sbr.rel $0x88, $3  }
0x1: {  	(tag) =	ssettag $0x0;
	lr =	simm.s32 $0x1  }
0x2: {  	[smem:$0x3F97] =	sst lr;
	_ =	strace $0xD0000000  }
0x3: {  	_ = 	snop  }
0x4: {  	_ = 	snop  }
0x5: {  	_ = 	snop  }
0x6: {  	_ = 	snop  }
0x7: {  	_ = 	snop  }
__scs_overlays_trampoline_lowered:
0x8: {  	[smem:$0x3FA6] =	sst s0  }
0x9: {  	[smem:$0x3FA7] =	sst s1  }
0xa: {  	[smem:$0x3FA8] =	sst s2  }
0xb: {  	[smem:$0x3FA9] =	sst s3  }
0xc: {  	[smem:$0x3FAA] =	sst s4  }
0xd: {  	[smem:$0x3FAB] =	sst s5  }
0xe: {  	[smem:$0x3FAC] =	sst s6  }
0xf: {  	[smem:$0x3FAD] =	sst s7  }
0x10: {  	[smem:$0x3FAE] =	sst s8  }
0x11: {  	[smem:$0x3FAF] =	sst s9;
	s0 =	simm.s32 @!p0 $0x0  }
0x12: {  	s1 =	sld [smem:$0x3F95];
	s0 =	simm.s32 @p0 $0x1  }
0x13: {  	[smem:$0x3FB0] =	sst s0;
	s0 =	simm.s32 @!p1 $0x0  }
0x14: {  	s2 =	sld [smem:$0x3F94];
	s0 =	simm.s32 @p1 $0x1  }
0x15: {  	[smem:$0x3FB1] =	sst s0;
	s0 =	simm.s32 @!p2 $0x0  }
0x16: {  	s3 =	sld [smem:$0x3FDB];
	s0 =	simm.s32 @p2 $0x1  }
0x17: {  	s4 =	simm.s32 $0x1BF5;
	[smem:$0x3FB3] =	sst s0  }
0x18: {  	s0 =	sld [smem:$0x3F96];
	_ =	swait.ge [sflag:s4], $0x0  }
0x19: {  	s7 =	sld [smem:$0x3F97]  }
0x1a: {  	s8 =	sadd.s32 $0xFFFFE003, lr  }
0x1b: {  	s9 =	sadd.s32 $0xFFFFFEF7, lr;
	s5 =	simm.s32 $0xFFFFFFFF;
	p2 =	slt.u32 s8, $0xFFFFF086  }
0x1c: {  	p1 =	slt.u32 s9, $0xF7A;
	s5 =	simm.s32 @!p2 $0x0  }
0x1d: {  	s5 =	simm.s32 @p1 $0x1;
	p0 =	seq.s32 s7, s2  }
0x1e: {  	s7 =	smul.u32 @!p0 $0xF7A, s2;
	p2 =	seq.s32 @!p0 s5, $0x0  }
0x1f: {  	s9 =	smul.u32 $0xF7A, s1;
	s8 =	simm.s32 @!p0 $0x1BF5;
	p2 =	por !p2, p0  }
0x20: {  	[sflag:s8] =	ssyncset.s32 @!p0 $0xFFFFF086;
	s6 =	sadd.s32 @!p0 s3, s7;
	s7 =	simm.s32 @!p0 $0x108  }
0x21: {  	s3 =	sadd.s32 s3, s9;
	s6 =	sadd.s32 @!p0 $0x88, s6;
	s7 =	simm.s32 @p2 $0x1082  }
0x22: {  	[simem:s7], [sflag:s8] =	dma.local @!p0 [hbm:s6], $0xF7A  }
0x23: {  	s9 =	sor.u32 $0xD0000000, s2;
	s6 =	simm.s32 $0x108;
	_ =	swait.ge @!p0 [sflag:s8], $0x0  }
0x24: {  	s3 =	sadd.s32 $0x88, s3;
	s6 =	simm.s32 @!p1 $0x1082;
	[sflag:s4] =	ssyncset.s32 $0xFFFFF086  }
0x25: {  	[simem:s6], [sflag:s4] =	dma.local [hbm:s3], $0xF7A  }
0x26: {  	[smem:$0x3F97] =	sst s1;
	(tag) =	ssettag s2;
	_ =	strace s9  }
0x27: {  	s1 =	sld [smem:$0x3FA7]  }
0x28: {  	s2 =	sld [smem:$0x3FA8]  }
0x29: {  	s4 =	sld [smem:$0x3FAA]  }
0x2a: {  	p0 =	seq.s32 s5, $0x0;
	s5 =	sld [smem:$0x3FAB]  }
0x2b: {  	s6 =	sld [smem:$0x3FAC]  }
0x2c: {  	s7 =	sld [smem:$0x3FAD]  }
0x2d: {  	s3 =	simm.s32 $0x108;
	s8 =	sld [smem:$0x3FAE]  }
0x2e: {  	s3 =	simm.s32 @!p0 $0x1082;
	s9 =	sld [smem:$0x3FAF]  }
0x2f: {  	lr =	sadd.s32 s0, s3;
	s0 =	sld [smem:$0x3FA6]  }
0x30: {  	s3 =	sld [smem:$0x3FA9]  }
0x31: {  	[smem:$0x3FB2] =	sst s10  }
0x32: {  	s10 =	sld [smem:$0x3FB0];
	_ =	sdelay $0x3  }
0x33: {  	p0 =	seq.s32 s10, $0x1;
	s10 =	sld [smem:$0x3FB2];
	_ =	sdelay $0x3  }
0x34: {  	[smem:$0x3FB2] =	sst s10  }
0x35: {  	s10 =	sld [smem:$0x3FB1];
	_ =	sdelay $0x3  }
0x36: {  	p1 =	seq.s32 s10, $0x1;
	s10 =	sld [smem:$0x3FB2];
	_ =	sdelay $0x3  }
0x37: {  	[smem:$0x3FB2] =	sst s10  }
0x38: {  	s10 =	sld [smem:$0x3FB3]  }
0x39: {  	_ = 	snop;
	(pc) =	sbr.ind lr, $3  }
0x3a: {  	_ = 	snop  }
0x3b: {  	_ = 	snop  }
0x3c: {  	p2 =	seq.s32 s10, $0x1;
	s10 =	sld [smem:$0x3FB2]  }
0x3d: {  	_ =	shalt  }
0x3e: {  	_ =	shalt  }
0x3f: {  	_ =	shalt  }
0x40: {  	_ =	shalt  }
0x41: {  	_ =	shalt  }
0x42: {  	_ =	shalt  }
0x43: {  	_ =	shalt  }
0x44: {  	_ =	shalt  }
0x45: {  	_ =	shalt  }
0x46: {  	_ =	shalt  }
0x47: {  	_ =	shalt  }
0x48: {  	_ =	shalt  }
0x49: {  	_ =	shalt  }
0x4a: {  	_ =	shalt  }
0x4b: {  	_ =	shalt  }
0x4c: {  	_ =	shalt  }
0x4d: {  	_ =	shalt  }
0x4e: {  	_ =	shalt  }
0x4f: {  	_ =	shalt  }
0x50: {  	_ =	shalt  }
0x51: {  	_ =	shalt  }
0x52: {  	_ =	shalt  }
0x53: {  	_ =	shalt  }
0x54: {  	_ =	shalt  }
0x55: {  	_ =	shalt  }
0x56: {  	_ =	shalt  }
0x57: {  	_ =	shalt  }
0x58: {  	_ =	shalt  }
0x59: {  	_ =	shalt  }
0x5a: {  	_ =	shalt  }
0x5b: {  	_ =	shalt  }
0x5c: {  	_ =	shalt  }
0x5d: {  	_ =	shalt  }
0x5e: {  	_ =	shalt  }
0x5f: {  	_ =	shalt  }
0x60: {  	_ =	shalt  }
0x61: {  	_ =	shalt  }
0x62: {  	_ =	shalt  }
0x63: {  	_ =	shalt  }
0x64: {  	_ =	shalt  }
0x65: {  	_ =	shalt  }
0x66: {  	_ =	shalt  }
0x67: {  	_ =	shalt  }
0x68: {  	_ =	shalt  }
0x69: {  	_ =	shalt  }
0x6a: {  	_ =	shalt  }
0x6b: {  	_ =	shalt  }
0x6c: {  	_ =	shalt  }
0x6d: {  	_ =	shalt  }
0x6e: {  	_ =	shalt  }
0x6f: {  	_ =	shalt  }
0x70: {  	_ =	shalt  }
0x71: {  	_ =	shalt  }
0x72: {  	_ =	shalt  }
0x73: {  	_ =	shalt  }
0x74: {  	_ =	shalt  }
0x75: {  	_ =	shalt  }
0x76: {  	_ =	shalt  }
0x77: {  	_ =	shalt  }
0x78: {  	_ =	shalt  }
0x79: {  	_ =	shalt  }
0x7a: {  	_ =	shalt  }
0x7b: {  	_ =	shalt  }
0x7c: {  	_ =	shalt  }
0x7d: {  	_ =	shalt  }
0x7e: {  	_ =	shalt  }
0x7f: {  	_ =	shalt  }
0x80: {  	_ =	shalt  }
0x81: {  	_ =	shalt  }
0x82: {  	_ =	shalt  }
0x83: {  	_ =	shalt  }
0x84: {  	_ =	shalt  }
0x85: {  	_ =	shalt  }
0x86: {  	_ =	shalt  }
0x87: {  	_ =	shalt  }
.Lfunc_end0:
.L_simem_size_0:
called_computation_lowered:
.L_overlay_start_0:
0x88: {  	s2 =	sld [smem:$0x3FD9]  }
0x89: {  	s3 =	sld [smem:$0x3FFE];
	_ =	sdelay $0x1  }
0x8a: {  	s1 =	srdreg.scid  }
0x8b: {  	s0 =	sand.u32 $0x1, s1  }
0x8c: {  	s14 =	sshll.u32 s0, $0xA;
	s2 =	sadd.s32 s3, s2  }
0x8d: {  	s2 =	sadd.s32 s2, s14  }
0x8e: {  	[smem:$0x3FBE] =	sst s2  }
0x8f: {  	_ = 	snop  }
0x90: {  	s2 =	sld [smem:$0x3FD0];
	_ =	sdelay $0x2  }
0x91: {  	s15 =	simm.s32 $0xA;
	s4 =	simm.s32 $0x10  }
0x92: {  	[smem:s4], [sflag:s15] =	dma.local [hbm:s2], $0x1  }
0x93: {  	_ =	swait.eq [sflag:s15], $0x1  }
0x94: {  	[sflag:s15] =	ssyncset.done $0x0  }
0x95: {  	s16 =	sld [smem:$0x10];
	[sflag:s15] =	ssyncadd.s32 $0xFFFFFFFF  }
0x96: {  	s17 =	sld [smem:$0x11];
	(tm) =	ssettm $0x1  }
0x97: {  	s18 =	sld [smem:$0x3FFB];
	_ =	sdelay $0x3  }
0x98: {  	_ =	strace s18  }
0x99: {  	s4 =	sld [smem:$0x3FFC];
	_ =	sdelay $0x3  }
0x9a: {  	_ =	strace s4  }
0x9b: {  	s4 =	sld [smem:$0x3FFD];
	_ =	sdelay $0x3  }
0x9c: {  	_ =	strace s4  }
0x9d: {  	_ =	strace $0x8FFFFFFF  }
0x9e: {  	s19 =	sld [smem:$0x3FDB];
	_ =	sdelay $0x1  }
0x9f: {  	s5 =	simm.s32 $_scs_section_size  }
0xa0: {  	s6 =	simm.s32 $_size__tile_overlayer_lowered;
	s7 =	simm.s32 $_tile_overlayer_lowered  }
0xa1: {  	s22 =	simm.s32 $0x1BFF;
	s21 =	sshll.u32 s7, $0x1;
	s4 =	sadd.s32 s5, s19  }
0xa2: {  	s8 =	simm.s32 $0x0;
	s20 =	sshll.u32 s6, $0x1;
	s6 =	sadd.s32 s21, s4  }
0xa3: {  	[timem:s8], [sflag:s22] =	dma.local [hbm:s6], s20  }
0xa4: {  	_ =	swait.ge [sflag:s22], s20  }
0xa5: {  	s5 =	ssub.s32 $0x0, s20;
	[sflag:s22] =	ssyncset.done $0x0  }
0xa6: {  	[sflag:s22] =	ssyncadd.s32 s5;
	_ =	sdelay $0x1  }
0xa7: {  	s23 =	simm.s32 $0x1B8B  }
0xa8: {  	_ =	swait.ge [sflag:s23], $0x1  }
0xa9: {  	[sflag:s23] =	ssyncset.done $0x0  }
0xaa: {  	s25 =	simm.s32 $0x1B8E;
	s24 =	sld [smem:$0x3FFE];
	[sflag:s23] =	ssyncadd.s32 $0xFFFFFFFF  }
0xab: {  	s26 =	simm.s32 $execute0_lowered;
	[smem:$0x3FD2] =	sst s25  }
0xac: {  	s6 =	sshll.u32 s26, $0x1;
	_ =	strace $0x80000046;
	[dreg:$0x1] =	wrdreg $0xFFFFFFFF  }
0xad: {  	s28 =	simm.s32 $_size_execute0_lowered;
	s4 =	sadd.s32 s4, s6;
	[dreg:$0x0] =	wrdreg $0x0  }
0xae: {  	s6 =	sshll.u32 s28, $0x1;
	[dreg:$0x2] =	wrdreg s4  }
0xaf: {  	[dreg:$0x3] =	wrdreg s6  }
0xb0: {  	[dreg:$0x4] =	wrdreg $0xC0  }
0xb1: {  	_ =	task [dreg:s8], $0x5FFFF  }
0xb2: {  	[dreg:$0x1] =	wrdreg $0xFFFFFFFF  }
0xb3: {  	[dreg:$0x0] =	wrdreg $0x60  }
0xb4: {  	[dreg:$0x2] =	wrdreg s24  }
0xb5: {  	[dreg:$0x3] =	wrdreg s16  }
0xb6: {  	[dreg:$0x4] =	wrdreg s17  }
0xb7: {  	[dreg:$0x5] =	wrdreg $0x0  }
0xb8: {  	[dreg:$0x6] =	wrdreg $0x9  }
0xb9: {  	_ =	task.clear_ibuf [dreg:s8], $0x7FFFF;
	_ =	strace $0x90000046  }
0xba: {  	s29 =	simm.s32 $0x9;
	_ =	strace $0x80000048  }
0xbb: {  	_ =	swait.ge [sflag:s29], $0x1  }
0xbc: {  	[sflag:s29] =	ssyncadd.s32 $0xFFFFFFFF  }
0xbd: {  	_ =	strace $0x90000048  }
0xbe: {  	_ =	sfence  }
0xbf: {  	s30 =	sld [smem:$0x0];
	_ =	sdelay $0x2  }
0xc0: {  	s31 =	sshll.u32 s1, $0xD;
	s1 =	sshrl.u32 s1, $0x2  }
0xc1: {  	s3 =	sand.u32 $0x4000, s31;
	s1 =	sadd.s32 s1, s30  }
0xc2: {  	s0 =	sor.u32 s3, s0;
	s1 =	sshll.u32 s1, $0x11  }
0xc3: {  	s0 =	sor.u32 s1, s0  }
0xc4: {  	s0 =	sadd.s32 $0x8F2B, s0  }
0xc5: {  	[sflag:s0] =	ssyncadd.remote.s32 $0x1  }
0xc6: {  	_ =	sfence.sel $0xFFFF  }
0xc7: {  	[dreg:$0x0] =	wrdreg $0xFFFFFFFF;
	(pc) =	sbr.abs _section_cstart, $3  }
0xc8: {  	[dreg:$0x1] =	wrdreg $0xFFFFFFFF  }
0xc9: {  	_ =	task.clear_ibuf [dreg:s8], $0x2FFFF;
	_ =	strace $0x9FFFFFFF  }
0xca: {  	(tm) =	ssettm $0x7FFFFFFF  }
0xcb: {  	_ =	shalt  }
tec
execute0_lowered:
.L_overlay_start_1:
0x0: {  	(tag) =	ssettag $0x1  }
0x1: {  	s0 =	rddreg [dreg:$0x0]  }
0x2: {  	s2 =	rddreg [dreg:$0x1]  }
0x3: {  	s6 =	rddreg [dreg:$0x2]  }
0x4: {  	s1 =	rddreg [dreg:$0x3]  }
0x5: {  	s3 =	srdreg.scid;
	s10 =	stileid.u32;
	s11 =	simm.s32 $0x1880  }
0x6: {  	s12 =	simm.s32 $0x80;
	s13 =	simm.s32 $0x2080;
	s14 =	simm.s32 $0x1900  }
0x7: {  	s15 =	simm.s32 $0x1980;
	s16 =	simm.s32 $0x1A00;
	s17 =	simm.s32 $0x1A80  }
0x8: {  	s18 =	simm.s32 $0x1B00;
	s19 =	simm.s32 $0x1B80;
	s20 =	simm.s32 $0x1C00  }
0x9: {  	s21 =	simm.s32 $0x1C80;
	s22 =	simm.s32 $0x1D00;
	s23 =	simm.s32 $0x1D80  }
0xa: {  	s28 =	simm.s32 $0x1F80;
	s29 =	simm.s32 $0x2000;
	s7 =	smul.u32 $0x19000, s10  }
0xb: {  	s30 =	simm.s32 $0x0;
	s4 =	sand.u32 $0x1, s3;
	s8 =	smul.u32 $0x1880, s10  }
0xc: {  	s3 =	simm.s32 $0x0;
	s10 =	sshll.u32 s10, $0x6;
	s5 =	smul.u32 $0x190000, s4  }
0xd: {  	[smem:$0x7FF] =	sst s3;
	s24 =	ssub.s32 $0x2, s4;
	s4 =	smul.u32 $0x18800, s4  }
0xe: {  	_ =	strace $0x80000047;
	s9 =	sshrl.u32 s24, $0x1;
	s25 =	sadd.s32 s8, s1  }
0xf: {  	s26 =	sshrl.u32 s8, $0x3;
	s5 =	sadd.s32 s7, s5;
	s7 =	ssub.s32 s24, s9  }
0x10: {  	s8 =	sadd.s32 s8, s4;
	s2 =	sadd.s32 s2, s26;
	s9 =	sshrl.u32 s25, $0x3  }
0x11: {  	s24 =	simm.s32 $0x1E00;
	s25 =	simm.s32 $0x1E80;
	s26 =	simm.s32 $0x1F00  }
0x12: {  	s5 =	sshrl.u32 s5, $0x3;
	[dreg:$0x5] =	wrdreg s2;
	s31 =	sshrl.u32 s8, $0x3  }
0x13: {  	s7 =	smax.u32 s7, $0x1;
	s0 =	sadd.s32 s5, s0;
	s5 =	sor.u32 $0x1C01, s10  }
0x14: {  	v0 =	vimm.f32 $1.000000000e+00;
	s6 =	sadd.s32 s6, s31;
	s10 =	simm.s32 $0x1;
	s8 =	sadd.s32 $0x3200, s0  }
.LBB2_1:
0x15: {  	s0 =	rddreg [dreg:$0x5]  }
0x16: {  	[spmem:s9], [sflag:s5] =	dma.local [hbm:s0], $0x310  }
0x17: {  	_ =	swait.ge [sflag:s10], $0x310  }
0x18: {  	[sflag:s10] =	ssyncset.done $0x0  }
0x19: {  	[sflag:s10] =	ssyncadd.s32 $0xFFFFFCF0  }
0x1a: {  	[tilespmem:$0x2080] =	vst v0  }
0x1b: {  	[tilespmem:$0x2090] =	vst v0  }
0x1c: {  	[tilespmem:$0x20A0] =	vst v0  }
0x1d: {  	[tilespmem:$0x20B0] =	vst v0  }
0x1e: {  	[tilespmem:$0x20C0] =	vst v0  }
0x1f: {  	[tilespmem:$0x20D0] =	vst v0  }
0x20: {  	[tilespmem:$0x20E0] =	vst v0  }
0x21: {  	[tilespmem:$0x20F0] =	vst v0  }
0x22: {  	s4 =	sadd.s32 $0x0, s8;
	[bflag:$0x0] =	sbarrier.arrive $0xFFFF  }
0x23: {  	[tilespmem:s11], [sflag:$0x1] =	stream.linear.gather [hbm4b:s4+s3], $0x800, $0x38;
	[tilespmem:$0x2100] =	vst v63  }
0x24: {  	_ =	swait.ge [sflag:s10], $0x800  }
0x25: {  	[sflag:s10] =	ssyncset.done $0x0  }
0x26: {  	[sflag:s10] =	ssyncadd.s32 $0xFFFFF800  }
0x27: {  	[spmem:s1] =	stream.indirect.scatter.add.f32 [tilespmem:s13], [sflag:$0x1], $0x1, s11, s12, $0xb8;
	[tilespmem:$0x2100] =	vst v63  }
0x28: {  	_ =	swait.ge [sflag:s10], $0x80  }
0x29: {  	[sflag:s10] =	ssyncset.done $0x0  }
0x2a: {  	[sflag:s10] =	ssyncadd.s32 $0xFFFFFF80  }
0x2b: {  	[spmem:s1] =	stream.indirect.scatter.add.f32 [tilespmem:s13], [sflag:$0x1], $0x1, s14, s12, $0xb8;
	[tilespmem:$0x2100] =	vst v63  }
0x2c: {  	_ =	swait.ge [sflag:s10], $0x80  }
0x2d: {  	[sflag:s10] =	ssyncset.done $0x0  }
0x2e: {  	[sflag:s10] =	ssyncadd.s32 $0xFFFFFF80  }
0x2f: {  	[spmem:s1] =	stream.indirect.scatter.add.f32 [tilespmem:s13], [sflag:$0x1], $0x1, s15, s12, $0xb8;
	[tilespmem:$0x2100] =	vst v63  }
0x30: {  	_ =	swait.ge [sflag:s10], $0x80  }
0x31: {  	[sflag:s10] =	ssyncset.done $0x0  }
0x32: {  	[sflag:s10] =	ssyncadd.s32 $0xFFFFFF80  }
0x33: {  	[spmem:s1] =	stream.indirect.scatter.add.f32 [tilespmem:s13], [sflag:$0x1], $0x1, s16, s12, $0xb8;
	[tilespmem:$0x2100] =	vst v63  }
0x34: {  	_ =	swait.ge [sflag:s10], $0x80  }
0x35: {  	[sflag:s10] =	ssyncset.done $0x0  }
0x36: {  	[sflag:s10] =	ssyncadd.s32 $0xFFFFFF80  }
0x37: {  	[spmem:s1] =	stream.indirect.scatter.add.f32 [tilespmem:s13], [sflag:$0x1], $0x1, s17, s12, $0xb8;
	[tilespmem:$0x2100] =	vst v63  }
0x38: {  	_ =	swait.ge [sflag:s10], $0x80  }
0x39: {  	[sflag:s10] =	ssyncset.done $0x0  }
0x3a: {  	[sflag:s10] =	ssyncadd.s32 $0xFFFFFF80  }
0x3b: {  	[spmem:s1] =	stream.indirect.scatter.add.f32 [tilespmem:s13], [sflag:$0x1], $0x1, s18, s12, $0xb8;
	[tilespmem:$0x2100] =	vst v63  }
0x3c: {  	_ =	swait.ge [sflag:s10], $0x80  }
0x3d: {  	[sflag:s10] =	ssyncset.done $0x0  }
0x3e: {  	[sflag:s10] =	ssyncadd.s32 $0xFFFFFF80  }
0x3f: {  	[spmem:s1] =	stream.indirect.scatter.add.f32 [tilespmem:s13], [sflag:$0x1], $0x1, s19, s12, $0xb8;
	[tilespmem:$0x2100] =	vst v63  }
0x40: {  	_ =	swait.ge [sflag:s10], $0x80  }
0x41: {  	[sflag:s10] =	ssyncset.done $0x0  }
0x42: {  	[sflag:s10] =	ssyncadd.s32 $0xFFFFFF80  }
0x43: {  	[spmem:s1] =	stream.indirect.scatter.add.f32 [tilespmem:s13], [sflag:$0x1], $0x1, s20, s12, $0xb8;
	[tilespmem:$0x2100] =	vst v63  }
0x44: {  	_ =	swait.ge [sflag:s10], $0x80  }
0x45: {  	[sflag:s10] =	ssyncset.done $0x0  }
0x46: {  	[sflag:s10] =	ssyncadd.s32 $0xFFFFFF80  }
0x47: {  	[spmem:s1] =	stream.indirect.scatter.add.f32 [tilespmem:s13], [sflag:$0x1], $0x1, s21, s12, $0xb8;
	[tilespmem:$0x2100] =	vst v63  }
0x48: {  	_ =	swait.ge [sflag:s10], $0x80  }
0x49: {  	[sflag:s10] =	ssyncset.done $0x0  }
0x4a: {  	[sflag:s10] =	ssyncadd.s32 $0xFFFFFF80  }
0x4b: {  	[spmem:s1] =	stream.indirect.scatter.add.f32 [tilespmem:s13], [sflag:$0x1], $0x1, s22, s12, $0xb8;
	[tilespmem:$0x2100] =	vst v63  }
0x4c: {  	_ =	swait.ge [sflag:s10], $0x80  }
0x4d: {  	[sflag:s10] =	ssyncset.done $0x0  }
0x4e: {  	[sflag:s10] =	ssyncadd.s32 $0xFFFFFF80  }
0x4f: {  	[spmem:s1] =	stream.indirect.scatter.add.f32 [tilespmem:s13], [sflag:$0x1], $0x1, s23, s12, $0xb8;
	[tilespmem:$0x2100] =	vst v63  }
0x50: {  	_ =	swait.ge [sflag:s10], $0x80  }
0x51: {  	[sflag:s10] =	ssyncset.done $0x0  }
0x52: {  	[sflag:s10] =	ssyncadd.s32 $0xFFFFFF80  }
0x53: {  	[spmem:s1] =	stream.indirect.scatter.add.f32 [tilespmem:s13], [sflag:$0x1], $0x1, s24, s12, $0xb8;
	[tilespmem:$0x2100] =	vst v63  }
0x54: {  	_ =	swait.ge [sflag:s10], $0x80  }
0x55: {  	[sflag:s10] =	ssyncset.done $0x0  }
0x56: {  	[sflag:s10] =	ssyncadd.s32 $0xFFFFFF80  }
0x57: {  	[spmem:s1] =	stream.indirect.scatter.add.f32 [tilespmem:s13], [sflag:$0x1], $0x1, s25, s12, $0xb8;
	[tilespmem:$0x2100] =	vst v63  }
0x58: {  	_ =	swait.ge [sflag:s10], $0x80  }
0x59: {  	[sflag:s10] =	ssyncset.done $0x0  }
0x5a: {  	[sflag:s10] =	ssyncadd.s32 $0xFFFFFF80  }
0x5b: {  	[spmem:s1] =	stream.indirect.scatter.add.f32 [tilespmem:s13], [sflag:$0x1], $0x1, s26, s12, $0xb8;
	[tilespmem:$0x2100] =	vst v63  }
0x5c: {  	_ =	swait.ge [sflag:s10], $0x80  }
0x5d: {  	[sflag:s10] =	ssyncset.done $0x0  }
0x5e: {  	[sflag:s10] =	ssyncadd.s32 $0xFFFFFF80  }
0x5f: {  	[spmem:s1] =	stream.indirect.scatter.add.f32 [tilespmem:s13], [sflag:$0x1], $0x1, s28, s12, $0xb8;
	[tilespmem:$0x2100] =	vst v63  }
0x60: {  	_ =	swait.ge [sflag:s10], $0x80  }
0x61: {  	[sflag:s10] =	ssyncset.done $0x0  }
0x62: {  	[sflag:s10] =	ssyncadd.s32 $0xFFFFFF80  }
0x63: {  	[spmem:s1] =	stream.indirect.scatter.add.f32 [tilespmem:s13], [sflag:$0x1], $0x1, s29, s12, $0xb8;
	[tilespmem:$0x2100] =	vst v63  }
0x64: {  	_ =	swait.ge [sflag:s10], $0x80  }
0x65: {  	s31 =	simm.s32 $0x100;
	s0 =	simm.s32 $0x200;
	[sflag:s10] =	ssyncset.done $0x0  }
.LBB2_2:
0x66: {  	s4 =	sadd.s32 s31, s8  }
0x67: {  	[sflag:s10] =	ssyncadd.s32 $0xFFFFFF80;
	s31 =	smov.u32 s0;
	s2 =	sadd.s32 $0x100, s0  }
0x68: {  	[tilespmem:s11], [sflag:$0x1] =	stream.linear.gather [hbm4b:s4+s3], $0x800, $0x38;
	[tilespmem:$0x2100] =	vst v63  }
0x69: {  	p0 =	sne.s32 s0, $0x3100;
	_ =	swait.ge [sflag:s10], $0x800  }
0x6a: {  	[sflag:s10] =	ssyncset.done $0x0  }
0x6b: {  	[sflag:s10] =	ssyncadd.s32 $0xFFFFF800  }
0x6c: {  	[spmem:s1] =	stream.indirect.scatter.add.f32 [tilespmem:s13], [sflag:$0x1], $0x1, s11, s12, $0xb8;
	[tilespmem:$0x2100] =	vst v63  }
0x6d: {  	_ =	swait.ge [sflag:s10], $0x80  }
0x6e: {  	[sflag:s10] =	ssyncset.done $0x0  }
0x6f: {  	[sflag:s10] =	ssyncadd.s32 $0xFFFFFF80  }
0x70: {  	[spmem:s1] =	stream.indirect.scatter.add.f32 [tilespmem:s13], [sflag:$0x1], $0x1, s14, s12, $0xb8;
	[tilespmem:$0x2100] =	vst v63  }
0x71: {  	_ =	swait.ge [sflag:s10], $0x80  }
0x72: {  	[sflag:s10] =	ssyncset.done $0x0  }
0x73: {  	[sflag:s10] =	ssyncadd.s32 $0xFFFFFF80  }
0x74: {  	[spmem:s1] =	stream.indirect.scatter.add.f32 [tilespmem:s13], [sflag:$0x1], $0x1, s15, s12, $0xb8;
	[tilespmem:$0x2100] =	vst v63  }
0x75: {  	_ =	swait.ge [sflag:s10], $0x80  }
0x76: {  	[sflag:s10] =	ssyncset.done $0x0  }
0x77: {  	[sflag:s10] =	ssyncadd.s32 $0xFFFFFF80  }
0x78: {  	[spmem:s1] =	stream.indirect.scatter.add.f32 [tilespmem:s13], [sflag:$0x1], $0x1, s16, s12, $0xb8;
	[tilespmem:$0x2100] =	vst v63  }
0x79: {  	_ =	swait.ge [sflag:s10], $0x80  }
0x7a: {  	[sflag:s10] =	ssyncset.done $0x0  }
0x7b: {  	[sflag:s10] =	ssyncadd.s32 $0xFFFFFF80  }
0x7c: {  	[spmem:s1] =	stream.indirect.scatter.add.f32 [tilespmem:s13], [sflag:$0x1], $0x1, s17, s12, $0xb8;
	[tilespmem:$0x2100] =	vst v63  }
0x7d: {  	_ =	swait.ge [sflag:s10], $0x80  }
0x7e: {  	[sflag:s10] =	ssyncset.done $0x0  }
0x7f: {  	[sflag:s10] =	ssyncadd.s32 $0xFFFFFF80  }
0x80: {  	[spmem:s1] =	stream.indirect.scatter.add.f32 [tilespmem:s13], [sflag:$0x1], $0x1, s18, s12, $0xb8;
	[tilespmem:$0x2100] =	vst v63  }
0x81: {  	_ =	swait.ge [sflag:s10], $0x80  }
0x82: {  	[sflag:s10] =	ssyncset.done $0x0  }
0x83: {  	[sflag:s10] =	ssyncadd.s32 $0xFFFFFF80  }
0x84: {  	[spmem:s1] =	stream.indirect.scatter.add.f32 [tilespmem:s13], [sflag:$0x1], $0x1, s19, s12, $0xb8;
	[tilespmem:$0x2100] =	vst v63  }
0x85: {  	_ =	swait.ge [sflag:s10], $0x80  }
0x86: {  	[sflag:s10] =	ssyncset.done $0x0  }
0x87: {  	[sflag:s10] =	ssyncadd.s32 $0xFFFFFF80  }
0x88: {  	[spmem:s1] =	stream.indirect.scatter.add.f32 [tilespmem:s13], [sflag:$0x1], $0x1, s20, s12, $0xb8;
	[tilespmem:$0x2100] =	vst v63  }
0x89: {  	_ =	swait.ge [sflag:s10], $0x80  }
0x8a: {  	[sflag:s10] =	ssyncset.done $0x0  }
0x8b: {  	[sflag:s10] =	ssyncadd.s32 $0xFFFFFF80  }
0x8c: {  	[spmem:s1] =	stream.indirect.scatter.add.f32 [tilespmem:s13], [sflag:$0x1], $0x1, s21, s12, $0xb8;
	[tilespmem:$0x2100] =	vst v63  }
0x8d: {  	_ =	swait.ge [sflag:s10], $0x80  }
0x8e: {  	[sflag:s10] =	ssyncset.done $0x0  }
0x8f: {  	[sflag:s10] =	ssyncadd.s32 $0xFFFFFF80  }
0x90: {  	[spmem:s1] =	stream.indirect.scatter.add.f32 [tilespmem:s13], [sflag:$0x1], $0x1, s22, s12, $0xb8;
	[tilespmem:$0x2100] =	vst v63  }
0x91: {  	_ =	swait.ge [sflag:s10], $0x80  }
0x92: {  	[sflag:s10] =	ssyncset.done $0x0  }
0x93: {  	[sflag:s10] =	ssyncadd.s32 $0xFFFFFF80  }
0x94: {  	[spmem:s1] =	stream.indirect.scatter.add.f32 [tilespmem:s13], [sflag:$0x1], $0x1, s23, s12, $0xb8;
	[tilespmem:$0x2100] =	vst v63  }
0x95: {  	_ =	swait.ge [sflag:s10], $0x80  }
0x96: {  	[sflag:s10] =	ssyncset.done $0x0  }
0x97: {  	[sflag:s10] =	ssyncadd.s32 $0xFFFFFF80  }
0x98: {  	[spmem:s1] =	stream.indirect.scatter.add.f32 [tilespmem:s13], [sflag:$0x1], $0x1, s24, s12, $0xb8;
	[tilespmem:$0x2100] =	vst v63  }
0x99: {  	_ =	swait.ge [sflag:s10], $0x80  }
0x9a: {  	[sflag:s10] =	ssyncset.done $0x0  }
0x9b: {  	[sflag:s10] =	ssyncadd.s32 $0xFFFFFF80  }
0x9c: {  	[spmem:s1] =	stream.indirect.scatter.add.f32 [tilespmem:s13], [sflag:$0x1], $0x1, s25, s12, $0xb8;
	[tilespmem:$0x2100] =	vst v63  }
0x9d: {  	_ =	swait.ge [sflag:s10], $0x80  }
0x9e: {  	[sflag:s10] =	ssyncset.done $0x0  }
0x9f: {  	[sflag:s10] =	ssyncadd.s32 $0xFFFFFF80  }
0xa0: {  	[spmem:s1] =	stream.indirect.scatter.add.f32 [tilespmem:s13], [sflag:$0x1], $0x1, s26, s12, $0xb8;
	[tilespmem:$0x2100] =	vst v63  }
0xa1: {  	_ =	swait.ge [sflag:s10], $0x80  }
0xa2: {  	[sflag:s10] =	ssyncset.done $0x0  }
0xa3: {  	[sflag:s10] =	ssyncadd.s32 $0xFFFFFF80  }
0xa4: {  	[spmem:s1] =	stream.indirect.scatter.add.f32 [tilespmem:s13], [sflag:$0x1], $0x1, s28, s12, $0xb8;
	[tilespmem:$0x2100] =	vst v63  }
0xa5: {  	_ =	swait.ge [sflag:s10], $0x80  }
.Ltmp0:
0xa6: {  	[sflag:s10] =	ssyncset.done $0x0;
	(pc) =	sbr.rel @p0 .LBB2_2-.Ltmp0, $4  }
0xa7: {  	[sflag:s10] =	ssyncadd.s32 $0xFFFFFF80  }
0xa8: {  	[spmem:s1] =	stream.indirect.scatter.add.f32 [tilespmem:s13], [sflag:$0x1], $0x1, s29, s12, $0xb8;
	[tilespmem:$0x2100] =	vst v63  }
0xa9: {  	_ =	swait.ge [sflag:s10], $0x80  }
0xaa: {  	s0 =	smov.u32 s2;
	[sflag:s10] =	ssyncset.done $0x0  }
0xab: {  	s0 =	sadd.s32 s31, s8;
	[sflag:s10] =	ssyncadd.s32 $0xFFFFFF80  }
0xac: {  	[tilespmem:s11], [sflag:$0x1] =	stream.linear.gather [hbm4b:s0+s3], $0x800, $0x38;
	[tilespmem:$0x2100] =	vst v63  }
0xad: {  	_ =	swait.ge [sflag:s10], $0x800  }
0xae: {  	[sflag:s10] =	ssyncset.done $0x0  }
0xaf: {  	[sflag:s10] =	ssyncadd.s32 $0xFFFFF800  }
0xb0: {  	[spmem:s1] =	stream.indirect.scatter.add.f32 [tilespmem:s13], [sflag:$0x1], $0x1, s11, s12, $0xb8;
	[tilespmem:$0x2100] =	vst v63  }
0xb1: {  	_ =	swait.ge [sflag:s10], $0x80  }
0xb2: {  	[sflag:s10] =	ssyncset.done $0x0  }
0xb3: {  	[sflag:s10] =	ssyncadd.s32 $0xFFFFFF80  }
0xb4: {  	[spmem:s1] =	stream.indirect.scatter.add.f32 [tilespmem:s13], [sflag:$0x1], $0x1, s14, s12, $0xb8;
	[tilespmem:$0x2100] =	vst v63  }
0xb5: {  	_ =	swait.ge [sflag:s10], $0x80  }
0xb6: {  	[sflag:s10] =	ssyncset.done $0x0  }
0xb7: {  	[sflag:s10] =	ssyncadd.s32 $0xFFFFFF80  }
0xb8: {  	[spmem:s1] =	stream.indirect.scatter.add.f32 [tilespmem:s13], [sflag:$0x1], $0x1, s15, s12, $0xb8;
	[tilespmem:$0x2100] =	vst v63  }
0xb9: {  	_ =	swait.ge [sflag:s10], $0x80  }
0xba: {  	[sflag:s10] =	ssyncset.done $0x0  }
0xbb: {  	[sflag:s10] =	ssyncadd.s32 $0xFFFFFF80  }
0xbc: {  	[spmem:s1] =	stream.indirect.scatter.add.f32 [tilespmem:s13], [sflag:$0x1], $0x1, s16, s12, $0xb8;
	[tilespmem:$0x2100] =	vst v63  }
0xbd: {  	_ =	swait.ge [sflag:s10], $0x80  }
0xbe: {  	[sflag:s10] =	ssyncset.done $0x0  }
0xbf: {  	[sflag:s10] =	ssyncadd.s32 $0xFFFFFF80  }
0xc0: {  	[spmem:s1] =	stream.indirect.scatter.add.f32 [tilespmem:s13], [sflag:$0x1], $0x1, s17, s12, $0xb8;
	[tilespmem:$0x2100] =	vst v63  }
0xc1: {  	_ =	swait.ge [sflag:s10], $0x80  }
0xc2: {  	[sflag:s10] =	ssyncset.done $0x0  }
0xc3: {  	[sflag:s10] =	ssyncadd.s32 $0xFFFFFF80  }
0xc4: {  	[spmem:s1] =	stream.indirect.scatter.add.f32 [tilespmem:s13], [sflag:$0x1], $0x1, s18, s12, $0xb8;
	[tilespmem:$0x2100] =	vst v63  }
0xc5: {  	_ =	swait.ge [sflag:s10], $0x80  }
0xc6: {  	[sflag:s10] =	ssyncset.done $0x0  }
0xc7: {  	[sflag:s10] =	ssyncadd.s32 $0xFFFFFF80  }
0xc8: {  	[spmem:s1] =	stream.indirect.scatter.add.f32 [tilespmem:s13], [sflag:$0x1], $0x1, s19, s12, $0xb8;
	[tilespmem:$0x2100] =	vst v63  }
0xc9: {  	_ =	swait.ge [sflag:s10], $0x80  }
0xca: {  	[sflag:s10] =	ssyncset.done $0x0  }
0xcb: {  	[sflag:s10] =	ssyncadd.s32 $0xFFFFFF80  }
0xcc: {  	[spmem:s1] =	stream.indirect.scatter.add.f32 [tilespmem:s13], [sflag:$0x1], $0x1, s20, s12, $0xb8;
	[tilespmem:$0x2100] =	vst v63  }
0xcd: {  	_ =	swait.ge [sflag:s10], $0x80  }
0xce: {  	[sflag:s10] =	ssyncset.done $0x0  }
0xcf: {  	[sflag:s10] =	ssyncadd.s32 $0xFFFFFF80  }
0xd0: {  	[spmem:s1] =	stream.indirect.scatter.add.f32 [tilespmem:s13], [sflag:$0x1], $0x1, s21, s12, $0xb8;
	[tilespmem:$0x2100] =	vst v63  }
0xd1: {  	_ =	swait.ge [sflag:s10], $0x80  }
0xd2: {  	[sflag:s10] =	ssyncset.done $0x0  }
0xd3: {  	[sflag:s10] =	ssyncadd.s32 $0xFFFFFF80  }
0xd4: {  	[spmem:s1] =	stream.indirect.scatter.add.f32 [tilespmem:s13], [sflag:$0x1], $0x1, s22, s12, $0xb8;
	[tilespmem:$0x2100] =	vst v63  }
0xd5: {  	_ =	swait.ge [sflag:s10], $0x80  }
0xd6: {  	[sflag:s10] =	ssyncset.done $0x0  }
0xd7: {  	[sflag:s10] =	ssyncadd.s32 $0xFFFFFF80  }
0xd8: {  	[spmem:s1] =	stream.indirect.scatter.add.f32 [tilespmem:s13], [sflag:$0x1], $0x1, s23, s12, $0xb8;
	[tilespmem:$0x2100] =	vst v63  }
0xd9: {  	_ =	swait.ge [sflag:s10], $0x80  }
0xda: {  	[sflag:s10] =	ssyncset.done $0x0  }
0xdb: {  	[sflag:s10] =	ssyncadd.s32 $0xFFFFFF80  }
0xdc: {  	[spmem:s1] =	stream.indirect.scatter.add.f32 [tilespmem:s13], [sflag:$0x1], $0x1, s24, s12, $0xb8;
	[tilespmem:$0x2100] =	vst v63  }
0xdd: {  	_ =	swait.ge [sflag:s10], $0x80  }
0xde: {  	[sflag:s10] =	ssyncset.done $0x0  }
0xdf: {  	[sflag:s10] =	ssyncadd.s32 $0xFFFFFF80  }
0xe0: {  	[spmem:s1] =	stream.indirect.scatter.add.f32 [tilespmem:s13], [sflag:$0x1], $0x1, s25, s12, $0xb8;
	[tilespmem:$0x2100] =	vst v63  }
0xe1: {  	_ =	swait.ge [sflag:s10], $0x80  }
0xe2: {  	[sflag:s10] =	ssyncset.done $0x0  }
0xe3: {  	[sflag:s10] =	ssyncadd.s32 $0xFFFFFF80  }
0xe4: {  	[spmem:s1] =	stream.indirect.scatter.add.f32 [tilespmem:s13], [sflag:$0x1], $0x1, s26, s12, $0xb8;
	[tilespmem:$0x2100] =	vst v63  }
0xe5: {  	_ =	swait.ge [sflag:s10], $0x80  }
0xe6: {  	[sflag:s10] =	ssyncset.done $0x0  }
0xe7: {  	[sflag:s10] =	ssyncadd.s32 $0xFFFFFF80  }
0xe8: {  	[spmem:s1] =	stream.indirect.scatter.add.f32 [tilespmem:s13], [sflag:$0x1], $0x1, s28, s12, $0xb8;
	[tilespmem:$0x2100] =	vst v63  }
0xe9: {  	_ =	swait.ge [sflag:s10], $0x80  }
0xea: {  	[sflag:s10] =	ssyncset.done $0x0  }
0xeb: {  	[sflag:s10] =	ssyncadd.s32 $0xFFFFFF80  }
0xec: {  	[spmem:s1] =	stream.indirect.scatter.add.f32 [tilespmem:s13], [sflag:$0x1], $0x1, s29, s12, $0xb8;
	[tilespmem:$0x2100] =	vst v63  }
0xed: {  	_ =	swait.ge [sflag:s10], $0x80  }
0xee: {  	s30 =	sadd.s32 $0x1, s30;
	[sflag:s10] =	ssyncset.done $0x0  }
0xef: {  	p0 =	sne.s32 s30, s7;
	[sflag:s10] =	ssyncadd.s32 $0xFFFFFF80  }
.Ltmp1:
0xf0: {  	[bflag:$0x0] =	sbarrier.arrive $0xFFFF;
	(pc) =	sbr.rel @p0 .LBB2_1-.Ltmp1, $4  }
0xf1: {  	[hbm:s6], [sflag:s5] =	dma.local [spmem:s9], $0x310  }
0xf2: {  	_ =	swait.ge [sflag:s10], $0x310  }
0xf3: {  	[sflag:s10] =	ssyncset.done $0x0  }
0xf4: {  	[sflag:s10] =	ssyncadd.s32 $0xFFFFFCF0  }
0xf5: {  	_ =	sfence.sel $0x180000  }
0xf6: {  	[bflag:$0x0] =	sbarrier.arrive $0xFFFF  }
0xf7: {  	_ =	strace $0x90000047  }
0xf8: {  	s0 =	stileid.u32;
	[bflag:$0x2] =	sbarrier.arrive $0xFFFF  }
0xf9: {  	p0 =	sne.s32 s0, $0x0;
	s0 =	rddreg [dreg:$0x4]  }
0xfa: {  	s0 =	sadd.s32 @!p0 $0x100000, s0  }
0xfb: {  	[sflag:s0] =	ssyncadd.tile.s32 @!p0 $0x1;
	_ =	shalt  }
.Lfunc_end2:
_tile_overlayer_lowered:
.L_overlay_start_2:
0xfc: {  	(tag) =	ssettag $0x2  }
0xfd: {  	s0 =	rddreg [dreg:$0x0];
	s2 =	stileid.u32  }
0xfe: {  	s1 =	rddreg [dreg:$0x1];
	p0 =	sne.s32 s2, $0x0  }
0xff: {  	s3 =	rddreg [dreg:$0x2];
	[bflag:$0x3] =	sbarrier.arrive $0xFFFF;
	s2 =	simm.s32 @!p0 $0x1C01  }
0x100: {  	[timem:s3], [sflag:s2] =	dma.local @!p0 [hbm:s0], s1  }
0x101: {  	s0 =	simm.s32 @!p0 $0x1  }
0x102: {  	_ =	swait.ge @!p0 [sflag:s0], s1  }
0x103: {  	s1 =	ssub.s32 @!p0 $0x0, s1;
	[sflag:s0] =	ssyncset.done @!p0 $0x0  }
0x104: {  	[sflag:s0] =	ssyncadd.s32 @!p0 s1  }
0x105: {  	[bflag:$0x3] =	sbarrier.arrive $0xFFFF  }
0x106: {  	_ =	shalt  }

</sc_bundles>
